<compile_context>
chip_gen: v7x
topology: tpu7x:2x2x1
jax: 0.10.2.dev20260603
libtpu: 0.0.44.dev20260713+nightly
codegen_flags: <defaults>
</compile_context>

<pallas_src>
import functools

import jax
import jax.numpy as jnp
from jax import lax
from jax.experimental import pallas as pl
from jax.experimental.pallas import tpu as pltpu
from jax.experimental.pallas import tpu_sc as plsc

_B = 1024
_M = 64
_D = 256

_NC = 2
_NS = 16
_NW = _NC * _NS

_CH = 128

_BB = 64
_NSPLIT = 4


def _sc_gather_body(wr_hbm, rid_hbm, zq_hbm, qrid_hbm, g_out, zq_out,
                    idx_v, rows_a, rows_b, zidx_v, zrows_v, sem_a, sem_b,
                    *, rows_per_w, nch, zb):
    wid = lax.axis_index("s") * _NC + lax.axis_index("c")
    base = wid * rows_per_w
    pltpu.sync_copy(rid_hbm.at[pl.ds(base, rows_per_w)], idx_v)
    bufs = (rows_a, rows_b)
    sems = (sem_a, sem_b)
    cps = []
    for c in range(nch):
        cps.append(pltpu.async_copy(
            wr_hbm.at[idx_v.at[pl.ds(c * _CH, _CH)]], bufs[c % 2], sems[c % 2]))
        if c > 0:
            cps[c - 1].wait()
            pltpu.sync_copy(bufs[(c - 1) % 2],
                            g_out.at[pl.ds(base + (c - 1) * _CH, _CH)])
    cps[nch - 1].wait()
    pltpu.sync_copy(bufs[(nch - 1) % 2],
                    g_out.at[pl.ds(base + (nch - 1) * _CH, _CH)])
    zbase = wid * zb
    pltpu.sync_copy(qrid_hbm.at[pl.ds(zbase, zb)], zidx_v)
    pltpu.async_copy(zq_hbm.at[zidx_v], zrows_v, sem_a).wait()
    pltpu.sync_copy(zrows_v, zq_out.at[pl.ds(zbase, zb)])


def _sc_gather(w_r_table, rid_flat, zq_table, qrid):
    nrows = rid_flat.shape[0]
    nz = qrid.shape[0]
    rows_per_w = nrows // _NW
    nch = rows_per_w // _CH
    zb = nz // _NW
    mesh = plsc.VectorSubcoreMesh(core_axis_name="c", subcore_axis_name="s")
    body = functools.partial(_sc_gather_body, rows_per_w=rows_per_w,
                             nch=nch, zb=zb)
    return pl.kernel(
        body,
        mesh=mesh,
        out_type=[
            jax.ShapeDtypeStruct((nrows, _D), jnp.float32),
            jax.ShapeDtypeStruct((nz, _D), jnp.float32),
        ],
        scratch_types=[
            pltpu.VMEM((rows_per_w,), jnp.int32),
            pltpu.VMEM((_CH, _D), jnp.float32),
            pltpu.VMEM((_CH, _D), jnp.float32),
            pltpu.VMEM((zb,), jnp.int32),
            pltpu.VMEM((zb, _D), jnp.float32),
            pltpu.SemaphoreType.DMA,
            pltpu.SemaphoreType.DMA,
        ],
    )(w_r_table, rid_flat, zq_table, qrid)


def _tc_body(e_ref, g_ref, zq_ref, rw_ref, wattn_ref, battn_ref, wua_ref,
             out_ref):
    bb, m, d = e_ref.shape
    e = e_ref[...].reshape(bb * m, d)
    g = g_ref[...].reshape(bb * m, d)
    s = jnp.sum(g * g, axis=1, keepdims=True)
    de = jnp.sum(e * g, axis=1, keepdims=True)
    c = de / jnp.maximum(s, 1e-24)
    etr = e - c * g
    w1 = wattn_ref[:, :d].astype(jnp.bfloat16)
    w2 = wattn_ref[:, d:].astype(jnp.bfloat16)
    zqw = lax.dot_general(zq_ref[...].astype(jnp.bfloat16), w1,
                          (((1,), (1,)), ((), ())),
                          preferred_element_type=jnp.float32)
    zqw = zqw + battn_ref[...]
    wa = lax.dot_general(etr.astype(jnp.bfloat16), w2,
                         (((1,), (1,)), ((), ())),
                         preferred_element_type=jnp.float32)
    t = jnp.tanh(wa.reshape(bb, m, 2 * d) + zqw[:, None, :])
    ua8 = jnp.broadcast_to(wua_ref[...].astype(jnp.bfloat16), (8, 2 * d))
    logits = lax.dot_general(t.reshape(bb * m, 2 * d).astype(jnp.bfloat16),
                             ua8, (((1,), (1,)), ((), ())),
                             preferred_element_type=jnp.float32)
    ex = jnp.exp(logits[:, :1])
    z = jnp.sum(ex.reshape(bb, m, 1), axis=1)
    inv_z = (1.0 / z).reshape(bb, 1, 1)
    attn = ex * jnp.broadcast_to(inv_z, (bb, m, 1)).reshape(bb * m, 1)
    attn = attn + rw_ref[...]
    out_ref[...] = jnp.sum((attn * etr).reshape(bb, m, d), axis=1)


def _tc_attention(e, g, zq_rows, rw, W_attn, b_attn2d, W_ua):
    nb = e.shape[0]
    grid = (nb // _BB,)
    return pl.pallas_call(
        _tc_body,
        grid=grid,
        in_specs=[
            pl.BlockSpec((_BB, _M, _D), lambda i: (i, 0, 0)),
            pl.BlockSpec((_BB, _M, _D), lambda i: (i, 0, 0)),
            pl.BlockSpec((_BB, _D), lambda i: (i, 0)),
            pl.BlockSpec((_BB * _M, 1), lambda i: (i, 0)),
            pl.BlockSpec((2 * _D, 2 * _D), lambda i: (0, 0)),
            pl.BlockSpec((1, 2 * _D), lambda i: (0, 0)),
            pl.BlockSpec((1, 2 * _D), lambda i: (0, 0)),
        ],
        out_specs=pl.BlockSpec((_BB, _D), lambda i: (i, 0)),
        out_shape=jax.ShapeDtypeStruct((nb, _D), jnp.float32),
    )(e, g, zq_rows, rw, W_attn, b_attn2d, W_ua)


@jax.jit
def _pipelined(batch_nei_rid, batch_nei_e_emb, batch_nei_rw, batch_q_rid,
               w_r_table, zq_table, W_attn, b_attn2d, W_ua):
    nb = _B // _NSPLIT
    outs = []
    for k in range(_NSPLIT):
        rid_k = lax.slice_in_dim(batch_nei_rid, k * nb, (k + 1) * nb)
        qrid_k = lax.slice_in_dim(batch_q_rid, k * nb, (k + 1) * nb)
        g_flat, zq_rows = _sc_gather(
            w_r_table, rid_k.reshape(nb * _M), zq_table, qrid_k)
        e_k = lax.slice_in_dim(batch_nei_e_emb, k * nb, (k + 1) * nb)
        rw_k = lax.slice_in_dim(batch_nei_rw, k * nb, (k + 1) * nb)
        outs.append(_tc_attention(
            e_k, g_flat.reshape(nb, _M, _D), zq_rows,
            rw_k.reshape(nb * _M, 1), W_attn, b_attn2d, W_ua))
    return jnp.concatenate(outs, axis=0)


def kernel(batch_nei_rid, batch_nei_e_emb, batch_nei_rw, batch_q_rid,
           w_r_table, zq_table, W_attn, b_attn, W_ua, b_ua):
    del b_ua
    return _pipelined(batch_nei_rid.astype(jnp.int32), batch_nei_e_emb,
                      batch_nei_rw, batch_q_rid.astype(jnp.int32),
                      w_r_table, zq_table, W_attn,
                      b_attn.reshape(1, 2 * _D), W_ua)

# --- scband reference (transcript-rebuilt; emitter-appended) ---
"""Pipeline reference for scband-encoder-attention-32521492365776 (READ-ONLY COPY).

The authoritative reference and input builder live on the scoring server;
editing this copy changes nothing except your own understanding.
"""

import jax, jax.numpy as jnp
import numpy as np

CNT_R = 500
DIM = 256
B = 1024
M = 64


def setup_inputs(seed: int = 0) -> dict:
    key = jax.random.key(seed)
    ks = jax.random.split(key, 8)
    batch_nei_rid = jax.random.randint(ks[0], (B, M), 0, 2 * CNT_R + 1)
    batch_nei_e_emb = jax.random.normal(ks[1], (B, M, DIM), dtype=jnp.float32)
    batch_nei_rw = jax.random.uniform(ks[2], (B, M), dtype=jnp.float32)
    batch_q_rid = jax.random.randint(ks[3], (B,), 0, 2 * CNT_R)
    w_r_table = jax.random.normal(ks[4], (2 * CNT_R + 1, DIM), dtype=jnp.float32) * 0.02
    zq_table = jax.random.normal(ks[5], (2 * CNT_R, DIM), dtype=jnp.float32) * 0.02
    W_attn = jax.random.normal(ks[6], (2 * DIM, 2 * DIM), dtype=jnp.float32) * 0.02
    b_attn = jnp.zeros((2 * DIM,), dtype=jnp.float32)
    W_ua = jax.random.normal(ks[7], (1, 2 * DIM), dtype=jnp.float32) * 0.02
    b_ua = jnp.zeros((1,), dtype=jnp.float32)
    return {
        "batch_nei_rid": batch_nei_rid,
        "batch_nei_e_emb": batch_nei_e_emb,
        "batch_nei_rw": batch_nei_rw,
        "batch_q_rid": batch_q_rid,
        "w_r_table": w_r_table,
        "zq_table": zq_table,
        "W_attn": W_attn,
        "b_attn": b_attn,
        "W_ua": W_ua,
        "b_ua": b_ua,
    }


def _projection(e, w_r):
    nrm = jnp.linalg.norm(w_r, axis=-1, keepdims=True)
    norm2w_r = w_r / jnp.maximum(nrm, 1e-12)
    return e - jnp.sum(e * norm2w_r, axis=-1, keepdims=True) * norm2w_r


def reference(batch_nei_rid, batch_nei_e_emb, batch_nei_rw, batch_q_rid,
              w_r_table, zq_table, W_attn, b_attn, W_ua, b_ua):
    # w_r = self.w_r(batch_nei_rid)
    w_r = jnp.take(w_r_table, batch_nei_rid, axis=0)  # [B, M, DIM]
    # projection onto hyperplane orthogonal to normalized w_r
    e_Tr = _projection(batch_nei_e_emb, w_r)  # [B, M, DIM]
    # attention: use_logic_attention=True and use_nn_attention=True
    max_neighbor = batch_nei_rid.shape[1]
    batch_nei_q_rid = jnp.tile(batch_q_rid[:, None], (1, max_neighbor))  # [B, M]
    batch_z_q = jnp.take(zq_table, batch_nei_q_rid, axis=0)  # [B, M, DIM]
    concat_emb = jnp.concatenate([batch_z_q, e_Tr], axis=-1)  # [B, M, 2*DIM]
    wa_concat = concat_emb @ W_attn.T + b_attn  # [B, M, 2*DIM]
    t = jnp.tanh(wa_concat)
    _alpha = (t @ W_ua.T + b_ua)[..., 0]  # [B, M]
    alpha = jax.nn.softmax(_alpha, axis=-1)
    attn = alpha + batch_nei_rw
    e_out = jnp.sum(attn[..., None] * e_Tr, axis=1)  # [B, DIM]
    return e_out

if __name__ == "__main__":
    import jax
    _d = setup_inputs()
    print(jax.jit(kernel)(*tuple(_d.values())))

</pallas_src>

<mosaic_0001>
#map = affine_map<(d0, d1) -> (0, 0)>
#map1 = affine_map<(d0, d1) -> (0)>
module attributes {stable_mosaic.version = 14 : i64} {
  func.func @_sc_gather_body(%arg0: i32, %arg1: i32, %arg2: memref<1001x256xf32, #tpu.memory_space<hbm>>, %arg3: memref<16384xi32, #tpu.memory_space<hbm>>, %arg4: memref<1000x256xf32, #tpu.memory_space<hbm>>, %arg5: memref<256xi32, #tpu.memory_space<hbm>>, %arg6: memref<16384x256xf32, #tpu.memory_space<hbm>>, %arg7: memref<256x256xf32, #tpu.memory_space<hbm>>, %arg8: memref<512xi32, #tpu.memory_space<vmem>>, %arg9: memref<128x256xf32, #tpu.memory_space<vmem>>, %arg10: memref<128x256xf32, #tpu.memory_space<vmem>>, %arg11: memref<8xi32, #tpu.memory_space<vmem>>, %arg12: memref<8x256xf32, #tpu.memory_space<vmem>>, %arg13: memref<!tpu.dma_semaphore, #tpu.memory_space<semaphore_mem>>, %arg14: memref<!tpu.dma_semaphore, #tpu.memory_space<semaphore_mem>>) attributes {dimension_semantics = [#tpu.dimension_semantics<core_parallel>, #tpu.dimension_semantics<subcore_parallel>], iteration_bounds = array<i64: 2, 16>, scalar_prefetch = 0 : i64, scratch_operands = 7 : i64, tpu.core_type = #tpu.core_type<sc_vector_subcore>, window_params = [{transform_indices = #map}, {transform_indices = #map1}, {transform_indices = #map}, {transform_indices = #map1}, {transform_indices = #map}, {transform_indices = #map}]} {
    %mul3A = arith.constant 2 : i32
    %mul3A_0 = arith.muli %arg1, %mul3A : i32
    %add3A = arith.addi %mul3A_0, %arg0 : i32
    %mul3A_1 = arith.constant 512 : i32
    %mul3A_2 = arith.muli %add3A, %mul3A_1 : i32
    "tpu.region"() ({
      %run_scoped3A = tpu.sem_alloc : memref<!tpu.dma_semaphore, #tpu.memory_space<semaphore_mem>>
      %dma_start3A_57 = tpu.memref_slice %arg3[%mul3A_2] : memref<16384xi32, #tpu.memory_space<hbm>> -> memref<512xi32, #tpu.memory_space<hbm>>
      %dma_start3A_58 = tpu.memref_slice %arg3[%mul3A_2] : memref<16384xi32, #tpu.memory_space<hbm>> -> memref<512xi32, #tpu.memory_space<hbm>>
      tpu.enqueue_dma source(%dma_start3A_58 : memref<512xi32, #tpu.memory_space<hbm>>) target(%arg8 : memref<512xi32, #tpu.memory_space<vmem>>) target_semaphore(%run_scoped3A : memref<!tpu.dma_semaphore, #tpu.memory_space<semaphore_mem>>)
      %dma_wait3A_59 = tpu.memref_slice %arg3[%mul3A_2] : memref<16384xi32, #tpu.memory_space<hbm>> -> memref<512xi32, #tpu.memory_space<hbm>>
      %dma_wait3A_60 = tpu.memref_slice %arg3[%mul3A_2] : memref<16384xi32, #tpu.memory_space<hbm>> -> memref<512xi32, #tpu.memory_space<hbm>>
      tpu.wait_dma2 semaphore(%run_scoped3A : memref<!tpu.dma_semaphore, #tpu.memory_space<semaphore_mem>>) src(%dma_wait3A_60 : memref<512xi32, #tpu.memory_space<hbm>>) dst(%arg8 : memref<512xi32, #tpu.memory_space<vmem>>)
      tpu.yield
    }) : () -> ()
    %dma_start3A = arith.constant 0 : i32
    %dma_start3A_3 = tpu.memref_slice %arg8[%dma_start3A] : memref<512xi32, #tpu.memory_space<vmem>> -> memref<128xi32, #tpu.memory_space<vmem>>
    %dma_start3A_4 = arith.constant 0 : i32
    %dma_start3A_5 = arith.constant 0 : i32
    %dma_start3A_6 = tpu.memref_slice %arg2[%dma_start3A_4, %dma_start3A_5] : memref<1001x256xf32, #tpu.memory_space<hbm>> -> memref<1001x256xf32, #tpu.memory_space<hbm>>
    tpu.enqueue_indirect_dma source(%dma_start3A_6 : memref<1001x256xf32, #tpu.memory_space<hbm>>) target(%arg9 : memref<128x256xf32, #tpu.memory_space<vmem>>) offsets(%dma_start3A_3 : memref<128xi32, #tpu.memory_space<vmem>>) semaphore(%arg13 : memref<!tpu.dma_semaphore, #tpu.memory_space<semaphore_mem>>)
    %dma_start3A_7 = arith.constant 128 : i32
    %dma_start3A_8 = tpu.memref_slice %arg8[%dma_start3A_7] : memref<512xi32, #tpu.memory_space<vmem>> -> memref<128xi32, #tpu.memory_space<vmem>>
    %dma_start3A_9 = arith.constant 0 : i32
    %dma_start3A_10 = arith.constant 0 : i32
    %dma_start3A_11 = tpu.memref_slice %arg2[%dma_start3A_9, %dma_start3A_10] : memref<1001x256xf32, #tpu.memory_space<hbm>> -> memref<1001x256xf32, #tpu.memory_space<hbm>>
    tpu.enqueue_indirect_dma source(%dma_start3A_11 : memref<1001x256xf32, #tpu.memory_space<hbm>>) target(%arg10 : memref<128x256xf32, #tpu.memory_space<vmem>>) offsets(%dma_start3A_8 : memref<128xi32, #tpu.memory_space<vmem>>) semaphore(%arg14 : memref<!tpu.dma_semaphore, #tpu.memory_space<semaphore_mem>>)
    %dma_wait3A = arith.constant 0 : i32
    %dma_wait3A_12 = tpu.memref_slice %arg8[%dma_wait3A] : memref<512xi32, #tpu.memory_space<vmem>> -> memref<128xi32, #tpu.memory_space<vmem>>
    %dma_wait3A_13 = arith.constant 0 : i32
    %dma_wait3A_14 = arith.constant 0 : i32
    %dma_wait3A_15 = tpu.memref_slice %arg2[%dma_wait3A_13, %dma_wait3A_14] : memref<1001x256xf32, #tpu.memory_space<hbm>> -> memref<1001x256xf32, #tpu.memory_space<hbm>>
    tpu.wait_indirect_dma semaphore(%arg13 : memref<!tpu.dma_semaphore, #tpu.memory_space<semaphore_mem>>) src(%dma_wait3A_15 : memref<1001x256xf32, #tpu.memory_space<hbm>>) dst(%arg9 : memref<128x256xf32, #tpu.memory_space<vmem>>)
    %add3A_16 = arith.constant 0 : i32
    %add3A_17 = arith.addi %mul3A_2, %add3A_16 : i32
    "tpu.region"() ({
      %run_scoped3A = tpu.sem_alloc : memref<!tpu.dma_semaphore, #tpu.memory_space<semaphore_mem>>
      %dma_start3A_57 = arith.constant 0 : i32
      %dma_start3A_58 = tpu.memref_slice %arg6[%add3A_17, %dma_start3A_57] : memref<16384x256xf32, #tpu.memory_space<hbm>> -> memref<128x256xf32, #tpu.memory_space<hbm>>
      %dma_start3A_59 = arith.constant 0 : i32
      %dma_start3A_60 = tpu.memref_slice %arg6[%add3A_17, %dma_start3A_59] : memref<16384x256xf32, #tpu.memory_space<hbm>> -> memref<128x256xf32, #tpu.memory_space<hbm>>
      tpu.enqueue_dma source(%arg9 : memref<128x256xf32, #tpu.memory_space<vmem>>) target(%dma_start3A_60 : memref<128x256xf32, #tpu.memory_space<hbm>>) target_semaphore(%run_scoped3A : memref<!tpu.dma_semaphore, #tpu.memory_space<semaphore_mem>>)
      %dma_wait3A_61 = arith.constant 0 : i32
      %dma_wait3A_62 = tpu.memref_slice %arg6[%add3A_17, %dma_wait3A_61] : memref<16384x256xf32, #tpu.memory_space<hbm>> -> memref<128x256xf32, #tpu.memory_space<hbm>>
      %dma_wait3A_63 = arith.constant 0 : i32
      %dma_wait3A_64 = tpu.memref_slice %arg6[%add3A_17, %dma_wait3A_63] : memref<16384x256xf32, #tpu.memory_space<hbm>> -> memref<128x256xf32, #tpu.memory_space<hbm>>
      tpu.wait_dma2 semaphore(%run_scoped3A : memref<!tpu.dma_semaphore, #tpu.memory_space<semaphore_mem>>) src(%arg9 : memref<128x256xf32, #tpu.memory_space<vmem>>) dst(%dma_wait3A_64 : memref<128x256xf32, #tpu.memory_space<hbm>>)
      tpu.yield
    }) : () -> ()
    %dma_start3A_18 = arith.constant 256 : i32
    %dma_start3A_19 = tpu.memref_slice %arg8[%dma_start3A_18] : memref<512xi32, #tpu.memory_space<vmem>> -> memref<128xi32, #tpu.memory_space<vmem>>
    %dma_start3A_20 = arith.constant 0 : i32
    %dma_start3A_21 = arith.constant 0 : i32
    %dma_start3A_22 = tpu.memref_slice %arg2[%dma_start3A_20, %dma_start3A_21] : memref<1001x256xf32, #tpu.memory_space<hbm>> -> memref<1001x256xf32, #tpu.memory_space<hbm>>
    tpu.enqueue_indirect_dma source(%dma_start3A_22 : memref<1001x256xf32, #tpu.memory_space<hbm>>) target(%arg9 : memref<128x256xf32, #tpu.memory_space<vmem>>) offsets(%dma_start3A_19 : memref<128xi32, #tpu.memory_space<vmem>>) semaphore(%arg13 : memref<!tpu.dma_semaphore, #tpu.memory_space<semaphore_mem>>)
    %dma_wait3A_23 = arith.constant 128 : i32
    %dma_wait3A_24 = tpu.memref_slice %arg8[%dma_wait3A_23] : memref<512xi32, #tpu.memory_space<vmem>> -> memref<128xi32, #tpu.memory_space<vmem>>
    %dma_wait3A_25 = arith.constant 0 : i32
    %dma_wait3A_26 = arith.constant 0 : i32
    %dma_wait3A_27 = tpu.memref_slice %arg2[%dma_wait3A_25, %dma_wait3A_26] : memref<1001x256xf32, #tpu.memory_space<hbm>> -> memref<1001x256xf32, #tpu.memory_space<hbm>>
    tpu.wait_indirect_dma semaphore(%arg14 : memref<!tpu.dma_semaphore, #tpu.memory_space<semaphore_mem>>) src(%dma_wait3A_27 : memref<1001x256xf32, #tpu.memory_space<hbm>>) dst(%arg10 : memref<128x256xf32, #tpu.memory_space<vmem>>)
    %add3A_28 = arith.constant 128 : i32
    %add3A_29 = arith.addi %mul3A_2, %add3A_28 : i32
    "tpu.region"() ({
      %run_scoped3A = tpu.sem_alloc : memref<!tpu.dma_semaphore, #tpu.memory_space<semaphore_mem>>
      %dma_start3A_57 = arith.constant 0 : i32
      %dma_start3A_58 = tpu.memref_slice %arg6[%add3A_29, %dma_start3A_57] : memref<16384x256xf32, #tpu.memory_space<hbm>> -> memref<128x256xf32, #tpu.memory_space<hbm>>
      %dma_start3A_59 = arith.constant 0 : i32
      %dma_start3A_60 = tpu.memref_slice %arg6[%add3A_29, %dma_start3A_59] : memref<16384x256xf32, #tpu.memory_space<hbm>> -> memref<128x256xf32, #tpu.memory_space<hbm>>
      tpu.enqueue_dma source(%arg10 : memref<128x256xf32, #tpu.memory_space<vmem>>) target(%dma_start3A_60 : memref<128x256xf32, #tpu.memory_space<hbm>>) target_semaphore(%run_scoped3A : memref<!tpu.dma_semaphore, #tpu.memory_space<semaphore_mem>>)
      %dma_wait3A_61 = arith.constant 0 : i32
      %dma_wait3A_62 = tpu.memref_slice %arg6[%add3A_29, %dma_wait3A_61] : memref<16384x256xf32, #tpu.memory_space<hbm>> -> memref<128x256xf32, #tpu.memory_space<hbm>>
      %dma_wait3A_63 = arith.constant 0 : i32
      %dma_wait3A_64 = tpu.memref_slice %arg6[%add3A_29, %dma_wait3A_63] : memref<16384x256xf32, #tpu.memory_space<hbm>> -> memref<128x256xf32, #tpu.memory_space<hbm>>
      tpu.wait_dma2 semaphore(%run_scoped3A : memref<!tpu.dma_semaphore, #tpu.memory_space<semaphore_mem>>) src(%arg10 : memref<128x256xf32, #tpu.memory_space<vmem>>) dst(%dma_wait3A_64 : memref<128x256xf32, #tpu.memory_space<hbm>>)
      tpu.yield
    }) : () -> ()
    %dma_start3A_30 = arith.constant 384 : i32
    %dma_start3A_31 = tpu.memref_slice %arg8[%dma_start3A_30] : memref<512xi32, #tpu.memory_space<vmem>> -> memref<128xi32, #tpu.memory_space<vmem>>
    %dma_start3A_32 = arith.constant 0 : i32
    %dma_start3A_33 = arith.constant 0 : i32
    %dma_start3A_34 = tpu.memref_slice %arg2[%dma_start3A_32, %dma_start3A_33] : memref<1001x256xf32, #tpu.memory_space<hbm>> -> memref<1001x256xf32, #tpu.memory_space<hbm>>
    tpu.enqueue_indirect_dma source(%dma_start3A_34 : memref<1001x256xf32, #tpu.memory_space<hbm>>) target(%arg10 : memref<128x256xf32, #tpu.memory_space<vmem>>) offsets(%dma_start3A_31 : memref<128xi32, #tpu.memory_space<vmem>>) semaphore(%arg14 : memref<!tpu.dma_semaphore, #tpu.memory_space<semaphore_mem>>)
    %dma_wait3A_35 = arith.constant 256 : i32
    %dma_wait3A_36 = tpu.memref_slice %arg8[%dma_wait3A_35] : memref<512xi32, #tpu.memory_space<vmem>> -> memref<128xi32, #tpu.memory_space<vmem>>
    %dma_wait3A_37 = arith.constant 0 : i32
    %dma_wait3A_38 = arith.constant 0 : i32
    %dma_wait3A_39 = tpu.memref_slice %arg2[%dma_wait3A_37, %dma_wait3A_38] : memref<1001x256xf32, #tpu.memory_space<hbm>> -> memref<1001x256xf32, #tpu.memory_space<hbm>>
    tpu.wait_indirect_dma semaphore(%arg13 : memref<!tpu.dma_semaphore, #tpu.memory_space<semaphore_mem>>) src(%dma_wait3A_39 : memref<1001x256xf32, #tpu.memory_space<hbm>>) dst(%arg9 : memref<128x256xf32, #tpu.memory_space<vmem>>)
    %add3A_40 = arith.constant 256 : i32
    %add3A_41 = arith.addi %mul3A_2, %add3A_40 : i32
    "tpu.region"() ({
      %run_scoped3A = tpu.sem_alloc : memref<!tpu.dma_semaphore, #tpu.memory_space<semaphore_mem>>
      %dma_start3A_57 = arith.constant 0 : i32
      %dma_start3A_58 = tpu.memref_slice %arg6[%add3A_41, %dma_start3A_57] : memref<16384x256xf32, #tpu.memory_space<hbm>> -> memref<128x256xf32, #tpu.memory_space<hbm>>
      %dma_start3A_59 = arith.constant 0 : i32
      %dma_start3A_60 = tpu.memref_slice %arg6[%add3A_41, %dma_start3A_59] : memref<16384x256xf32, #tpu.memory_space<hbm>> -> memref<128x256xf32, #tpu.memory_space<hbm>>
      tpu.enqueue_dma source(%arg9 : memref<128x256xf32, #tpu.memory_space<vmem>>) target(%dma_start3A_60 : memref<128x256xf32, #tpu.memory_space<hbm>>) target_semaphore(%run_scoped3A : memref<!tpu.dma_semaphore, #tpu.memory_space<semaphore_mem>>)
      %dma_wait3A_61 = arith.constant 0 : i32
      %dma_wait3A_62 = tpu.memref_slice %arg6[%add3A_41, %dma_wait3A_61] : memref<16384x256xf32, #tpu.memory_space<hbm>> -> memref<128x256xf32, #tpu.memory_space<hbm>>
      %dma_wait3A_63 = arith.constant 0 : i32
      %dma_wait3A_64 = tpu.memref_slice %arg6[%add3A_41, %dma_wait3A_63] : memref<16384x256xf32, #tpu.memory_space<hbm>> -> memref<128x256xf32, #tpu.memory_space<hbm>>
      tpu.wait_dma2 semaphore(%run_scoped3A : memref<!tpu.dma_semaphore, #tpu.memory_space<semaphore_mem>>) src(%arg9 : memref<128x256xf32, #tpu.memory_space<vmem>>) dst(%dma_wait3A_64 : memref<128x256xf32, #tpu.memory_space<hbm>>)
      tpu.yield
    }) : () -> ()
    %dma_wait3A_42 = arith.constant 384 : i32
    %dma_wait3A_43 = tpu.memref_slice %arg8[%dma_wait3A_42] : memref<512xi32, #tpu.memory_space<vmem>> -> memref<128xi32, #tpu.memory_space<vmem>>
    %dma_wait3A_44 = arith.constant 0 : i32
    %dma_wait3A_45 = arith.constant 0 : i32
    %dma_wait3A_46 = tpu.memref_slice %arg2[%dma_wait3A_44, %dma_wait3A_45] : memref<1001x256xf32, #tpu.memory_space<hbm>> -> memref<1001x256xf32, #tpu.memory_space<hbm>>
    tpu.wait_indirect_dma semaphore(%arg14 : memref<!tpu.dma_semaphore, #tpu.memory_space<semaphore_mem>>) src(%dma_wait3A_46 : memref<1001x256xf32, #tpu.memory_space<hbm>>) dst(%arg10 : memref<128x256xf32, #tpu.memory_space<vmem>>)
    %add3A_47 = arith.constant 384 : i32
    %add3A_48 = arith.addi %mul3A_2, %add3A_47 : i32
    "tpu.region"() ({
      %run_scoped3A = tpu.sem_alloc : memref<!tpu.dma_semaphore, #tpu.memory_space<semaphore_mem>>
      %dma_start3A_57 = arith.constant 0 : i32
      %dma_start3A_58 = tpu.memref_slice %arg6[%add3A_48, %dma_start3A_57] : memref<16384x256xf32, #tpu.memory_space<hbm>> -> memref<128x256xf32, #tpu.memory_space<hbm>>
      %dma_start3A_59 = arith.constant 0 : i32
      %dma_start3A_60 = tpu.memref_slice %arg6[%add3A_48, %dma_start3A_59] : memref<16384x256xf32, #tpu.memory_space<hbm>> -> memref<128x256xf32, #tpu.memory_space<hbm>>
      tpu.enqueue_dma source(%arg10 : memref<128x256xf32, #tpu.memory_space<vmem>>) target(%dma_start3A_60 : memref<128x256xf32, #tpu.memory_space<hbm>>) target_semaphore(%run_scoped3A : memref<!tpu.dma_semaphore, #tpu.memory_space<semaphore_mem>>)
      %dma_wait3A_61 = arith.constant 0 : i32
      %dma_wait3A_62 = tpu.memref_slice %arg6[%add3A_48, %dma_wait3A_61] : memref<16384x256xf32, #tpu.memory_space<hbm>> -> memref<128x256xf32, #tpu.memory_space<hbm>>
      %dma_wait3A_63 = arith.constant 0 : i32
      %dma_wait3A_64 = tpu.memref_slice %arg6[%add3A_48, %dma_wait3A_63] : memref<16384x256xf32, #tpu.memory_space<hbm>> -> memref<128x256xf32, #tpu.memory_space<hbm>>
      tpu.wait_dma2 semaphore(%run_scoped3A : memref<!tpu.dma_semaphore, #tpu.memory_space<semaphore_mem>>) src(%arg10 : memref<128x256xf32, #tpu.memory_space<vmem>>) dst(%dma_wait3A_64 : memref<128x256xf32, #tpu.memory_space<hbm>>)
      tpu.yield
    }) : () -> ()
    %mul3A_49 = arith.constant 8 : i32
    %mul3A_50 = arith.muli %add3A, %mul3A_49 : i32
    "tpu.region"() ({
      %run_scoped3A = tpu.sem_alloc : memref<!tpu.dma_semaphore, #tpu.memory_space<semaphore_mem>>
      %dma_start3A_57 = tpu.memref_slice %arg5[%mul3A_50] : memref<256xi32, #tpu.memory_space<hbm>> -> memref<8xi32, #tpu.memory_space<hbm>>
      %dma_start3A_58 = tpu.memref_slice %arg5[%mul3A_50] : memref<256xi32, #tpu.memory_space<hbm>> -> memref<8xi32, #tpu.memory_space<hbm>>
      tpu.enqueue_dma source(%dma_start3A_58 : memref<8xi32, #tpu.memory_space<hbm>>) target(%arg11 : memref<8xi32, #tpu.memory_space<vmem>>) target_semaphore(%run_scoped3A : memref<!tpu.dma_semaphore, #tpu.memory_space<semaphore_mem>>)
      %dma_wait3A_59 = tpu.memref_slice %arg5[%mul3A_50] : memref<256xi32, #tpu.memory_space<hbm>> -> memref<8xi32, #tpu.memory_space<hbm>>
      %dma_wait3A_60 = tpu.memref_slice %arg5[%mul3A_50] : memref<256xi32, #tpu.memory_space<hbm>> -> memref<8xi32, #tpu.memory_space<hbm>>
      tpu.wait_dma2 semaphore(%run_scoped3A : memref<!tpu.dma_semaphore, #tpu.memory_space<semaphore_mem>>) src(%dma_wait3A_60 : memref<8xi32, #tpu.memory_space<hbm>>) dst(%arg11 : memref<8xi32, #tpu.memory_space<vmem>>)
      tpu.yield
    }) : () -> ()
    %dma_start3A_51 = arith.constant 0 : i32
    %dma_start3A_52 = arith.constant 0 : i32
    %dma_start3A_53 = tpu.memref_slice %arg4[%dma_start3A_51, %dma_start3A_52] : memref<1000x256xf32, #tpu.memory_space<hbm>> -> memref<1000x256xf32, #tpu.memory_space<hbm>>
    tpu.enqueue_indirect_dma source(%dma_start3A_53 : memref<1000x256xf32, #tpu.memory_space<hbm>>) target(%arg12 : memref<8x256xf32, #tpu.memory_space<vmem>>) offsets(%arg11 : memref<8xi32, #tpu.memory_space<vmem>>) semaphore(%arg13 : memref<!tpu.dma_semaphore, #tpu.memory_space<semaphore_mem>>)
    %dma_wait3A_54 = arith.constant 0 : i32
    %dma_wait3A_55 = arith.constant 0 : i32
    %dma_wait3A_56 = tpu.memref_slice %arg4[%dma_wait3A_54, %dma_wait3A_55] : memref<1000x256xf32, #tpu.memory_space<hbm>> -> memref<1000x256xf32, #tpu.memory_space<hbm>>
    tpu.wait_indirect_dma semaphore(%arg13 : memref<!tpu.dma_semaphore, #tpu.memory_space<semaphore_mem>>) src(%dma_wait3A_56 : memref<1000x256xf32, #tpu.memory_space<hbm>>) dst(%arg12 : memref<8x256xf32, #tpu.memory_space<vmem>>)
    "tpu.region"() ({
      %run_scoped3A = tpu.sem_alloc : memref<!tpu.dma_semaphore, #tpu.memory_space<semaphore_mem>>
      %dma_start3A_57 = arith.constant 0 : i32
      %dma_start3A_58 = tpu.memref_slice %arg7[%mul3A_50, %dma_start3A_57] : memref<256x256xf32, #tpu.memory_space<hbm>> -> memref<8x256xf32, #tpu.memory_space<hbm>>
      %dma_start3A_59 = arith.constant 0 : i32
      %dma_start3A_60 = tpu.memref_slice %arg7[%mul3A_50, %dma_start3A_59] : memref<256x256xf32, #tpu.memory_space<hbm>> -> memref<8x256xf32, #tpu.memory_space<hbm>>
      tpu.enqueue_dma source(%arg12 : memref<8x256xf32, #tpu.memory_space<vmem>>) target(%dma_start3A_60 : memref<8x256xf32, #tpu.memory_space<hbm>>) target_semaphore(%run_scoped3A : memref<!tpu.dma_semaphore, #tpu.memory_space<semaphore_mem>>)
      %dma_wait3A_61 = arith.constant 0 : i32
      %dma_wait3A_62 = tpu.memref_slice %arg7[%mul3A_50, %dma_wait3A_61] : memref<256x256xf32, #tpu.memory_space<hbm>> -> memref<8x256xf32, #tpu.memory_space<hbm>>
      %dma_wait3A_63 = arith.constant 0 : i32
      %dma_wait3A_64 = tpu.memref_slice %arg7[%mul3A_50, %dma_wait3A_63] : memref<256x256xf32, #tpu.memory_space<hbm>> -> memref<8x256xf32, #tpu.memory_space<hbm>>
      tpu.wait_dma2 semaphore(%run_scoped3A : memref<!tpu.dma_semaphore, #tpu.memory_space<semaphore_mem>>) src(%arg12 : memref<8x256xf32, #tpu.memory_space<vmem>>) dst(%dma_wait3A_64 : memref<8x256xf32, #tpu.memory_space<hbm>>)
      tpu.yield
    }) : () -> ()
    return
  }
}

#map = affine_map<(d0, d1) -> (0, 0)>
#map1 = affine_map<(d0, d1) -> (0)>
module attributes {stable_mosaic.version = 14 : i64} {
  func.func @_sc_gather_body(%arg0: i32, %arg1: i32, %arg2: memref<1001x256xf32, #tpu.memory_space<hbm>>, %arg3: memref<16384xi32, #tpu.memory_space<hbm>>, %arg4: memref<1000x256xf32, #tpu.memory_space<hbm>>, %arg5: memref<256xi32, #tpu.memory_space<hbm>>, %arg6: memref<16384x256xf32, #tpu.memory_space<hbm>>, %arg7: memref<256x256xf32, #tpu.memory_space<hbm>>, %arg8: memref<512xi32, #tpu.memory_space<vmem>>, %arg9: memref<128x256xf32, #tpu.memory_space<vmem>>, %arg10: memref<128x256xf32, #tpu.memory_space<vmem>>, %arg11: memref<8xi32, #tpu.memory_space<vmem>>, %arg12: memref<8x256xf32, #tpu.memory_space<vmem>>, %arg13: memref<!tpu.dma_semaphore, #tpu.memory_space<semaphore_mem>>, %arg14: memref<!tpu.dma_semaphore, #tpu.memory_space<semaphore_mem>>) attributes {dimension_semantics = [#tpu.dimension_semantics<core_parallel>, #tpu.dimension_semantics<subcore_parallel>], iteration_bounds = array<i64: 2, 16>, scalar_prefetch = 0 : i64, scratch_operands = 7 : i64, tpu.core_type = #tpu.core_type<sc_vector_subcore>, window_params = [{transform_indices = #map}, {transform_indices = #map1}, {transform_indices = #map}, {transform_indices = #map1}, {transform_indices = #map}, {transform_indices = #map}]} {
    %mul3A = arith.constant 2 : i32
    %mul3A_0 = arith.muli %arg1, %mul3A : i32
    %add3A = arith.addi %mul3A_0, %arg0 : i32
    %mul3A_1 = arith.constant 512 : i32
    %mul3A_2 = arith.muli %add3A, %mul3A_1 : i32
    "tpu.region"() ({
      %run_scoped3A = tpu.sem_alloc : memref<!tpu.dma_semaphore, #tpu.memory_space<semaphore_mem>>
      %dma_start3A_57 = tpu.memref_slice %arg3[%mul3A_2] : memref<16384xi32, #tpu.memory_space<hbm>> -> memref<512xi32, #tpu.memory_space<hbm>>
      %dma_start3A_58 = tpu.memref_slice %arg3[%mul3A_2] : memref<16384xi32, #tpu.memory_space<hbm>> -> memref<512xi32, #tpu.memory_space<hbm>>
      tpu.enqueue_dma source(%dma_start3A_58 : memref<512xi32, #tpu.memory_space<hbm>>) target(%arg8 : memref<512xi32, #tpu.memory_space<vmem>>) target_semaphore(%run_scoped3A : memref<!tpu.dma_semaphore, #tpu.memory_space<semaphore_mem>>)
      %dma_wait3A_59 = tpu.memref_slice %arg3[%mul3A_2] : memref<16384xi32, #tpu.memory_space<hbm>> -> memref<512xi32, #tpu.memory_space<hbm>>
      %dma_wait3A_60 = tpu.memref_slice %arg3[%mul3A_2] : memref<16384xi32, #tpu.memory_space<hbm>> -> memref<512xi32, #tpu.memory_space<hbm>>
      tpu.wait_dma2 semaphore(%run_scoped3A : memref<!tpu.dma_semaphore, #tpu.memory_space<semaphore_mem>>) src(%dma_wait3A_60 : memref<512xi32, #tpu.memory_space<hbm>>) dst(%arg8 : memref<512xi32, #tpu.memory_space<vmem>>)
      tpu.yield
    }) : () -> ()
    %dma_start3A = arith.constant 0 : i32
    %dma_start3A_3 = tpu.memref_slice %arg8[%dma_start3A] : memref<512xi32, #tpu.memory_space<vmem>> -> memref<128xi32, #tpu.memory_space<vmem>>
    %dma_start3A_4 = arith.constant 0 : i32
    %dma_start3A_5 = arith.constant 0 : i32
    %dma_start3A_6 = tpu.memref_slice %arg2[%dma_start3A_4, %dma_start3A_5] : memref<1001x256xf32, #tpu.memory_space<hbm>> -> memref<1001x256xf32, #tpu.memory_space<hbm>>
    tpu.enqueue_indirect_dma source(%dma_start3A_6 : memref<1001x256xf32, #tpu.memory_space<hbm>>) target(%arg9 : memref<128x256xf32, #tpu.memory_space<vmem>>) offsets(%dma_start3A_3 : memref<128xi32, #tpu.memory_space<vmem>>) semaphore(%arg13 : memref<!tpu.dma_semaphore, #tpu.memory_space<semaphore_mem>>)
    %dma_start3A_7 = arith.constant 128 : i32
    %dma_start3A_8 = tpu.memref_slice %arg8[%dma_start3A_7] : memref<512xi32, #tpu.memory_space<vmem>> -> memref<128xi32, #tpu.memory_space<vmem>>
    %dma_start3A_9 = arith.constant 0 : i32
    %dma_start3A_10 = arith.constant 0 : i32
    %dma_start3A_11 = tpu.memref_slice %arg2[%dma_start3A_9, %dma_start3A_10] : memref<1001x256xf32, #tpu.memory_space<hbm>> -> memref<1001x256xf32, #tpu.memory_space<hbm>>
    tpu.enqueue_indirect_dma source(%dma_start3A_11 : memref<1001x256xf32, #tpu.memory_space<hbm>>) target(%arg10 : memref<128x256xf32, #tpu.memory_space<vmem>>) offsets(%dma_start3A_8 : memref<128xi32, #tpu.memory_space<vmem>>) semaphore(%arg14 : memref<!tpu.dma_semaphore, #tpu.memory_space<semaphore_mem>>)
    %dma_wait3A = arith.constant 0 : i32
    %dma_wait3A_12 = tpu.memref_slice %arg8[%dma_wait3A] : memref<512xi32, #tpu.memory_space<vmem>> -> memref<128xi32, #tpu.memory_space<vmem>>
    %dma_wait3A_13 = arith.constant 0 : i32
    %dma_wait3A_14 = arith.constant 0 : i32
    %dma_wait3A_15 = tpu.memref_slice %arg2[%dma_wait3A_13, %dma_wait3A_14] : memref<1001x256xf32, #tpu.memory_space<hbm>> -> memref<1001x256xf32, #tpu.memory_space<hbm>>
    tpu.wait_indirect_dma semaphore(%arg13 : memref<!tpu.dma_semaphore, #tpu.memory_space<semaphore_mem>>) src(%dma_wait3A_15 : memref<1001x256xf32, #tpu.memory_space<hbm>>) dst(%arg9 : memref<128x256xf32, #tpu.memory_space<vmem>>)
    %add3A_16 = arith.constant 0 : i32
    %add3A_17 = arith.addi %mul3A_2, %add3A_16 : i32
    "tpu.region"() ({
      %run_scoped3A = tpu.sem_alloc : memref<!tpu.dma_semaphore, #tpu.memory_space<semaphore_mem>>
      %dma_start3A_57 = arith.constant 0 : i32
      %dma_start3A_58 = tpu.memref_slice %arg6[%add3A_17, %dma_start3A_57] : memref<16384x256xf32, #tpu.memory_space<hbm>> -> memref<128x256xf32, #tpu.memory_space<hbm>>
      %dma_start3A_59 = arith.constant 0 : i32
      %dma_start3A_60 = tpu.memref_slice %arg6[%add3A_17, %dma_start3A_59] : memref<16384x256xf32, #tpu.memory_space<hbm>> -> memref<128x256xf32, #tpu.memory_space<hbm>>
      tpu.enqueue_dma source(%arg9 : memref<128x256xf32, #tpu.memory_space<vmem>>) target(%dma_start3A_60 : memref<128x256xf32, #tpu.memory_space<hbm>>) target_semaphore(%run_scoped3A : memref<!tpu.dma_semaphore, #tpu.memory_space<semaphore_mem>>)
      %dma_wait3A_61 = arith.constant 0 : i32
      %dma_wait3A_62 = tpu.memref_slice %arg6[%add3A_17, %dma_wait3A_61] : memref<16384x256xf32, #tpu.memory_space<hbm>> -> memref<128x256xf32, #tpu.memory_space<hbm>>
      %dma_wait3A_63 = arith.constant 0 : i32
      %dma_wait3A_64 = tpu.memref_slice %arg6[%add3A_17, %dma_wait3A_63] : memref<16384x256xf32, #tpu.memory_space<hbm>> -> memref<128x256xf32, #tpu.memory_space<hbm>>
      tpu.wait_dma2 semaphore(%run_scoped3A : memref<!tpu.dma_semaphore, #tpu.memory_space<semaphore_mem>>) src(%arg9 : memref<128x256xf32, #tpu.memory_space<vmem>>) dst(%dma_wait3A_64 : memref<128x256xf32, #tpu.memory_space<hbm>>)
      tpu.yield
    }) : () -> ()
    %dma_start3A_18 = arith.constant 256 : i32
    %dma_start3A_19 = tpu.memref_slice %arg8[%dma_start3A_18] : memref<512xi32, #tpu.memory_space<vmem>> -> memref<128xi32, #tpu.memory_space<vmem>>
    %dma_start3A_20 = arith.constant 0 : i32
    %dma_start3A_21 = arith.constant 0 : i32
    %dma_start3A_22 = tpu.memref_slice %arg2[%dma_start3A_20, %dma_start3A_21] : memref<1001x256xf32, #tpu.memory_space<hbm>> -> memref<1001x256xf32, #tpu.memory_space<hbm>>
    tpu.enqueue_indirect_dma source(%dma_start3A_22 : memref<1001x256xf32, #tpu.memory_space<hbm>>) target(%arg9 : memref<128x256xf32, #tpu.memory_space<vmem>>) offsets(%dma_start3A_19 : memref<128xi32, #tpu.memory_space<vmem>>) semaphore(%arg13 : memref<!tpu.dma_semaphore, #tpu.memory_space<semaphore_mem>>)
    %dma_wait3A_23 = arith.constant 128 : i32
    %dma_wait3A_24 = tpu.memref_slice %arg8[%dma_wait3A_23] : memref<512xi32, #tpu.memory_space<vmem>> -> memref<128xi32, #tpu.memory_space<vmem>>
    %dma_wait3A_25 = arith.constant 0 : i32
    %dma_wait3A_26 = arith.constant 0 : i32
    %dma_wait3A_27 = tpu.memref_slice %arg2[%dma_wait3A_25, %dma_wait3A_26] : memref<1001x256xf32, #tpu.memory_space<hbm>> -> memref<1001x256xf32, #tpu.memory_space<hbm>>
    tpu.wait_indirect_dma semaphore(%arg14 : memref<!tpu.dma_semaphore, #tpu.memory_space<semaphore_mem>>) src(%dma_wait3A_27 : memref<1001x256xf32, #tpu.memory_space<hbm>>) dst(%arg10 : memref<128x256xf32, #tpu.memory_space<vmem>>)
    %add3A_28 = arith.constant 128 : i32
    %add3A_29 = arith.addi %mul3A_2, %add3A_28 : i32
    "tpu.region"() ({
      %run_scoped3A = tpu.sem_alloc : memref<!tpu.dma_semaphore, #tpu.memory_space<semaphore_mem>>
      %dma_start3A_57 = arith.constant 0 : i32
      %dma_start3A_58 = tpu.memref_slice %arg6[%add3A_29, %dma_start3A_57] : memref<16384x256xf32, #tpu.memory_space<hbm>> -> memref<128x256xf32, #tpu.memory_space<hbm>>
      %dma_start3A_59 = arith.constant 0 : i32
      %dma_start3A_60 = tpu.memref_slice %arg6[%add3A_29, %dma_start3A_59] : memref<16384x256xf32, #tpu.memory_space<hbm>> -> memref<128x256xf32, #tpu.memory_space<hbm>>
      tpu.enqueue_dma source(%arg10 : memref<128x256xf32, #tpu.memory_space<vmem>>) target(%dma_start3A_60 : memref<128x256xf32, #tpu.memory_space<hbm>>) target_semaphore(%run_scoped3A : memref<!tpu.dma_semaphore, #tpu.memory_space<semaphore_mem>>)
      %dma_wait3A_61 = arith.constant 0 : i32
      %dma_wait3A_62 = tpu.memref_slice %arg6[%add3A_29, %dma_wait3A_61] : memref<16384x256xf32, #tpu.memory_space<hbm>> -> memref<128x256xf32, #tpu.memory_space<hbm>>
      %dma_wait3A_63 = arith.constant 0 : i32
      %dma_wait3A_64 = tpu.memref_slice %arg6[%add3A_29, %dma_wait3A_63] : memref<16384x256xf32, #tpu.memory_space<hbm>> -> memref<128x256xf32, #tpu.memory_space<hbm>>
      tpu.wait_dma2 semaphore(%run_scoped3A : memref<!tpu.dma_semaphore, #tpu.memory_space<semaphore_mem>>) src(%arg10 : memref<128x256xf32, #tpu.memory_space<vmem>>) dst(%dma_wait3A_64 : memref<128x256xf32, #tpu.memory_space<hbm>>)
      tpu.yield
    }) : () -> ()
    %dma_start3A_30 = arith.constant 384 : i32
    %dma_start3A_31 = tpu.memref_slice %arg8[%dma_start3A_30] : memref<512xi32, #tpu.memory_space<vmem>> -> memref<128xi32, #tpu.memory_space<vmem>>
    %dma_start3A_32 = arith.constant 0 : i32
    %dma_start3A_33 = arith.constant 0 : i32
    %dma_start3A_34 = tpu.memref_slice %arg2[%dma_start3A_32, %dma_start3A_33] : memref<1001x256xf32, #tpu.memory_space<hbm>> -> memref<1001x256xf32, #tpu.memory_space<hbm>>
    tpu.enqueue_indirect_dma source(%dma_start3A_34 : memref<1001x256xf32, #tpu.memory_space<hbm>>) target(%arg10 : memref<128x256xf32, #tpu.memory_space<vmem>>) offsets(%dma_start3A_31 : memref<128xi32, #tpu.memory_space<vmem>>) semaphore(%arg14 : memref<!tpu.dma_semaphore, #tpu.memory_space<semaphore_mem>>)
    %dma_wait3A_35 = arith.constant 256 : i32
    %dma_wait3A_36 = tpu.memref_slice %arg8[%dma_wait3A_35] : memref<512xi32, #tpu.memory_space<vmem>> -> memref<128xi32, #tpu.memory_space<vmem>>
    %dma_wait3A_37 = arith.constant 0 : i32
    %dma_wait3A_38 = arith.constant 0 : i32
    %dma_wait3A_39 = tpu.memref_slice %arg2[%dma_wait3A_37, %dma_wait3A_38] : memref<1001x256xf32, #tpu.memory_space<hbm>> -> memref<1001x256xf32, #tpu.memory_space<hbm>>
    tpu.wait_indirect_dma semaphore(%arg13 : memref<!tpu.dma_semaphore, #tpu.memory_space<semaphore_mem>>) src(%dma_wait3A_39 : memref<1001x256xf32, #tpu.memory_space<hbm>>) dst(%arg9 : memref<128x256xf32, #tpu.memory_space<vmem>>)
    %add3A_40 = arith.constant 256 : i32
    %add3A_41 = arith.addi %mul3A_2, %add3A_40 : i32
    "tpu.region"() ({
      %run_scoped3A = tpu.sem_alloc : memref<!tpu.dma_semaphore, #tpu.memory_space<semaphore_mem>>
      %dma_start3A_57 = arith.constant 0 : i32
      %dma_start3A_58 = tpu.memref_slice %arg6[%add3A_41, %dma_start3A_57] : memref<16384x256xf32, #tpu.memory_space<hbm>> -> memref<128x256xf32, #tpu.memory_space<hbm>>
      %dma_start3A_59 = arith.constant 0 : i32
      %dma_start3A_60 = tpu.memref_slice %arg6[%add3A_41, %dma_start3A_59] : memref<16384x256xf32, #tpu.memory_space<hbm>> -> memref<128x256xf32, #tpu.memory_space<hbm>>
      tpu.enqueue_dma source(%arg9 : memref<128x256xf32, #tpu.memory_space<vmem>>) target(%dma_start3A_60 : memref<128x256xf32, #tpu.memory_space<hbm>>) target_semaphore(%run_scoped3A : memref<!tpu.dma_semaphore, #tpu.memory_space<semaphore_mem>>)
      %dma_wait3A_61 = arith.constant 0 : i32
      %dma_wait3A_62 = tpu.memref_slice %arg6[%add3A_41, %dma_wait3A_61] : memref<16384x256xf32, #tpu.memory_space<hbm>> -> memref<128x256xf32, #tpu.memory_space<hbm>>
      %dma_wait3A_63 = arith.constant 0 : i32
      %dma_wait3A_64 = tpu.memref_slice %arg6[%add3A_41, %dma_wait3A_63] : memref<16384x256xf32, #tpu.memory_space<hbm>> -> memref<128x256xf32, #tpu.memory_space<hbm>>
      tpu.wait_dma2 semaphore(%run_scoped3A : memref<!tpu.dma_semaphore, #tpu.memory_space<semaphore_mem>>) src(%arg9 : memref<128x256xf32, #tpu.memory_space<vmem>>) dst(%dma_wait3A_64 : memref<128x256xf32, #tpu.memory_space<hbm>>)
      tpu.yield
    }) : () -> ()
    %dma_wait3A_42 = arith.constant 384 : i32
    %dma_wait3A_43 = tpu.memref_slice %arg8[%dma_wait3A_42] : memref<512xi32, #tpu.memory_space<vmem>> -> memref<128xi32, #tpu.memory_space<vmem>>
    %dma_wait3A_44 = arith.constant 0 : i32
    %dma_wait3A_45 = arith.constant 0 : i32
    %dma_wait3A_46 = tpu.memref_slice %arg2[%dma_wait3A_44, %dma_wait3A_45] : memref<1001x256xf32, #tpu.memory_space<hbm>> -> memref<1001x256xf32, #tpu.memory_space<hbm>>
    tpu.wait_indirect_dma semaphore(%arg14 : memref<!tpu.dma_semaphore, #tpu.memory_space<semaphore_mem>>) src(%dma_wait3A_46 : memref<1001x256xf32, #tpu.memory_space<hbm>>) dst(%arg10 : memref<128x256xf32, #tpu.memory_space<vmem>>)
    %add3A_47 = arith.constant 384 : i32
    %add3A_48 = arith.addi %mul3A_2, %add3A_47 : i32
    "tpu.region"() ({
      %run_scoped3A = tpu.sem_alloc : memref<!tpu.dma_semaphore, #tpu.memory_space<semaphore_mem>>
      %dma_start3A_57 = arith.constant 0 : i32
      %dma_start3A_58 = tpu.memref_slice %arg6[%add3A_48, %dma_start3A_57] : memref<16384x256xf32, #tpu.memory_space<hbm>> -> memref<128x256xf32, #tpu.memory_space<hbm>>
      %dma_start3A_59 = arith.constant 0 : i32
      %dma_start3A_60 = tpu.memref_slice %arg6[%add3A_48, %dma_start3A_59] : memref<16384x256xf32, #tpu.memory_space<hbm>> -> memref<128x256xf32, #tpu.memory_space<hbm>>
      tpu.enqueue_dma source(%arg10 : memref<128x256xf32, #tpu.memory_space<vmem>>) target(%dma_start3A_60 : memref<128x256xf32, #tpu.memory_space<hbm>>) target_semaphore(%run_scoped3A : memref<!tpu.dma_semaphore, #tpu.memory_space<semaphore_mem>>)
      %dma_wait3A_61 = arith.constant 0 : i32
      %dma_wait3A_62 = tpu.memref_slice %arg6[%add3A_48, %dma_wait3A_61] : memref<16384x256xf32, #tpu.memory_space<hbm>> -> memref<128x256xf32, #tpu.memory_space<hbm>>
      %dma_wait3A_63 = arith.constant 0 : i32
      %dma_wait3A_64 = tpu.memref_slice %arg6[%add3A_48, %dma_wait3A_63] : memref<16384x256xf32, #tpu.memory_space<hbm>> -> memref<128x256xf32, #tpu.memory_space<hbm>>
      tpu.wait_dma2 semaphore(%run_scoped3A : memref<!tpu.dma_semaphore, #tpu.memory_space<semaphore_mem>>) src(%arg10 : memref<128x256xf32, #tpu.memory_space<vmem>>) dst(%dma_wait3A_64 : memref<128x256xf32, #tpu.memory_space<hbm>>)
      tpu.yield
    }) : () -> ()
    %mul3A_49 = arith.constant 8 : i32
    %mul3A_50 = arith.muli %add3A, %mul3A_49 : i32
    "tpu.region"() ({
      %run_scoped3A = tpu.sem_alloc : memref<!tpu.dma_semaphore, #tpu.memory_space<semaphore_mem>>
      %dma_start3A_57 = tpu.memref_slice %arg5[%mul3A_50] : memref<256xi32, #tpu.memory_space<hbm>> -> memref<8xi32, #tpu.memory_space<hbm>>
      %dma_start3A_58 = tpu.memref_slice %arg5[%mul3A_50] : memref<256xi32, #tpu.memory_space<hbm>> -> memref<8xi32, #tpu.memory_space<hbm>>
      tpu.enqueue_dma source(%dma_start3A_58 : memref<8xi32, #tpu.memory_space<hbm>>) target(%arg11 : memref<8xi32, #tpu.memory_space<vmem>>) target_semaphore(%run_scoped3A : memref<!tpu.dma_semaphore, #tpu.memory_space<semaphore_mem>>)
      %dma_wait3A_59 = tpu.memref_slice %arg5[%mul3A_50] : memref<256xi32, #tpu.memory_space<hbm>> -> memref<8xi32, #tpu.memory_space<hbm>>
      %dma_wait3A_60 = tpu.memref_slice %arg5[%mul3A_50] : memref<256xi32, #tpu.memory_space<hbm>> -> memref<8xi32, #tpu.memory_space<hbm>>
      tpu.wait_dma2 semaphore(%run_scoped3A : memref<!tpu.dma_semaphore, #tpu.memory_space<semaphore_mem>>) src(%dma_wait3A_60 : memref<8xi32, #tpu.memory_space<hbm>>) dst(%arg11 : memref<8xi32, #tpu.memory_space<vmem>>)
      tpu.yield
    }) : () -> ()
    %dma_start3A_51 = arith.constant 0 : i32
    %dma_start3A_52 = arith.constant 0 : i32
    %dma_start3A_53 = tpu.memref_slice %arg4[%dma_start3A_51, %dma_start3A_52] : memref<1000x256xf32, #tpu.memory_space<hbm>> -> memref<1000x256xf32, #tpu.memory_space<hbm>>
    tpu.enqueue_indirect_dma source(%dma_start3A_53 : memref<1000x256xf32, #tpu.memory_space<hbm>>) target(%arg12 : memref<8x256xf32, #tpu.memory_space<vmem>>) offsets(%arg11 : memref<8xi32, #tpu.memory_space<vmem>>) semaphore(%arg13 : memref<!tpu.dma_semaphore, #tpu.memory_space<semaphore_mem>>)
    %dma_wait3A_54 = arith.constant 0 : i32
    %dma_wait3A_55 = arith.constant 0 : i32
    %dma_wait3A_56 = tpu.memref_slice %arg4[%dma_wait3A_54, %dma_wait3A_55] : memref<1000x256xf32, #tpu.memory_space<hbm>> -> memref<1000x256xf32, #tpu.memory_space<hbm>>
    tpu.wait_indirect_dma semaphore(%arg13 : memref<!tpu.dma_semaphore, #tpu.memory_space<semaphore_mem>>) src(%dma_wait3A_56 : memref<1000x256xf32, #tpu.memory_space<hbm>>) dst(%arg12 : memref<8x256xf32, #tpu.memory_space<vmem>>)
    "tpu.region"() ({
      %run_scoped3A = tpu.sem_alloc : memref<!tpu.dma_semaphore, #tpu.memory_space<semaphore_mem>>
      %dma_start3A_57 = arith.constant 0 : i32
      %dma_start3A_58 = tpu.memref_slice %arg7[%mul3A_50, %dma_start3A_57] : memref<256x256xf32, #tpu.memory_space<hbm>> -> memref<8x256xf32, #tpu.memory_space<hbm>>
      %dma_start3A_59 = arith.constant 0 : i32
      %dma_start3A_60 = tpu.memref_slice %arg7[%mul3A_50, %dma_start3A_59] : memref<256x256xf32, #tpu.memory_space<hbm>> -> memref<8x256xf32, #tpu.memory_space<hbm>>
      tpu.enqueue_dma source(%arg12 : memref<8x256xf32, #tpu.memory_space<vmem>>) target(%dma_start3A_60 : memref<8x256xf32, #tpu.memory_space<hbm>>) target_semaphore(%run_scoped3A : memref<!tpu.dma_semaphore, #tpu.memory_space<semaphore_mem>>)
      %dma_wait3A_61 = arith.constant 0 : i32
      %dma_wait3A_62 = tpu.memref_slice %arg7[%mul3A_50, %dma_wait3A_61] : memref<256x256xf32, #tpu.memory_space<hbm>> -> memref<8x256xf32, #tpu.memory_space<hbm>>
      %dma_wait3A_63 = arith.constant 0 : i32
      %dma_wait3A_64 = tpu.memref_slice %arg7[%mul3A_50, %dma_wait3A_63] : memref<256x256xf32, #tpu.memory_space<hbm>> -> memref<8x256xf32, #tpu.memory_space<hbm>>
      tpu.wait_dma2 semaphore(%run_scoped3A : memref<!tpu.dma_semaphore, #tpu.memory_space<semaphore_mem>>) src(%arg12 : memref<8x256xf32, #tpu.memory_space<vmem>>) dst(%dma_wait3A_64 : memref<8x256xf32, #tpu.memory_space<hbm>>)
      tpu.yield
    }) : () -> ()
    return
  }
}

#map = affine_map<(d0, d1) -> (0, 0)>
#map1 = affine_map<(d0, d1) -> (0)>
module attributes {stable_mosaic.version = 14 : i64} {
  func.func @_sc_gather_body(%arg0: i32, %arg1: i32, %arg2: memref<1001x256xf32, #tpu.memory_space<hbm>>, %arg3: memref<16384xi32, #tpu.memory_space<hbm>>, %arg4: memref<1000x256xf32, #tpu.memory_space<hbm>>, %arg5: memref<256xi32, #tpu.memory_space<hbm>>, %arg6: memref<16384x256xf32, #tpu.memory_space<hbm>>, %arg7: memref<256x256xf32, #tpu.memory_space<hbm>>, %arg8: memref<512xi32, #tpu.memory_space<vmem>>, %arg9: memref<128x256xf32, #tpu.memory_space<vmem>>, %arg10: memref<128x256xf32, #tpu.memory_space<vmem>>, %arg11: memref<8xi32, #tpu.memory_space<vmem>>, %arg12: memref<8x256xf32, #tpu.memory_space<vmem>>, %arg13: memref<!tpu.dma_semaphore, #tpu.memory_space<semaphore_mem>>, %arg14: memref<!tpu.dma_semaphore, #tpu.memory_space<semaphore_mem>>) attributes {dimension_semantics = [#tpu.dimension_semantics<core_parallel>, #tpu.dimension_semantics<subcore_parallel>], iteration_bounds = array<i64: 2, 16>, scalar_prefetch = 0 : i64, scratch_operands = 7 : i64, tpu.core_type = #tpu.core_type<sc_vector_subcore>, window_params = [{transform_indices = #map}, {transform_indices = #map1}, {transform_indices = #map}, {transform_indices = #map1}, {transform_indices = #map}, {transform_indices = #map}]} {
    %mul3A = arith.constant 2 : i32
    %mul3A_0 = arith.muli %arg1, %mul3A : i32
    %add3A = arith.addi %mul3A_0, %arg0 : i32
    %mul3A_1 = arith.constant 512 : i32
    %mul3A_2 = arith.muli %add3A, %mul3A_1 : i32
    "tpu.region"() ({
      %run_scoped3A = tpu.sem_alloc : memref<!tpu.dma_semaphore, #tpu.memory_space<semaphore_mem>>
      %dma_start3A_57 = tpu.memref_slice %arg3[%mul3A_2] : memref<16384xi32, #tpu.memory_space<hbm>> -> memref<512xi32, #tpu.memory_space<hbm>>
      %dma_start3A_58 = tpu.memref_slice %arg3[%mul3A_2] : memref<16384xi32, #tpu.memory_space<hbm>> -> memref<512xi32, #tpu.memory_space<hbm>>
      tpu.enqueue_dma source(%dma_start3A_58 : memref<512xi32, #tpu.memory_space<hbm>>) target(%arg8 : memref<512xi32, #tpu.memory_space<vmem>>) target_semaphore(%run_scoped3A : memref<!tpu.dma_semaphore, #tpu.memory_space<semaphore_mem>>)
      %dma_wait3A_59 = tpu.memref_slice %arg3[%mul3A_2] : memref<16384xi32, #tpu.memory_space<hbm>> -> memref<512xi32, #tpu.memory_space<hbm>>
      %dma_wait3A_60 = tpu.memref_slice %arg3[%mul3A_2] : memref<16384xi32, #tpu.memory_space<hbm>> -> memref<512xi32, #tpu.memory_space<hbm>>
      tpu.wait_dma2 semaphore(%run_scoped3A : memref<!tpu.dma_semaphore, #tpu.memory_space<semaphore_mem>>) src(%dma_wait3A_60 : memref<512xi32, #tpu.memory_space<hbm>>) dst(%arg8 : memref<512xi32, #tpu.memory_space<vmem>>)
      tpu.yield
    }) : () -> ()
    %dma_start3A = arith.constant 0 : i32
    %dma_start3A_3 = tpu.memref_slice %arg8[%dma_start3A] : memref<512xi32, #tpu.memory_space<vmem>> -> memref<128xi32, #tpu.memory_space<vmem>>
    %dma_start3A_4 = arith.constant 0 : i32
    %dma_start3A_5 = arith.constant 0 : i32
    %dma_start3A_6 = tpu.memref_slice %arg2[%dma_start3A_4, %dma_start3A_5] : memref<1001x256xf32, #tpu.memory_space<hbm>> -> memref<1001x256xf32, #tpu.memory_space<hbm>>
    tpu.enqueue_indirect_dma source(%dma_start3A_6 : memref<1001x256xf32, #tpu.memory_space<hbm>>) target(%arg9 : memref<128x256xf32, #tpu.memory_space<vmem>>) offsets(%dma_start3A_3 : memref<128xi32, #tpu.memory_space<vmem>>) semaphore(%arg13 : memref<!tpu.dma_semaphore, #tpu.memory_space<semaphore_mem>>)
    %dma_start3A_7 = arith.constant 128 : i32
    %dma_start3A_8 = tpu.memref_slice %arg8[%dma_start3A_7] : memref<512xi32, #tpu.memory_space<vmem>> -> memref<128xi32, #tpu.memory_space<vmem>>
    %dma_start3A_9 = arith.constant 0 : i32
    %dma_start3A_10 = arith.constant 0 : i32
    %dma_start3A_11 = tpu.memref_slice %arg2[%dma_start3A_9, %dma_start3A_10] : memref<1001x256xf32, #tpu.memory_space<hbm>> -> memref<1001x256xf32, #tpu.memory_space<hbm>>
    tpu.enqueue_indirect_dma source(%dma_start3A_11 : memref<1001x256xf32, #tpu.memory_space<hbm>>) target(%arg10 : memref<128x256xf32, #tpu.memory_space<vmem>>) offsets(%dma_start3A_8 : memref<128xi32, #tpu.memory_space<vmem>>) semaphore(%arg14 : memref<!tpu.dma_semaphore, #tpu.memory_space<semaphore_mem>>)
    %dma_wait3A = arith.constant 0 : i32
    %dma_wait3A_12 = tpu.memref_slice %arg8[%dma_wait3A] : memref<512xi32, #tpu.memory_space<vmem>> -> memref<128xi32, #tpu.memory_space<vmem>>
    %dma_wait3A_13 = arith.constant 0 : i32
    %dma_wait3A_14 = arith.constant 0 : i32
    %dma_wait3A_15 = tpu.memref_slice %arg2[%dma_wait3A_13, %dma_wait3A_14] : memref<1001x256xf32, #tpu.memory_space<hbm>> -> memref<1001x256xf32, #tpu.memory_space<hbm>>
    tpu.wait_indirect_dma semaphore(%arg13 : memref<!tpu.dma_semaphore, #tpu.memory_space<semaphore_mem>>) src(%dma_wait3A_15 : memref<1001x256xf32, #tpu.memory_space<hbm>>) dst(%arg9 : memref<128x256xf32, #tpu.memory_space<vmem>>)
    %add3A_16 = arith.constant 0 : i32
    %add3A_17 = arith.addi %mul3A_2, %add3A_16 : i32
    "tpu.region"() ({
      %run_scoped3A = tpu.sem_alloc : memref<!tpu.dma_semaphore, #tpu.memory_space<semaphore_mem>>
      %dma_start3A_57 = arith.constant 0 : i32
      %dma_start3A_58 = tpu.memref_slice %arg6[%add3A_17, %dma_start3A_57] : memref<16384x256xf32, #tpu.memory_space<hbm>> -> memref<128x256xf32, #tpu.memory_space<hbm>>
      %dma_start3A_59 = arith.constant 0 : i32
      %dma_start3A_60 = tpu.memref_slice %arg6[%add3A_17, %dma_start3A_59] : memref<16384x256xf32, #tpu.memory_space<hbm>> -> memref<128x256xf32, #tpu.memory_space<hbm>>
      tpu.enqueue_dma source(%arg9 : memref<128x256xf32, #tpu.memory_space<vmem>>) target(%dma_start3A_60 : memref<128x256xf32, #tpu.memory_space<hbm>>) target_semaphore(%run_scoped3A : memref<!tpu.dma_semaphore, #tpu.memory_space<semaphore_mem>>)
      %dma_wait3A_61 = arith.constant 0 : i32
      %dma_wait3A_62 = tpu.memref_slice %arg6[%add3A_17, %dma_wait3A_61] : memref<16384x256xf32, #tpu.memory_space<hbm>> -> memref<128x256xf32, #tpu.memory_space<hbm>>
      %dma_wait3A_63 = arith.constant 0 : i32
      %dma_wait3A_64 = tpu.memref_slice %arg6[%add3A_17, %dma_wait3A_63] : memref<16384x256xf32, #tpu.memory_space<hbm>> -> memref<128x256xf32, #tpu.memory_space<hbm>>
      tpu.wait_dma2 semaphore(%run_scoped3A : memref<!tpu.dma_semaphore, #tpu.memory_space<semaphore_mem>>) src(%arg9 : memref<128x256xf32, #tpu.memory_space<vmem>>) dst(%dma_wait3A_64 : memref<128x256xf32, #tpu.memory_space<hbm>>)
      tpu.yield
    }) : () -> ()
    %dma_start3A_18 = arith.constant 256 : i32
    %dma_start3A_19 = tpu.memref_slice %arg8[%dma_start3A_18] : memref<512xi32, #tpu.memory_space<vmem>> -> memref<128xi32, #tpu.memory_space<vmem>>
    %dma_start3A_20 = arith.constant 0 : i32
    %dma_start3A_21 = arith.constant 0 : i32
    %dma_start3A_22 = tpu.memref_slice %arg2[%dma_start3A_20, %dma_start3A_21] : memref<1001x256xf32, #tpu.memory_space<hbm>> -> memref<1001x256xf32, #tpu.memory_space<hbm>>
    tpu.enqueue_indirect_dma source(%dma_start3A_22 : memref<1001x256xf32, #tpu.memory_space<hbm>>) target(%arg9 : memref<128x256xf32, #tpu.memory_space<vmem>>) offsets(%dma_start3A_19 : memref<128xi32, #tpu.memory_space<vmem>>) semaphore(%arg13 : memref<!tpu.dma_semaphore, #tpu.memory_space<semaphore_mem>>)
    %dma_wait3A_23 = arith.constant 128 : i32
    %dma_wait3A_24 = tpu.memref_slice %arg8[%dma_wait3A_23] : memref<512xi32, #tpu.memory_space<vmem>> -> memref<128xi32, #tpu.memory_space<vmem>>
    %dma_wait3A_25 = arith.constant 0 : i32
    %dma_wait3A_26 = arith.constant 0 : i32
    %dma_wait3A_27 = tpu.memref_slice %arg2[%dma_wait3A_25, %dma_wait3A_26] : memref<1001x256xf32, #tpu.memory_space<hbm>> -> memref<1001x256xf32, #tpu.memory_space<hbm>>
    tpu.wait_indirect_dma semaphore(%arg14 : memref<!tpu.dma_semaphore, #tpu.memory_space<semaphore_mem>>) src(%dma_wait3A_27 : memref<1001x256xf32, #tpu.memory_space<hbm>>) dst(%arg10 : memref<128x256xf32, #tpu.memory_space<vmem>>)
    %add3A_28 = arith.constant 128 : i32
    %add3A_29 = arith.addi %mul3A_2, %add3A_28 : i32
    "tpu.region"() ({
      %run_scoped3A = tpu.sem_alloc : memref<!tpu.dma_semaphore, #tpu.memory_space<semaphore_mem>>
      %dma_start3A_57 = arith.constant 0 : i32
      %dma_start3A_58 = tpu.memref_slice %arg6[%add3A_29, %dma_start3A_57] : memref<16384x256xf32, #tpu.memory_space<hbm>> -> memref<128x256xf32, #tpu.memory_space<hbm>>
      %dma_start3A_59 = arith.constant 0 : i32
      %dma_start3A_60 = tpu.memref_slice %arg6[%add3A_29, %dma_start3A_59] : memref<16384x256xf32, #tpu.memory_space<hbm>> -> memref<128x256xf32, #tpu.memory_space<hbm>>
      tpu.enqueue_dma source(%arg10 : memref<128x256xf32, #tpu.memory_space<vmem>>) target(%dma_start3A_60 : memref<128x256xf32, #tpu.memory_space<hbm>>) target_semaphore(%run_scoped3A : memref<!tpu.dma_semaphore, #tpu.memory_space<semaphore_mem>>)
      %dma_wait3A_61 = arith.constant 0 : i32
      %dma_wait3A_62 = tpu.memref_slice %arg6[%add3A_29, %dma_wait3A_61] : memref<16384x256xf32, #tpu.memory_space<hbm>> -> memref<128x256xf32, #tpu.memory_space<hbm>>
      %dma_wait3A_63 = arith.constant 0 : i32
      %dma_wait3A_64 = tpu.memref_slice %arg6[%add3A_29, %dma_wait3A_63] : memref<16384x256xf32, #tpu.memory_space<hbm>> -> memref<128x256xf32, #tpu.memory_space<hbm>>
      tpu.wait_dma2 semaphore(%run_scoped3A : memref<!tpu.dma_semaphore, #tpu.memory_space<semaphore_mem>>) src(%arg10 : memref<128x256xf32, #tpu.memory_space<vmem>>) dst(%dma_wait3A_64 : memref<128x256xf32, #tpu.memory_space<hbm>>)
      tpu.yield
    }) : () -> ()
    %dma_start3A_30 = arith.constant 384 : i32
    %dma_start3A_31 = tpu.memref_slice %arg8[%dma_start3A_30] : memref<512xi32, #tpu.memory_space<vmem>> -> memref<128xi32, #tpu.memory_space<vmem>>
    %dma_start3A_32 = arith.constant 0 : i32
    %dma_start3A_33 = arith.constant 0 : i32
    %dma_start3A_34 = tpu.memref_slice %arg2[%dma_start3A_32, %dma_start3A_33] : memref<1001x256xf32, #tpu.memory_space<hbm>> -> memref<1001x256xf32, #tpu.memory_space<hbm>>
    tpu.enqueue_indirect_dma source(%dma_start3A_34 : memref<1001x256xf32, #tpu.memory_space<hbm>>) target(%arg10 : memref<128x256xf32, #tpu.memory_space<vmem>>) offsets(%dma_start3A_31 : memref<128xi32, #tpu.memory_space<vmem>>) semaphore(%arg14 : memref<!tpu.dma_semaphore, #tpu.memory_space<semaphore_mem>>)
    %dma_wait3A_35 = arith.constant 256 : i32
    %dma_wait3A_36 = tpu.memref_slice %arg8[%dma_wait3A_35] : memref<512xi32, #tpu.memory_space<vmem>> -> memref<128xi32, #tpu.memory_space<vmem>>
    %dma_wait3A_37 = arith.constant 0 : i32
    %dma_wait3A_38 = arith.constant 0 : i32
    %dma_wait3A_39 = tpu.memref_slice %arg2[%dma_wait3A_37, %dma_wait3A_38] : memref<1001x256xf32, #tpu.memory_space<hbm>> -> memref<1001x256xf32, #tpu.memory_space<hbm>>
    tpu.wait_indirect_dma semaphore(%arg13 : memref<!tpu.dma_semaphore, #tpu.memory_space<semaphore_mem>>) src(%dma_wait3A_39 : memref<1001x256xf32, #tpu.memory_space<hbm>>) dst(%arg9 : memref<128x256xf32, #tpu.memory_space<vmem>>)
    %add3A_40 = arith.constant 256 : i32
    %add3A_41 = arith.addi %mul3A_2, %add3A_40 : i32
    "tpu.region"() ({
      %run_scoped3A = tpu.sem_alloc : memref<!tpu.dma_semaphore, #tpu.memory_space<semaphore_mem>>
      %dma_start3A_57 = arith.constant 0 : i32
      %dma_start3A_58 = tpu.memref_slice %arg6[%add3A_41, %dma_start3A_57] : memref<16384x256xf32, #tpu.memory_space<hbm>> -> memref<128x256xf32, #tpu.memory_space<hbm>>
      %dma_start3A_59 = arith.constant 0 : i32
      %dma_start3A_60 = tpu.memref_slice %arg6[%add3A_41, %dma_start3A_59] : memref<16384x256xf32, #tpu.memory_space<hbm>> -> memref<128x256xf32, #tpu.memory_space<hbm>>
      tpu.enqueue_dma source(%arg9 : memref<128x256xf32, #tpu.memory_space<vmem>>) target(%dma_start3A_60 : memref<128x256xf32, #tpu.memory_space<hbm>>) target_semaphore(%run_scoped3A : memref<!tpu.dma_semaphore, #tpu.memory_space<semaphore_mem>>)
      %dma_wait3A_61 = arith.constant 0 : i32
      %dma_wait3A_62 = tpu.memref_slice %arg6[%add3A_41, %dma_wait3A_61] : memref<16384x256xf32, #tpu.memory_space<hbm>> -> memref<128x256xf32, #tpu.memory_space<hbm>>
      %dma_wait3A_63 = arith.constant 0 : i32
      %dma_wait3A_64 = tpu.memref_slice %arg6[%add3A_41, %dma_wait3A_63] : memref<16384x256xf32, #tpu.memory_space<hbm>> -> memref<128x256xf32, #tpu.memory_space<hbm>>
      tpu.wait_dma2 semaphore(%run_scoped3A : memref<!tpu.dma_semaphore, #tpu.memory_space<semaphore_mem>>) src(%arg9 : memref<128x256xf32, #tpu.memory_space<vmem>>) dst(%dma_wait3A_64 : memref<128x256xf32, #tpu.memory_space<hbm>>)
      tpu.yield
    }) : () -> ()
    %dma_wait3A_42 = arith.constant 384 : i32
    %dma_wait3A_43 = tpu.memref_slice %arg8[%dma_wait3A_42] : memref<512xi32, #tpu.memory_space<vmem>> -> memref<128xi32, #tpu.memory_space<vmem>>
    %dma_wait3A_44 = arith.constant 0 : i32
    %dma_wait3A_45 = arith.constant 0 : i32
    %dma_wait3A_46 = tpu.memref_slice %arg2[%dma_wait3A_44, %dma_wait3A_45] : memref<1001x256xf32, #tpu.memory_space<hbm>> -> memref<1001x256xf32, #tpu.memory_space<hbm>>
    tpu.wait_indirect_dma semaphore(%arg14 : memref<!tpu.dma_semaphore, #tpu.memory_space<semaphore_mem>>) src(%dma_wait3A_46 : memref<1001x256xf32, #tpu.memory_space<hbm>>) dst(%arg10 : memref<128x256xf32, #tpu.memory_space<vmem>>)
    %add3A_47 = arith.constant 384 : i32
    %add3A_48 = arith.addi %mul3A_2, %add3A_47 : i32
    "tpu.region"() ({
      %run_scoped3A = tpu.sem_alloc : memref<!tpu.dma_semaphore, #tpu.memory_space<semaphore_mem>>
      %dma_start3A_57 = arith.constant 0 : i32
      %dma_start3A_58 = tpu.memref_slice %arg6[%add3A_48, %dma_start3A_57] : memref<16384x256xf32, #tpu.memory_space<hbm>> -> memref<128x256xf32, #tpu.memory_space<hbm>>
      %dma_start3A_59 = arith.constant 0 : i32
      %dma_start3A_60 = tpu.memref_slice %arg6[%add3A_48, %dma_start3A_59] : memref<16384x256xf32, #tpu.memory_space<hbm>> -> memref<128x256xf32, #tpu.memory_space<hbm>>
      tpu.enqueue_dma source(%arg10 : memref<128x256xf32, #tpu.memory_space<vmem>>) target(%dma_start3A_60 : memref<128x256xf32, #tpu.memory_space<hbm>>) target_semaphore(%run_scoped3A : memref<!tpu.dma_semaphore, #tpu.memory_space<semaphore_mem>>)
      %dma_wait3A_61 = arith.constant 0 : i32
      %dma_wait3A_62 = tpu.memref_slice %arg6[%add3A_48, %dma_wait3A_61] : memref<16384x256xf32, #tpu.memory_space<hbm>> -> memref<128x256xf32, #tpu.memory_space<hbm>>
      %dma_wait3A_63 = arith.constant 0 : i32
      %dma_wait3A_64 = tpu.memref_slice %arg6[%add3A_48, %dma_wait3A_63] : memref<16384x256xf32, #tpu.memory_space<hbm>> -> memref<128x256xf32, #tpu.memory_space<hbm>>
      tpu.wait_dma2 semaphore(%run_scoped3A : memref<!tpu.dma_semaphore, #tpu.memory_space<semaphore_mem>>) src(%arg10 : memref<128x256xf32, #tpu.memory_space<vmem>>) dst(%dma_wait3A_64 : memref<128x256xf32, #tpu.memory_space<hbm>>)
      tpu.yield
    }) : () -> ()
    %mul3A_49 = arith.constant 8 : i32
    %mul3A_50 = arith.muli %add3A, %mul3A_49 : i32
    "tpu.region"() ({
      %run_scoped3A = tpu.sem_alloc : memref<!tpu.dma_semaphore, #tpu.memory_space<semaphore_mem>>
      %dma_start3A_57 = tpu.memref_slice %arg5[%mul3A_50] : memref<256xi32, #tpu.memory_space<hbm>> -> memref<8xi32, #tpu.memory_space<hbm>>
      %dma_start3A_58 = tpu.memref_slice %arg5[%mul3A_50] : memref<256xi32, #tpu.memory_space<hbm>> -> memref<8xi32, #tpu.memory_space<hbm>>
      tpu.enqueue_dma source(%dma_start3A_58 : memref<8xi32, #tpu.memory_space<hbm>>) target(%arg11 : memref<8xi32, #tpu.memory_space<vmem>>) target_semaphore(%run_scoped3A : memref<!tpu.dma_semaphore, #tpu.memory_space<semaphore_mem>>)
      %dma_wait3A_59 = tpu.memref_slice %arg5[%mul3A_50] : memref<256xi32, #tpu.memory_space<hbm>> -> memref<8xi32, #tpu.memory_space<hbm>>
      %dma_wait3A_60 = tpu.memref_slice %arg5[%mul3A_50] : memref<256xi32, #tpu.memory_space<hbm>> -> memref<8xi32, #tpu.memory_space<hbm>>
      tpu.wait_dma2 semaphore(%run_scoped3A : memref<!tpu.dma_semaphore, #tpu.memory_space<semaphore_mem>>) src(%dma_wait3A_60 : memref<8xi32, #tpu.memory_space<hbm>>) dst(%arg11 : memref<8xi32, #tpu.memory_space<vmem>>)
      tpu.yield
    }) : () -> ()
    %dma_start3A_51 = arith.constant 0 : i32
    %dma_start3A_52 = arith.constant 0 : i32
    %dma_start3A_53 = tpu.memref_slice %arg4[%dma_start3A_51, %dma_start3A_52] : memref<1000x256xf32, #tpu.memory_space<hbm>> -> memref<1000x256xf32, #tpu.memory_space<hbm>>
    tpu.enqueue_indirect_dma source(%dma_start3A_53 : memref<1000x256xf32, #tpu.memory_space<hbm>>) target(%arg12 : memref<8x256xf32, #tpu.memory_space<vmem>>) offsets(%arg11 : memref<8xi32, #tpu.memory_space<vmem>>) semaphore(%arg13 : memref<!tpu.dma_semaphore, #tpu.memory_space<semaphore_mem>>)
    %dma_wait3A_54 = arith.constant 0 : i32
    %dma_wait3A_55 = arith.constant 0 : i32
    %dma_wait3A_56 = tpu.memref_slice %arg4[%dma_wait3A_54, %dma_wait3A_55] : memref<1000x256xf32, #tpu.memory_space<hbm>> -> memref<1000x256xf32, #tpu.memory_space<hbm>>
    tpu.wait_indirect_dma semaphore(%arg13 : memref<!tpu.dma_semaphore, #tpu.memory_space<semaphore_mem>>) src(%dma_wait3A_56 : memref<1000x256xf32, #tpu.memory_space<hbm>>) dst(%arg12 : memref<8x256xf32, #tpu.memory_space<vmem>>)
    "tpu.region"() ({
      %run_scoped3A = tpu.sem_alloc : memref<!tpu.dma_semaphore, #tpu.memory_space<semaphore_mem>>
      %dma_start3A_57 = arith.constant 0 : i32
      %dma_start3A_58 = tpu.memref_slice %arg7[%mul3A_50, %dma_start3A_57] : memref<256x256xf32, #tpu.memory_space<hbm>> -> memref<8x256xf32, #tpu.memory_space<hbm>>
      %dma_start3A_59 = arith.constant 0 : i32
      %dma_start3A_60 = tpu.memref_slice %arg7[%mul3A_50, %dma_start3A_59] : memref<256x256xf32, #tpu.memory_space<hbm>> -> memref<8x256xf32, #tpu.memory_space<hbm>>
      tpu.enqueue_dma source(%arg12 : memref<8x256xf32, #tpu.memory_space<vmem>>) target(%dma_start3A_60 : memref<8x256xf32, #tpu.memory_space<hbm>>) target_semaphore(%run_scoped3A : memref<!tpu.dma_semaphore, #tpu.memory_space<semaphore_mem>>)
      %dma_wait3A_61 = arith.constant 0 : i32
      %dma_wait3A_62 = tpu.memref_slice %arg7[%mul3A_50, %dma_wait3A_61] : memref<256x256xf32, #tpu.memory_space<hbm>> -> memref<8x256xf32, #tpu.memory_space<hbm>>
      %dma_wait3A_63 = arith.constant 0 : i32
      %dma_wait3A_64 = tpu.memref_slice %arg7[%mul3A_50, %dma_wait3A_63] : memref<256x256xf32, #tpu.memory_space<hbm>> -> memref<8x256xf32, #tpu.memory_space<hbm>>
      tpu.wait_dma2 semaphore(%run_scoped3A : memref<!tpu.dma_semaphore, #tpu.memory_space<semaphore_mem>>) src(%arg12 : memref<8x256xf32, #tpu.memory_space<vmem>>) dst(%dma_wait3A_64 : memref<8x256xf32, #tpu.memory_space<hbm>>)
      tpu.yield
    }) : () -> ()
    return
  }
}

#map = affine_map<(d0, d1) -> (0, 0)>
#map1 = affine_map<(d0, d1) -> (0)>
module attributes {stable_mosaic.version = 14 : i64} {
  func.func @_sc_gather_body(%arg0: i32, %arg1: i32, %arg2: memref<1001x256xf32, #tpu.memory_space<hbm>>, %arg3: memref<16384xi32, #tpu.memory_space<hbm>>, %arg4: memref<1000x256xf32, #tpu.memory_space<hbm>>, %arg5: memref<256xi32, #tpu.memory_space<hbm>>, %arg6: memref<16384x256xf32, #tpu.memory_space<hbm>>, %arg7: memref<256x256xf32, #tpu.memory_space<hbm>>, %arg8: memref<512xi32, #tpu.memory_space<vmem>>, %arg9: memref<128x256xf32, #tpu.memory_space<vmem>>, %arg10: memref<128x256xf32, #tpu.memory_space<vmem>>, %arg11: memref<8xi32, #tpu.memory_space<vmem>>, %arg12: memref<8x256xf32, #tpu.memory_space<vmem>>, %arg13: memref<!tpu.dma_semaphore, #tpu.memory_space<semaphore_mem>>, %arg14: memref<!tpu.dma_semaphore, #tpu.memory_space<semaphore_mem>>) attributes {dimension_semantics = [#tpu.dimension_semantics<core_parallel>, #tpu.dimension_semantics<subcore_parallel>], iteration_bounds = array<i64: 2, 16>, scalar_prefetch = 0 : i64, scratch_operands = 7 : i64, tpu.core_type = #tpu.core_type<sc_vector_subcore>, window_params = [{transform_indices = #map}, {transform_indices = #map1}, {transform_indices = #map}, {transform_indices = #map1}, {transform_indices = #map}, {transform_indices = #map}]} {
    %mul3A = arith.constant 2 : i32
    %mul3A_0 = arith.muli %arg1, %mul3A : i32
    %add3A = arith.addi %mul3A_0, %arg0 : i32
    %mul3A_1 = arith.constant 512 : i32
    %mul3A_2 = arith.muli %add3A, %mul3A_1 : i32
    "tpu.region"() ({
      %run_scoped3A = tpu.sem_alloc : memref<!tpu.dma_semaphore, #tpu.memory_space<semaphore_mem>>
      %dma_start3A_57 = tpu.memref_slice %arg3[%mul3A_2] : memref<16384xi32, #tpu.memory_space<hbm>> -> memref<512xi32, #tpu.memory_space<hbm>>
      %dma_start3A_58 = tpu.memref_slice %arg3[%mul3A_2] : memref<16384xi32, #tpu.memory_space<hbm>> -> memref<512xi32, #tpu.memory_space<hbm>>
      tpu.enqueue_dma source(%dma_start3A_58 : memref<512xi32, #tpu.memory_space<hbm>>) target(%arg8 : memref<512xi32, #tpu.memory_space<vmem>>) target_semaphore(%run_scoped3A : memref<!tpu.dma_semaphore, #tpu.memory_space<semaphore_mem>>)
      %dma_wait3A_59 = tpu.memref_slice %arg3[%mul3A_2] : memref<16384xi32, #tpu.memory_space<hbm>> -> memref<512xi32, #tpu.memory_space<hbm>>
      %dma_wait3A_60 = tpu.memref_slice %arg3[%mul3A_2] : memref<16384xi32, #tpu.memory_space<hbm>> -> memref<512xi32, #tpu.memory_space<hbm>>
      tpu.wait_dma2 semaphore(%run_scoped3A : memref<!tpu.dma_semaphore, #tpu.memory_space<semaphore_mem>>) src(%dma_wait3A_60 : memref<512xi32, #tpu.memory_space<hbm>>) dst(%arg8 : memref<512xi32, #tpu.memory_space<vmem>>)
      tpu.yield
    }) : () -> ()
    %dma_start3A = arith.constant 0 : i32
    %dma_start3A_3 = tpu.memref_slice %arg8[%dma_start3A] : memref<512xi32, #tpu.memory_space<vmem>> -> memref<128xi32, #tpu.memory_space<vmem>>
    %dma_start3A_4 = arith.constant 0 : i32
    %dma_start3A_5 = arith.constant 0 : i32
    %dma_start3A_6 = tpu.memref_slice %arg2[%dma_start3A_4, %dma_start3A_5] : memref<1001x256xf32, #tpu.memory_space<hbm>> -> memref<1001x256xf32, #tpu.memory_space<hbm>>
    tpu.enqueue_indirect_dma source(%dma_start3A_6 : memref<1001x256xf32, #tpu.memory_space<hbm>>) target(%arg9 : memref<128x256xf32, #tpu.memory_space<vmem>>) offsets(%dma_start3A_3 : memref<128xi32, #tpu.memory_space<vmem>>) semaphore(%arg13 : memref<!tpu.dma_semaphore, #tpu.memory_space<semaphore_mem>>)
    %dma_start3A_7 = arith.constant 128 : i32
    %dma_start3A_8 = tpu.memref_slice %arg8[%dma_start3A_7] : memref<512xi32, #tpu.memory_space<vmem>> -> memref<128xi32, #tpu.memory_space<vmem>>
    %dma_start3A_9 = arith.constant 0 : i32
    %dma_start3A_10 = arith.constant 0 : i32
    %dma_start3A_11 = tpu.memref_slice %arg2[%dma_start3A_9, %dma_start3A_10] : memref<1001x256xf32, #tpu.memory_space<hbm>> -> memref<1001x256xf32, #tpu.memory_space<hbm>>
    tpu.enqueue_indirect_dma source(%dma_start3A_11 : memref<1001x256xf32, #tpu.memory_space<hbm>>) target(%arg10 : memref<128x256xf32, #tpu.memory_space<vmem>>) offsets(%dma_start3A_8 : memref<128xi32, #tpu.memory_space<vmem>>) semaphore(%arg14 : memref<!tpu.dma_semaphore, #tpu.memory_space<semaphore_mem>>)
    %dma_wait3A = arith.constant 0 : i32
    %dma_wait3A_12 = tpu.memref_slice %arg8[%dma_wait3A] : memref<512xi32, #tpu.memory_space<vmem>> -> memref<128xi32, #tpu.memory_space<vmem>>
    %dma_wait3A_13 = arith.constant 0 : i32
    %dma_wait3A_14 = arith.constant 0 : i32
    %dma_wait3A_15 = tpu.memref_slice %arg2[%dma_wait3A_13, %dma_wait3A_14] : memref<1001x256xf32, #tpu.memory_space<hbm>> -> memref<1001x256xf32, #tpu.memory_space<hbm>>
    tpu.wait_indirect_dma semaphore(%arg13 : memref<!tpu.dma_semaphore, #tpu.memory_space<semaphore_mem>>) src(%dma_wait3A_15 : memref<1001x256xf32, #tpu.memory_space<hbm>>) dst(%arg9 : memref<128x256xf32, #tpu.memory_space<vmem>>)
    %add3A_16 = arith.constant 0 : i32
    %add3A_17 = arith.addi %mul3A_2, %add3A_16 : i32
    "tpu.region"() ({
      %run_scoped3A = tpu.sem_alloc : memref<!tpu.dma_semaphore, #tpu.memory_space<semaphore_mem>>
      %dma_start3A_57 = arith.constant 0 : i32
      %dma_start3A_58 = tpu.memref_slice %arg6[%add3A_17, %dma_start3A_57] : memref<16384x256xf32, #tpu.memory_space<hbm>> -> memref<128x256xf32, #tpu.memory_space<hbm>>
      %dma_start3A_59 = arith.constant 0 : i32
      %dma_start3A_60 = tpu.memref_slice %arg6[%add3A_17, %dma_start3A_59] : memref<16384x256xf32, #tpu.memory_space<hbm>> -> memref<128x256xf32, #tpu.memory_space<hbm>>
      tpu.enqueue_dma source(%arg9 : memref<128x256xf32, #tpu.memory_space<vmem>>) target(%dma_start3A_60 : memref<128x256xf32, #tpu.memory_space<hbm>>) target_semaphore(%run_scoped3A : memref<!tpu.dma_semaphore, #tpu.memory_space<semaphore_mem>>)
      %dma_wait3A_61 = arith.constant 0 : i32
      %dma_wait3A_62 = tpu.memref_slice %arg6[%add3A_17, %dma_wait3A_61] : memref<16384x256xf32, #tpu.memory_space<hbm>> -> memref<128x256xf32, #tpu.memory_space<hbm>>
      %dma_wait3A_63 = arith.constant 0 : i32
      %dma_wait3A_64 = tpu.memref_slice %arg6[%add3A_17, %dma_wait3A_63] : memref<16384x256xf32, #tpu.memory_space<hbm>> -> memref<128x256xf32, #tpu.memory_space<hbm>>
      tpu.wait_dma2 semaphore(%run_scoped3A : memref<!tpu.dma_semaphore, #tpu.memory_space<semaphore_mem>>) src(%arg9 : memref<128x256xf32, #tpu.memory_space<vmem>>) dst(%dma_wait3A_64 : memref<128x256xf32, #tpu.memory_space<hbm>>)
      tpu.yield
    }) : () -> ()
    %dma_start3A_18 = arith.constant 256 : i32
    %dma_start3A_19 = tpu.memref_slice %arg8[%dma_start3A_18] : memref<512xi32, #tpu.memory_space<vmem>> -> memref<128xi32, #tpu.memory_space<vmem>>
    %dma_start3A_20 = arith.constant 0 : i32
    %dma_start3A_21 = arith.constant 0 : i32
    %dma_start3A_22 = tpu.memref_slice %arg2[%dma_start3A_20, %dma_start3A_21] : memref<1001x256xf32, #tpu.memory_space<hbm>> -> memref<1001x256xf32, #tpu.memory_space<hbm>>
    tpu.enqueue_indirect_dma source(%dma_start3A_22 : memref<1001x256xf32, #tpu.memory_space<hbm>>) target(%arg9 : memref<128x256xf32, #tpu.memory_space<vmem>>) offsets(%dma_start3A_19 : memref<128xi32, #tpu.memory_space<vmem>>) semaphore(%arg13 : memref<!tpu.dma_semaphore, #tpu.memory_space<semaphore_mem>>)
    %dma_wait3A_23 = arith.constant 128 : i32
    %dma_wait3A_24 = tpu.memref_slice %arg8[%dma_wait3A_23] : memref<512xi32, #tpu.memory_space<vmem>> -> memref<128xi32, #tpu.memory_space<vmem>>
    %dma_wait3A_25 = arith.constant 0 : i32
    %dma_wait3A_26 = arith.constant 0 : i32
    %dma_wait3A_27 = tpu.memref_slice %arg2[%dma_wait3A_25, %dma_wait3A_26] : memref<1001x256xf32, #tpu.memory_space<hbm>> -> memref<1001x256xf32, #tpu.memory_space<hbm>>
    tpu.wait_indirect_dma semaphore(%arg14 : memref<!tpu.dma_semaphore, #tpu.memory_space<semaphore_mem>>) src(%dma_wait3A_27 : memref<1001x256xf32, #tpu.memory_space<hbm>>) dst(%arg10 : memref<128x256xf32, #tpu.memory_space<vmem>>)
    %add3A_28 = arith.constant 128 : i32
    %add3A_29 = arith.addi %mul3A_2, %add3A_28 : i32
    "tpu.region"() ({
      %run_scoped3A = tpu.sem_alloc : memref<!tpu.dma_semaphore, #tpu.memory_space<semaphore_mem>>
      %dma_start3A_57 = arith.constant 0 : i32
      %dma_start3A_58 = tpu.memref_slice %arg6[%add3A_29, %dma_start3A_57] : memref<16384x256xf32, #tpu.memory_space<hbm>> -> memref<128x256xf32, #tpu.memory_space<hbm>>
      %dma_start3A_59 = arith.constant 0 : i32
      %dma_start3A_60 = tpu.memref_slice %arg6[%add3A_29, %dma_start3A_59] : memref<16384x256xf32, #tpu.memory_space<hbm>> -> memref<128x256xf32, #tpu.memory_space<hbm>>
      tpu.enqueue_dma source(%arg10 : memref<128x256xf32, #tpu.memory_space<vmem>>) target(%dma_start3A_60 : memref<128x256xf32, #tpu.memory_space<hbm>>) target_semaphore(%run_scoped3A : memref<!tpu.dma_semaphore, #tpu.memory_space<semaphore_mem>>)
      %dma_wait3A_61 = arith.constant 0 : i32
      %dma_wait3A_62 = tpu.memref_slice %arg6[%add3A_29, %dma_wait3A_61] : memref<16384x256xf32, #tpu.memory_space<hbm>> -> memref<128x256xf32, #tpu.memory_space<hbm>>
      %dma_wait3A_63 = arith.constant 0 : i32
      %dma_wait3A_64 = tpu.memref_slice %arg6[%add3A_29, %dma_wait3A_63] : memref<16384x256xf32, #tpu.memory_space<hbm>> -> memref<128x256xf32, #tpu.memory_space<hbm>>
      tpu.wait_dma2 semaphore(%run_scoped3A : memref<!tpu.dma_semaphore, #tpu.memory_space<semaphore_mem>>) src(%arg10 : memref<128x256xf32, #tpu.memory_space<vmem>>) dst(%dma_wait3A_64 : memref<128x256xf32, #tpu.memory_space<hbm>>)
      tpu.yield
    }) : () -> ()
    %dma_start3A_30 = arith.constant 384 : i32
    %dma_start3A_31 = tpu.memref_slice %arg8[%dma_start3A_30] : memref<512xi32, #tpu.memory_space<vmem>> -> memref<128xi32, #tpu.memory_space<vmem>>
    %dma_start3A_32 = arith.constant 0 : i32
    %dma_start3A_33 = arith.constant 0 : i32
    %dma_start3A_34 = tpu.memref_slice %arg2[%dma_start3A_32, %dma_start3A_33] : memref<1001x256xf32, #tpu.memory_space<hbm>> -> memref<1001x256xf32, #tpu.memory_space<hbm>>
    tpu.enqueue_indirect_dma source(%dma_start3A_34 : memref<1001x256xf32, #tpu.memory_space<hbm>>) target(%arg10 : memref<128x256xf32, #tpu.memory_space<vmem>>) offsets(%dma_start3A_31 : memref<128xi32, #tpu.memory_space<vmem>>) semaphore(%arg14 : memref<!tpu.dma_semaphore, #tpu.memory_space<semaphore_mem>>)
    %dma_wait3A_35 = arith.constant 256 : i32
    %dma_wait3A_36 = tpu.memref_slice %arg8[%dma_wait3A_35] : memref<512xi32, #tpu.memory_space<vmem>> -> memref<128xi32, #tpu.memory_space<vmem>>
    %dma_wait3A_37 = arith.constant 0 : i32
    %dma_wait3A_38 = arith.constant 0 : i32
    %dma_wait3A_39 = tpu.memref_slice %arg2[%dma_wait3A_37, %dma_wait3A_38] : memref<1001x256xf32, #tpu.memory_space<hbm>> -> memref<1001x256xf32, #tpu.memory_space<hbm>>
    tpu.wait_indirect_dma semaphore(%arg13 : memref<!tpu.dma_semaphore, #tpu.memory_space<semaphore_mem>>) src(%dma_wait3A_39 : memref<1001x256xf32, #tpu.memory_space<hbm>>) dst(%arg9 : memref<128x256xf32, #tpu.memory_space<vmem>>)
    %add3A_40 = arith.constant 256 : i32
    %add3A_41 = arith.addi %mul3A_2, %add3A_40 : i32
    "tpu.region"() ({
      %run_scoped3A = tpu.sem_alloc : memref<!tpu.dma_semaphore, #tpu.memory_space<semaphore_mem>>
      %dma_start3A_57 = arith.constant 0 : i32
      %dma_start3A_58 = tpu.memref_slice %arg6[%add3A_41, %dma_start3A_57] : memref<16384x256xf32, #tpu.memory_space<hbm>> -> memref<128x256xf32, #tpu.memory_space<hbm>>
      %dma_start3A_59 = arith.constant 0 : i32
      %dma_start3A_60 = tpu.memref_slice %arg6[%add3A_41, %dma_start3A_59] : memref<16384x256xf32, #tpu.memory_space<hbm>> -> memref<128x256xf32, #tpu.memory_space<hbm>>
      tpu.enqueue_dma source(%arg9 : memref<128x256xf32, #tpu.memory_space<vmem>>) target(%dma_start3A_60 : memref<128x256xf32, #tpu.memory_space<hbm>>) target_semaphore(%run_scoped3A : memref<!tpu.dma_semaphore, #tpu.memory_space<semaphore_mem>>)
      %dma_wait3A_61 = arith.constant 0 : i32
      %dma_wait3A_62 = tpu.memref_slice %arg6[%add3A_41, %dma_wait3A_61] : memref<16384x256xf32, #tpu.memory_space<hbm>> -> memref<128x256xf32, #tpu.memory_space<hbm>>
      %dma_wait3A_63 = arith.constant 0 : i32
      %dma_wait3A_64 = tpu.memref_slice %arg6[%add3A_41, %dma_wait3A_63] : memref<16384x256xf32, #tpu.memory_space<hbm>> -> memref<128x256xf32, #tpu.memory_space<hbm>>
      tpu.wait_dma2 semaphore(%run_scoped3A : memref<!tpu.dma_semaphore, #tpu.memory_space<semaphore_mem>>) src(%arg9 : memref<128x256xf32, #tpu.memory_space<vmem>>) dst(%dma_wait3A_64 : memref<128x256xf32, #tpu.memory_space<hbm>>)
      tpu.yield
    }) : () -> ()
    %dma_wait3A_42 = arith.constant 384 : i32
    %dma_wait3A_43 = tpu.memref_slice %arg8[%dma_wait3A_42] : memref<512xi32, #tpu.memory_space<vmem>> -> memref<128xi32, #tpu.memory_space<vmem>>
    %dma_wait3A_44 = arith.constant 0 : i32
    %dma_wait3A_45 = arith.constant 0 : i32
    %dma_wait3A_46 = tpu.memref_slice %arg2[%dma_wait3A_44, %dma_wait3A_45] : memref<1001x256xf32, #tpu.memory_space<hbm>> -> memref<1001x256xf32, #tpu.memory_space<hbm>>
    tpu.wait_indirect_dma semaphore(%arg14 : memref<!tpu.dma_semaphore, #tpu.memory_space<semaphore_mem>>) src(%dma_wait3A_46 : memref<1001x256xf32, #tpu.memory_space<hbm>>) dst(%arg10 : memref<128x256xf32, #tpu.memory_space<vmem>>)
    %add3A_47 = arith.constant 384 : i32
    %add3A_48 = arith.addi %mul3A_2, %add3A_47 : i32
    "tpu.region"() ({
      %run_scoped3A = tpu.sem_alloc : memref<!tpu.dma_semaphore, #tpu.memory_space<semaphore_mem>>
      %dma_start3A_57 = arith.constant 0 : i32
      %dma_start3A_58 = tpu.memref_slice %arg6[%add3A_48, %dma_start3A_57] : memref<16384x256xf32, #tpu.memory_space<hbm>> -> memref<128x256xf32, #tpu.memory_space<hbm>>
      %dma_start3A_59 = arith.constant 0 : i32
      %dma_start3A_60 = tpu.memref_slice %arg6[%add3A_48, %dma_start3A_59] : memref<16384x256xf32, #tpu.memory_space<hbm>> -> memref<128x256xf32, #tpu.memory_space<hbm>>
      tpu.enqueue_dma source(%arg10 : memref<128x256xf32, #tpu.memory_space<vmem>>) target(%dma_start3A_60 : memref<128x256xf32, #tpu.memory_space<hbm>>) target_semaphore(%run_scoped3A : memref<!tpu.dma_semaphore, #tpu.memory_space<semaphore_mem>>)
      %dma_wait3A_61 = arith.constant 0 : i32
      %dma_wait3A_62 = tpu.memref_slice %arg6[%add3A_48, %dma_wait3A_61] : memref<16384x256xf32, #tpu.memory_space<hbm>> -> memref<128x256xf32, #tpu.memory_space<hbm>>
      %dma_wait3A_63 = arith.constant 0 : i32
      %dma_wait3A_64 = tpu.memref_slice %arg6[%add3A_48, %dma_wait3A_63] : memref<16384x256xf32, #tpu.memory_space<hbm>> -> memref<128x256xf32, #tpu.memory_space<hbm>>
      tpu.wait_dma2 semaphore(%run_scoped3A : memref<!tpu.dma_semaphore, #tpu.memory_space<semaphore_mem>>) src(%arg10 : memref<128x256xf32, #tpu.memory_space<vmem>>) dst(%dma_wait3A_64 : memref<128x256xf32, #tpu.memory_space<hbm>>)
      tpu.yield
    }) : () -> ()
    %mul3A_49 = arith.constant 8 : i32
    %mul3A_50 = arith.muli %add3A, %mul3A_49 : i32
    "tpu.region"() ({
      %run_scoped3A = tpu.sem_alloc : memref<!tpu.dma_semaphore, #tpu.memory_space<semaphore_mem>>
      %dma_start3A_57 = tpu.memref_slice %arg5[%mul3A_50] : memref<256xi32, #tpu.memory_space<hbm>> -> memref<8xi32, #tpu.memory_space<hbm>>
      %dma_start3A_58 = tpu.memref_slice %arg5[%mul3A_50] : memref<256xi32, #tpu.memory_space<hbm>> -> memref<8xi32, #tpu.memory_space<hbm>>
      tpu.enqueue_dma source(%dma_start3A_58 : memref<8xi32, #tpu.memory_space<hbm>>) target(%arg11 : memref<8xi32, #tpu.memory_space<vmem>>) target_semaphore(%run_scoped3A : memref<!tpu.dma_semaphore, #tpu.memory_space<semaphore_mem>>)
      %dma_wait3A_59 = tpu.memref_slice %arg5[%mul3A_50] : memref<256xi32, #tpu.memory_space<hbm>> -> memref<8xi32, #tpu.memory_space<hbm>>
      %dma_wait3A_60 = tpu.memref_slice %arg5[%mul3A_50] : memref<256xi32, #tpu.memory_space<hbm>> -> memref<8xi32, #tpu.memory_space<hbm>>
      tpu.wait_dma2 semaphore(%run_scoped3A : memref<!tpu.dma_semaphore, #tpu.memory_space<semaphore_mem>>) src(%dma_wait3A_60 : memref<8xi32, #tpu.memory_space<hbm>>) dst(%arg11 : memref<8xi32, #tpu.memory_space<vmem>>)
      tpu.yield
    }) : () -> ()
    %dma_start3A_51 = arith.constant 0 : i32
    %dma_start3A_52 = arith.constant 0 : i32
    %dma_start3A_53 = tpu.memref_slice %arg4[%dma_start3A_51, %dma_start3A_52] : memref<1000x256xf32, #tpu.memory_space<hbm>> -> memref<1000x256xf32, #tpu.memory_space<hbm>>
    tpu.enqueue_indirect_dma source(%dma_start3A_53 : memref<1000x256xf32, #tpu.memory_space<hbm>>) target(%arg12 : memref<8x256xf32, #tpu.memory_space<vmem>>) offsets(%arg11 : memref<8xi32, #tpu.memory_space<vmem>>) semaphore(%arg13 : memref<!tpu.dma_semaphore, #tpu.memory_space<semaphore_mem>>)
    %dma_wait3A_54 = arith.constant 0 : i32
    %dma_wait3A_55 = arith.constant 0 : i32
    %dma_wait3A_56 = tpu.memref_slice %arg4[%dma_wait3A_54, %dma_wait3A_55] : memref<1000x256xf32, #tpu.memory_space<hbm>> -> memref<1000x256xf32, #tpu.memory_space<hbm>>
    tpu.wait_indirect_dma semaphore(%arg13 : memref<!tpu.dma_semaphore, #tpu.memory_space<semaphore_mem>>) src(%dma_wait3A_56 : memref<1000x256xf32, #tpu.memory_space<hbm>>) dst(%arg12 : memref<8x256xf32, #tpu.memory_space<vmem>>)
    "tpu.region"() ({
      %run_scoped3A = tpu.sem_alloc : memref<!tpu.dma_semaphore, #tpu.memory_space<semaphore_mem>>
      %dma_start3A_57 = arith.constant 0 : i32
      %dma_start3A_58 = tpu.memref_slice %arg7[%mul3A_50, %dma_start3A_57] : memref<256x256xf32, #tpu.memory_space<hbm>> -> memref<8x256xf32, #tpu.memory_space<hbm>>
      %dma_start3A_59 = arith.constant 0 : i32
      %dma_start3A_60 = tpu.memref_slice %arg7[%mul3A_50, %dma_start3A_59] : memref<256x256xf32, #tpu.memory_space<hbm>> -> memref<8x256xf32, #tpu.memory_space<hbm>>
      tpu.enqueue_dma source(%arg12 : memref<8x256xf32, #tpu.memory_space<vmem>>) target(%dma_start3A_60 : memref<8x256xf32, #tpu.memory_space<hbm>>) target_semaphore(%run_scoped3A : memref<!tpu.dma_semaphore, #tpu.memory_space<semaphore_mem>>)
      %dma_wait3A_61 = arith.constant 0 : i32
      %dma_wait3A_62 = tpu.memref_slice %arg7[%mul3A_50, %dma_wait3A_61] : memref<256x256xf32, #tpu.memory_space<hbm>> -> memref<8x256xf32, #tpu.memory_space<hbm>>
      %dma_wait3A_63 = arith.constant 0 : i32
      %dma_wait3A_64 = tpu.memref_slice %arg7[%mul3A_50, %dma_wait3A_63] : memref<256x256xf32, #tpu.memory_space<hbm>> -> memref<8x256xf32, #tpu.memory_space<hbm>>
      tpu.wait_dma2 semaphore(%run_scoped3A : memref<!tpu.dma_semaphore, #tpu.memory_space<semaphore_mem>>) src(%arg12 : memref<8x256xf32, #tpu.memory_space<vmem>>) dst(%dma_wait3A_64 : memref<8x256xf32, #tpu.memory_space<hbm>>)
      tpu.yield
    }) : () -> ()
    return
  }
}

module attributes {stable_mosaic.version = 14 : i64} {
  func.func @_tc_body(%arg0: i32, %arg1: memref<64x64x256xf32, #tpu.memory_space<vmem>>, %arg2: memref<64x64x256xf32, #tpu.memory_space<vmem>>, %arg3: memref<64x256xf32, #tpu.memory_space<vmem>>, %arg4: memref<4096x1xf32, #tpu.memory_space<vmem>>, %arg5: memref<512x512xf32, #tpu.memory_space<vmem>>, %arg6: memref<1x512xf32, #tpu.memory_space<vmem>>, %arg7: memref<1x512xf32, #tpu.memory_space<vmem>>, %arg8: memref<64x256xf32, #tpu.memory_space<vmem>>) attributes {dimension_semantics = [#tpu.dimension_semantics<arbitrary>], iteration_bounds = array<i64: 4>, scalar_prefetch = 0 : i64, scratch_operands = 0 : i64, tpu.core_type = #tpu.core_type<tc>, window_params = [{transform_indices = @transform_0, window_bounds = array<i64: 64, 64, 256>}, {transform_indices = @transform_1, window_bounds = array<i64: 64, 64, 256>}, {transform_indices = @transform_2, window_bounds = array<i64: 64, 256>}, {transform_indices = @transform_3, window_bounds = array<i64: 4096, 1>}, {pipeline_mode = #tpu.pipeline_mode<synchronous>, transform_indices = @transform_4, window_bounds = array<i64: 512, 512>}, {pipeline_mode = #tpu.pipeline_mode<synchronous>, transform_indices = @transform_5, window_bounds = array<i64: 1, 512>}, {pipeline_mode = #tpu.pipeline_mode<synchronous>, transform_indices = @transform_6, window_bounds = array<i64: 1, 512>}, {transform_indices = @transform_7, window_bounds = array<i64: 64, 256>}]} {
    %get3A = arith.constant 0 : index
    %get3A_0 = arith.constant 0 : index
    %get3A_1 = arith.constant 0 : index
    %get3A_2 = vector.load %arg1[%get3A, %get3A_0, %get3A_1] : memref<64x64x256xf32, #tpu.memory_space<vmem>>, vector<64x64x256xf32>
    %reshape3A = vector.shape_cast %get3A_2 : vector<64x64x256xf32> to vector<4096x256xf32>
    %get3A_3 = arith.constant 0 : index
    %get3A_4 = arith.constant 0 : index
    %get3A_5 = arith.constant 0 : index
    %get3A_6 = vector.load %arg2[%get3A_3, %get3A_4, %get3A_5] : memref<64x64x256xf32, #tpu.memory_space<vmem>>, vector<64x64x256xf32>
    %reshape3A_7 = vector.shape_cast %get3A_6 : vector<64x64x256xf32> to vector<4096x256xf32>
    %mul3A = arith.mulf %reshape3A_7, %reshape3A_7 : vector<4096x256xf32>
    %reduce_sum3A = arith.constant dense<0.000000e+00> : vector<4096xf32>
    %reduce_sum3A_8 = vector.multi_reduction <add>, %mul3A, %reduce_sum3A [1] : vector<4096x256xf32> to vector<4096xf32>
    %broadcast_in_dim3A = vector.shape_cast %reduce_sum3A_8 : vector<4096xf32> to vector<4096x1xf32>
    %mul3A_9 = arith.mulf %reshape3A, %reshape3A_7 : vector<4096x256xf32>
    %reduce_sum3A_10 = arith.constant dense<0.000000e+00> : vector<4096xf32>
    %reduce_sum3A_11 = vector.multi_reduction <add>, %mul3A_9, %reduce_sum3A_10 [1] : vector<4096x256xf32> to vector<4096xf32>
    %broadcast_in_dim3A_12 = vector.shape_cast %reduce_sum3A_11 : vector<4096xf32> to vector<4096x1xf32>
    %max3A = arith.constant 1.000000e-24 : f32
    %max3A_13 = vector.broadcast %max3A : f32 to vector<4096x1xf32>
    %max3A_14 = arith.maximumf %broadcast_in_dim3A, %max3A_13 : vector<4096x1xf32>
    %div3A = arith.divf %broadcast_in_dim3A_12, %max3A_14 : vector<4096x1xf32>
    %mul3A_15 = vector.broadcast %div3A : vector<4096x1xf32> to vector<4096x256xf32>
    %mul3A_16 = arith.mulf %mul3A_15, %reshape3A_7 : vector<4096x256xf32>
    %sub3A = arith.subf %reshape3A, %mul3A_16 : vector<4096x256xf32>
    %get3A_17 = arith.constant 0 : index
    %get3A_18 = arith.constant 0 : index
    %get3A_19 = vector.load %arg5[%get3A_17, %get3A_18] : memref<512x512xf32, #tpu.memory_space<vmem>>, vector<512x256xf32>
    %convert_element_type3A = arith.truncf %get3A_19 : vector<512x256xf32> to vector<512x256xbf16>
    %get3A_20 = arith.constant 0 : index
    %get3A_21 = arith.constant 256 : index
    %get3A_22 = vector.load %arg5[%get3A_20, %get3A_21] : memref<512x512xf32, #tpu.memory_space<vmem>>, vector<512x256xf32>
    %convert_element_type3A_23 = arith.truncf %get3A_22 : vector<512x256xf32> to vector<512x256xbf16>
    %get3A_24 = arith.constant 0 : index
    %get3A_25 = arith.constant 0 : index
    %get3A_26 = vector.load %arg3[%get3A_24, %get3A_25] : memref<64x256xf32, #tpu.memory_space<vmem>>, vector<64x256xf32>
    %convert_element_type3A_27 = arith.truncf %get3A_26 : vector<64x256xf32> to vector<64x256xbf16>
    %dot_general3A = arith.constant dense<0.000000e+00> : vector<64x512xf32>
    %dot_general3A_28 = tpu.matmul %convert_element_type3A_27, %convert_element_type3A, %dot_general3A {dimension_numbers = #tpu.dot_dimension_numbers<[1], [1], [0], [0], [0, 0, 1, 0], [], []>, transpose_lhs_hint = false} : vector<64x256xbf16>, vector<512x256xbf16>, vector<64x512xf32> -> vector<64x512xf32>
    %get3A_29 = arith.constant 0 : index
    %get3A_30 = arith.constant 0 : index
    %get3A_31 = vector.load %arg6[%get3A_29, %get3A_30] : memref<1x512xf32, #tpu.memory_space<vmem>>, vector<1x512xf32>
    %add3A = vector.broadcast %get3A_31 : vector<1x512xf32> to vector<64x512xf32>
    %add3A_32 = arith.addf %dot_general3A_28, %add3A : vector<64x512xf32>
    %convert_element_type3A_33 = arith.truncf %sub3A : vector<4096x256xf32> to vector<4096x256xbf16>
    %dot_general3A_34 = arith.constant dense<0.000000e+00> : vector<4096x512xf32>
    %dot_general3A_35 = tpu.matmul %convert_element_type3A_33, %convert_element_type3A_23, %dot_general3A_34 {dimension_numbers = #tpu.dot_dimension_numbers<[1], [1], [0], [0], [0, 0, 1, 0], [], []>, transpose_lhs_hint = false} : vector<4096x256xbf16>, vector<512x256xbf16>, vector<4096x512xf32> -> vector<4096x512xf32>
    %reshape3A_36 = vector.shape_cast %dot_general3A_35 : vector<4096x512xf32> to vector<64x64x512xf32>
    %broadcast_in_dim3A_37 = vector.shape_cast %add3A_32 : vector<64x512xf32> to vector<64x1x512xf32>
    %add3A_38 = vector.broadcast %broadcast_in_dim3A_37 : vector<64x1x512xf32> to vector<64x64x512xf32>
    %add3A_39 = arith.addf %reshape3A_36, %add3A_38 : vector<64x64x512xf32>
    %tanh3A = math.tanh %add3A_39 : vector<64x64x512xf32>
    %get3A_40 = arith.constant 0 : index
    %get3A_41 = arith.constant 0 : index
    %get3A_42 = vector.load %arg7[%get3A_40, %get3A_41] : memref<1x512xf32, #tpu.memory_space<vmem>>, vector<1x512xf32>
    %convert_element_type3A_43 = arith.truncf %get3A_42 : vector<1x512xf32> to vector<1x512xbf16>
    %broadcast_in_dim3A_44 = vector.shape_cast %convert_element_type3A_43 : vector<1x512xbf16> to vector<1x512xbf16>
    %broadcast_in_dim3A_45 = vector.broadcast %broadcast_in_dim3A_44 : vector<1x512xbf16> to vector<8x512xbf16>
    %reshape3A_46 = vector.shape_cast %tanh3A : vector<64x64x512xf32> to vector<4096x512xf32>
    %convert_element_type3A_47 = arith.truncf %reshape3A_46 : vector<4096x512xf32> to vector<4096x512xbf16>
    %dot_general3A_48 = arith.constant dense<0.000000e+00> : vector<4096x8xf32>
    %dot_general3A_49 = tpu.matmul %convert_element_type3A_47, %broadcast_in_dim3A_45, %dot_general3A_48 {dimension_numbers = #tpu.dot_dimension_numbers<[1], [1], [0], [0], [0, 0, 1, 0], [], []>, transpose_lhs_hint = false} : vector<4096x512xbf16>, vector<8x512xbf16>, vector<4096x8xf32> -> vector<4096x8xf32>
    %slice3A = vector.extract_strided_slice %dot_general3A_49 {offsets = [0, 0], sizes = [4096, 1], strides = [1, 1]} : vector<4096x8xf32> to vector<4096x1xf32>
    %exp3A = math.exp %slice3A : vector<4096x1xf32>
    %reshape3A_50 = vector.shape_cast %exp3A : vector<4096x1xf32> to vector<64x64x1xf32>
    %reduce_sum3A_51 = arith.constant dense<0.000000e+00> : vector<64x1xf32>
    %reduce_sum3A_52 = vector.multi_reduction <add>, %reshape3A_50, %reduce_sum3A_51 [1] : vector<64x64x1xf32> to vector<64x1xf32>
    %div3A_53 = arith.constant 1.000000e+00 : f32
    %div3A_54 = vector.broadcast %div3A_53 : f32 to vector<64x1xf32>
    %div3A_55 = arith.divf %div3A_54, %reduce_sum3A_52 : vector<64x1xf32>
    %reshape3A_56 = vector.shape_cast %div3A_55 : vector<64x1xf32> to vector<64x1x1xf32>
    %broadcast_in_dim3A_57 = vector.shape_cast %reshape3A_56 : vector<64x1x1xf32> to vector<64x1x1xf32>
    %broadcast_in_dim3A_58 = vector.broadcast %broadcast_in_dim3A_57 : vector<64x1x1xf32> to vector<64x64x1xf32>
    %reshape3A_59 = vector.shape_cast %broadcast_in_dim3A_58 : vector<64x64x1xf32> to vector<4096x1xf32>
    %mul3A_60 = arith.mulf %exp3A, %reshape3A_59 : vector<4096x1xf32>
    %get3A_61 = arith.constant 0 : index
    %get3A_62 = arith.constant 0 : index
    %get3A_63 = vector.load %arg4[%get3A_61, %get3A_62] : memref<4096x1xf32, #tpu.memory_space<vmem>>, vector<4096x1xf32>
    %add3A_64 = arith.addf %mul3A_60, %get3A_63 : vector<4096x1xf32>
    %mul3A_65 = vector.broadcast %add3A_64 : vector<4096x1xf32> to vector<4096x256xf32>
    %mul3A_66 = arith.mulf %mul3A_65, %sub3A : vector<4096x256xf32>
    %reshape3A_67 = vector.shape_cast %mul3A_66 : vector<4096x256xf32> to vector<64x64x256xf32>
    %reduce_sum3A_68 = arith.constant dense<0.000000e+00> : vector<64x256xf32>
    %reduce_sum3A_69 = vector.multi_reduction <add>, %reshape3A_67, %reduce_sum3A_68 [1] : vector<64x64x256xf32> to vector<64x256xf32>
    %swap3A = arith.constant 0 : index
    %swap3A_70 = arith.constant 0 : index
    %swap3A_71 = vector.load %arg8[%swap3A, %swap3A_70] : memref<64x256xf32, #tpu.memory_space<vmem>>, vector<64x256xf32>
    tpu.vector_store %arg8[%swap3A, %swap3A_70], %reduce_sum3A_69 {strides = array<i32>} : memref<64x256xf32, #tpu.memory_space<vmem>>, vector<64x256xf32>,
    return
  }
  func.func @transform_0(%arg0: i32) -> (i32, i32, i32) {
    %c0_i32 = arith.constant 0 : i32
    %c0_i32_0 = arith.constant 0 : i32
    %c0_i32_1 = arith.constant 0 : i32
    return %arg0, %c0_i32, %c0_i32_0 : i32, i32, i32
  }
  func.func @transform_1(%arg0: i32) -> (i32, i32, i32) {
    %c0_i32 = arith.constant 0 : i32
    %c0_i32_0 = arith.constant 0 : i32
    %c0_i32_1 = arith.constant 0 : i32
    return %arg0, %c0_i32, %c0_i32_0 : i32, i32, i32
  }
  func.func @transform_2(%arg0: i32) -> (i32, i32) {
    %c0_i32 = arith.constant 0 : i32
    %c0_i32_0 = arith.constant 0 : i32
    return %arg0, %c0_i32 : i32, i32
  }
  func.func @transform_3(%arg0: i32) -> (i32, i32) {
    %c0_i32 = arith.constant 0 : i32
    %c0_i32_0 = arith.constant 0 : i32
    return %arg0, %c0_i32 : i32, i32
  }
  func.func @transform_4(%arg0: i32) -> (i32, i32) {
    %c0_i32 = arith.constant 0 : i32
    %c0_i32_0 = arith.constant 0 : i32
    %c0_i32_1 = arith.constant 0 : i32
    return %c0_i32, %c0_i32_0 : i32, i32
  }
  func.func @transform_5(%arg0: i32) -> (i32, i32) {
    %c0_i32 = arith.constant 0 : i32
    %c0_i32_0 = arith.constant 0 : i32
    %c0_i32_1 = arith.constant 0 : i32
    return %c0_i32, %c0_i32_0 : i32, i32
  }
  func.func @transform_6(%arg0: i32) -> (i32, i32) {
    %c0_i32 = arith.constant 0 : i32
    %c0_i32_0 = arith.constant 0 : i32
    %c0_i32_1 = arith.constant 0 : i32
    return %c0_i32, %c0_i32_0 : i32, i32
  }
  func.func @transform_7(%arg0: i32) -> (i32, i32) {
    %c0_i32 = arith.constant 0 : i32
    %c0_i32_0 = arith.constant 0 : i32
    return %arg0, %c0_i32 : i32, i32
  }
}

</mosaic_0001>

<sc_bundles>
// kernel: _pipelined.10.cloned.1.call-start
scs
__scs_entry_jumppad:
0x0: {  	(pc) =	sbr.rel $0x88, $3  }
0x1: {  	(tag) =	ssettag $0x0;
	lr =	simm.s32 $0x1  }
0x2: {  	[smem:$0x3F98] =	sst lr;
	_ =	strace $0xD0000000  }
0x3: {  	_ = 	snop  }
0x4: {  	_ = 	snop  }
0x5: {  	_ = 	snop  }
0x6: {  	_ = 	snop  }
0x7: {  	_ = 	snop  }
__scs_overlays_trampoline_lowered:
0x8: {  	[smem:$0x3FA7] =	sst s0  }
0x9: {  	[smem:$0x3FA8] =	sst s1  }
0xa: {  	[smem:$0x3FA9] =	sst s2  }
0xb: {  	[smem:$0x3FAA] =	sst s3  }
0xc: {  	[smem:$0x3FAB] =	sst s4  }
0xd: {  	[smem:$0x3FAC] =	sst s5  }
0xe: {  	[smem:$0x3FAD] =	sst s6  }
0xf: {  	[smem:$0x3FAE] =	sst s7  }
0x10: {  	[smem:$0x3FAF] =	sst s8  }
0x11: {  	[smem:$0x3FB0] =	sst s9;
	s0 =	simm.s32 @!p0 $0x0  }
0x12: {  	s1 =	sld [smem:$0x3F96];
	s0 =	simm.s32 @p0 $0x1  }
0x13: {  	[smem:$0x3FB1] =	sst s0;
	s0 =	simm.s32 @!p1 $0x0  }
0x14: {  	s2 =	sld [smem:$0x3F95];
	s0 =	simm.s32 @p1 $0x1  }
0x15: {  	[smem:$0x3FB2] =	sst s0;
	s0 =	simm.s32 @!p2 $0x0  }
0x16: {  	s3 =	sld [smem:$0x3FDB];
	s0 =	simm.s32 @p2 $0x1  }
0x17: {  	s4 =	simm.s32 $0x1BF5;
	[smem:$0x3FB4] =	sst s0  }
0x18: {  	s0 =	sld [smem:$0x3F97];
	_ =	swait.ge [sflag:s4], $0x0  }
0x19: {  	s7 =	sld [smem:$0x3F98]  }
0x1a: {  	s8 =	sadd.s32 $0xFFFFE003, lr  }
0x1b: {  	s9 =	sadd.s32 $0xFFFFFEF7, lr;
	s5 =	simm.s32 $0xFFFFFFFF;
	p2 =	slt.u32 s8, $0xFFFFF086  }
0x1c: {  	p1 =	slt.u32 s9, $0xF7A;
	s5 =	simm.s32 @!p2 $0x0  }
0x1d: {  	s5 =	simm.s32 @p1 $0x1;
	p0 =	seq.s32 s7, s2  }
0x1e: {  	s7 =	smul.u32 @!p0 $0xF7A, s2;
	p2 =	seq.s32 @!p0 s5, $0x0  }
0x1f: {  	s9 =	smul.u32 $0xF7A, s1;
	s8 =	simm.s32 @!p0 $0x1BF5;
	p2 =	por !p2, p0  }
0x20: {  	[sflag:s8] =	ssyncset.s32 @!p0 $0xFFFFF086;
	s6 =	sadd.s32 @!p0 s3, s7;
	s7 =	simm.s32 @!p0 $0x108  }
0x21: {  	s3 =	sadd.s32 s3, s9;
	s6 =	sadd.s32 @!p0 $0x88, s6;
	s7 =	simm.s32 @p2 $0x1082  }
0x22: {  	[simem:s7], [sflag:s8] =	dma.local @!p0 [hbm:s6], $0xF7A  }
0x23: {  	s9 =	sor.u32 $0xD0000000, s2;
	s6 =	simm.s32 $0x108;
	_ =	swait.ge @!p0 [sflag:s8], $0x0  }
0x24: {  	s3 =	sadd.s32 $0x88, s3;
	s6 =	simm.s32 @!p1 $0x1082;
	[sflag:s4] =	ssyncset.s32 $0xFFFFF086  }
0x25: {  	[simem:s6], [sflag:s4] =	dma.local [hbm:s3], $0xF7A  }
0x26: {  	[smem:$0x3F98] =	sst s1;
	(tag) =	ssettag s2;
	_ =	strace s9  }
0x27: {  	s1 =	sld [smem:$0x3FA8]  }
0x28: {  	s2 =	sld [smem:$0x3FA9]  }
0x29: {  	s4 =	sld [smem:$0x3FAB]  }
0x2a: {  	p0 =	seq.s32 s5, $0x0;
	s5 =	sld [smem:$0x3FAC]  }
0x2b: {  	s6 =	sld [smem:$0x3FAD]  }
0x2c: {  	s7 =	sld [smem:$0x3FAE]  }
0x2d: {  	s3 =	simm.s32 $0x108;
	s8 =	sld [smem:$0x3FAF]  }
0x2e: {  	s3 =	simm.s32 @!p0 $0x1082;
	s9 =	sld [smem:$0x3FB0]  }
0x2f: {  	lr =	sadd.s32 s0, s3;
	s0 =	sld [smem:$0x3FA7]  }
0x30: {  	s3 =	sld [smem:$0x3FAA]  }
0x31: {  	[smem:$0x3FB3] =	sst s10  }
0x32: {  	s10 =	sld [smem:$0x3FB1];
	_ =	sdelay $0x3  }
0x33: {  	p0 =	seq.s32 s10, $0x1;
	s10 =	sld [smem:$0x3FB3];
	_ =	sdelay $0x3  }
0x34: {  	[smem:$0x3FB3] =	sst s10  }
0x35: {  	s10 =	sld [smem:$0x3FB2];
	_ =	sdelay $0x3  }
0x36: {  	p1 =	seq.s32 s10, $0x1;
	s10 =	sld [smem:$0x3FB3];
	_ =	sdelay $0x3  }
0x37: {  	[smem:$0x3FB3] =	sst s10  }
0x38: {  	s10 =	sld [smem:$0x3FB4]  }
0x39: {  	_ = 	snop;
	(pc) =	sbr.ind lr, $3  }
0x3a: {  	_ = 	snop  }
0x3b: {  	_ = 	snop  }
0x3c: {  	p2 =	seq.s32 s10, $0x1;
	s10 =	sld [smem:$0x3FB3]  }
0x3d: {  	_ =	shalt  }
0x3e: {  	_ =	shalt  }
0x3f: {  	_ =	shalt  }
0x40: {  	_ =	shalt  }
0x41: {  	_ =	shalt  }
0x42: {  	_ =	shalt  }
0x43: {  	_ =	shalt  }
0x44: {  	_ =	shalt  }
0x45: {  	_ =	shalt  }
0x46: {  	_ =	shalt  }
0x47: {  	_ =	shalt  }
0x48: {  	_ =	shalt  }
0x49: {  	_ =	shalt  }
0x4a: {  	_ =	shalt  }
0x4b: {  	_ =	shalt  }
0x4c: {  	_ =	shalt  }
0x4d: {  	_ =	shalt  }
0x4e: {  	_ =	shalt  }
0x4f: {  	_ =	shalt  }
0x50: {  	_ =	shalt  }
0x51: {  	_ =	shalt  }
0x52: {  	_ =	shalt  }
0x53: {  	_ =	shalt  }
0x54: {  	_ =	shalt  }
0x55: {  	_ =	shalt  }
0x56: {  	_ =	shalt  }
0x57: {  	_ =	shalt  }
0x58: {  	_ =	shalt  }
0x59: {  	_ =	shalt  }
0x5a: {  	_ =	shalt  }
0x5b: {  	_ =	shalt  }
0x5c: {  	_ =	shalt  }
0x5d: {  	_ =	shalt  }
0x5e: {  	_ =	shalt  }
0x5f: {  	_ =	shalt  }
0x60: {  	_ =	shalt  }
0x61: {  	_ =	shalt  }
0x62: {  	_ =	shalt  }
0x63: {  	_ =	shalt  }
0x64: {  	_ =	shalt  }
0x65: {  	_ =	shalt  }
0x66: {  	_ =	shalt  }
0x67: {  	_ =	shalt  }
0x68: {  	_ =	shalt  }
0x69: {  	_ =	shalt  }
0x6a: {  	_ =	shalt  }
0x6b: {  	_ =	shalt  }
0x6c: {  	_ =	shalt  }
0x6d: {  	_ =	shalt  }
0x6e: {  	_ =	shalt  }
0x6f: {  	_ =	shalt  }
0x70: {  	_ =	shalt  }
0x71: {  	_ =	shalt  }
0x72: {  	_ =	shalt  }
0x73: {  	_ =	shalt  }
0x74: {  	_ =	shalt  }
0x75: {  	_ =	shalt  }
0x76: {  	_ =	shalt  }
0x77: {  	_ =	shalt  }
0x78: {  	_ =	shalt  }
0x79: {  	_ =	shalt  }
0x7a: {  	_ =	shalt  }
0x7b: {  	_ =	shalt  }
0x7c: {  	_ =	shalt  }
0x7d: {  	_ =	shalt  }
0x7e: {  	_ =	shalt  }
0x7f: {  	_ =	shalt  }
0x80: {  	_ =	shalt  }
0x81: {  	_ =	shalt  }
0x82: {  	_ =	shalt  }
0x83: {  	_ =	shalt  }
0x84: {  	_ =	shalt  }
0x85: {  	_ =	shalt  }
0x86: {  	_ =	shalt  }
0x87: {  	_ =	shalt  }
.Lfunc_end0:
.L_simem_size_0:
called_computation_lowered:
.L_overlay_start_0:
0x88: {  	s2 =	sld [smem:$0x3FD9]  }
0x89: {  	s3 =	sld [smem:$0x3FFE];
	_ =	sdelay $0x1  }
0x8a: {  	s1 =	srdreg.scid  }
0x8b: {  	s0 =	sand.u32 $0x1, s1  }
0x8c: {  	s17 =	sshll.u32 s0, $0xA;
	s2 =	sadd.s32 s3, s2  }
0x8d: {  	s2 =	sadd.s32 s2, s17  }
0x8e: {  	[smem:$0x3FBF] =	sst s2  }
0x8f: {  	_ = 	snop  }
0x90: {  	s2 =	sld [smem:$0x3FC5]  }
0x91: {  	s18 =	sld [smem:$0x3FC4];
	(tm) =	ssettm $0x1  }
0x92: {  	s4 =	sld [smem:$0x3FFB];
	_ =	sdelay $0x3  }
0x93: {  	_ =	strace s4  }
0x94: {  	s4 =	sld [smem:$0x3FFC];
	_ =	sdelay $0x3  }
0x95: {  	_ =	strace s4  }
0x96: {  	s4 =	sld [smem:$0x3FFD];
	_ =	sdelay $0x3  }
0x97: {  	_ =	strace s4  }
0x98: {  	_ =	strace $0x8FFFFFFF  }
0x99: {  	s19 =	sld [smem:$0x3FDB];
	_ =	sdelay $0x1  }
0x9a: {  	s5 =	simm.s32 $_scs_section_size  }
0x9b: {  	s6 =	simm.s32 $_size__tile_overlayer_lowered;
	s7 =	simm.s32 $_tile_overlayer_lowered  }
0x9c: {  	s22 =	simm.s32 $0x1BFF;
	s21 =	sshll.u32 s7, $0x1;
	s4 =	sadd.s32 s5, s19  }
0x9d: {  	s8 =	simm.s32 $0x0;
	s20 =	sshll.u32 s6, $0x1;
	s6 =	sadd.s32 s21, s4  }
0x9e: {  	[timem:s8], [sflag:s22] =	dma.local [hbm:s6], s20  }
0x9f: {  	_ =	swait.ge [sflag:s22], s20  }
0xa0: {  	s5 =	ssub.s32 $0x0, s20;
	[sflag:s22] =	ssyncset.done $0x0  }
0xa1: {  	[sflag:s22] =	ssyncadd.s32 s5;
	_ =	sdelay $0x1  }
0xa2: {  	s23 =	simm.s32 $0x1B8B  }
0xa3: {  	_ =	swait.ge [sflag:s23], $0x1  }
0xa4: {  	[sflag:s23] =	ssyncset.done $0x0  }
0xa5: {  	s25 =	simm.s32 $0x1B8E;
	s24 =	sld [smem:$0x3FFE];
	[sflag:s23] =	ssyncadd.s32 $0xFFFFFFFF  }
0xa6: {  	s26 =	simm.s32 $execute0_lowered;
	[smem:$0x3FD2] =	sst s25  }
0xa7: {  	s6 =	sshll.u32 s26, $0x1;
	_ =	strace $0x80000046;
	[dreg:$0x1] =	wrdreg $0xFFFFFFFF  }
0xa8: {  	s28 =	simm.s32 $_size_execute0_lowered;
	s4 =	sadd.s32 s4, s6;
	[dreg:$0x0] =	wrdreg $0x0  }
0xa9: {  	s6 =	sshll.u32 s28, $0x1;
	[dreg:$0x2] =	wrdreg s4  }
0xaa: {  	[dreg:$0x3] =	wrdreg s6  }
0xab: {  	[dreg:$0x4] =	wrdreg $0xC0  }
0xac: {  	_ =	task [dreg:s8], $0x5FFFF  }
0xad: {  	[dreg:$0x1] =	wrdreg $0xFFFFFFFF  }
0xae: {  	[dreg:$0x0] =	wrdreg $0x60  }
0xaf: {  	[dreg:$0x2] =	wrdreg s2  }
0xb0: {  	[dreg:$0x3] =	wrdreg s24  }
0xb1: {  	[dreg:$0x4] =	wrdreg s18  }
0xb2: {  	[dreg:$0x5] =	wrdreg $0x9  }
0xb3: {  	_ =	task.clear_ibuf [dreg:s8], $0x6FFFF;
	_ =	strace $0x90000046  }
0xb4: {  	s29 =	simm.s32 $0x9;
	_ =	strace $0x80000048  }
0xb5: {  	_ =	swait.ge [sflag:s29], $0x1  }
0xb6: {  	[sflag:s29] =	ssyncadd.s32 $0xFFFFFFFF  }
0xb7: {  	_ =	strace $0x90000048  }
0xb8: {  	_ =	sfence  }
0xb9: {  	s30 =	sld [smem:$0x0];
	_ =	sdelay $0x2  }
0xba: {  	s31 =	sshll.u32 s1, $0xD;
	s1 =	sshrl.u32 s1, $0x2  }
0xbb: {  	s3 =	sand.u32 $0x4000, s31;
	s1 =	sadd.s32 s1, s30  }
0xbc: {  	s0 =	sor.u32 s3, s0;
	s1 =	sshll.u32 s1, $0x11  }
0xbd: {  	s0 =	sor.u32 s1, s0  }
0xbe: {  	s0 =	sadd.s32 $0x8F2B, s0  }
0xbf: {  	[sflag:s0] =	ssyncadd.remote.s32 $0x1  }
0xc0: {  	_ =	sfence.sel $0xFFFF  }
0xc1: {  	[dreg:$0x0] =	wrdreg $0xFFFFFFFF;
	(pc) =	sbr.abs _section_cstart, $3  }
0xc2: {  	[dreg:$0x1] =	wrdreg $0xFFFFFFFF  }
0xc3: {  	_ =	task.clear_ibuf [dreg:s8], $0x2FFFF;
	_ =	strace $0x9FFFFFFF  }
0xc4: {  	(tm) =	ssettm $0x7FFFFFFF  }
0xc5: {  	_ =	shalt  }
tec
execute0_lowered:
.L_overlay_start_1:
0x0: {  	(tag) =	ssettag $0x1  }
0x1: {  	s1 =	rddreg [dreg:$0x0]  }
0x2: {  	s0 =	rddreg [dreg:$0x1];
	s2 =	srdreg.scid  }
0x3: {  	s4 =	stileid.u32;
	s3 =	rddreg [dreg:$0x2];
	s26 =	simm.s32 $0x10200  }
0x4: {  	s12 =	simm.s32 $0x1;
	s17 =	simm.s32 $0x1200;
	s18 =	simm.s32 $0x1A00  }
0x5: {  	s19 =	simm.s32 $0x2200;
	s28 =	simm.s32 $0x5A00;
	s29 =	simm.s32 $0x6200  }
0x6: {  	s30 =	simm.s32 $0x6A00;
	s31 =	simm.s32 $0x7200;
	s13 =	simm.s32 $0x8200  }
0x7: {  	s8 =	simm.s32 $0x9A00;
	s9 =	simm.s32 $0xA200;
	s10 =	simm.s32 $0xAA00  }
0x8: {  	s11 =	simm.s32 $0xB200;
	s14 =	simm.s32 $0xBA00;
	s2 =	sand.u32 $0x1, s2  }
0x9: {  	s4 =	sshll.u32 s4, $0x1;
	[dreg:$0x4] =	wrdreg s3;
	s3 =	simm.s32 $0x0  }
0xa: {  	s4 =	sor.u32 s2, s4;
	[smem:$0x7FF] =	sst s3;
	s2 =	ssub.s32 $0x2, s2  }
0xb: {  	s5 =	sshll.u32 s4, $0x6;
	s6 =	sshll.u32 s4, $0xE;
	_ =	strace $0x80000047  }
0xc: {  	s7 =	sadd.s32 s4, s0;
	s4 =	sshll.u32 s4, $0x8;
	s25 =	sshrl.u32 s2, $0x1  }
0xd: {  	[dreg:$0xc] =	wrdreg s26;
	s26 =	simm.s32 $0x5200;
	s5 =	sadd.s32 s5, s0  }
0xe: {  	s6 =	sadd.s32 s6, s0;
	s0 =	sadd.s32 s4, s0;
	s24 =	sadd.s32 $0x4200, s7  }
0xf: {  	s2 =	ssub.s32 s2, s25;
	s5 =	sadd.s32 $0x3A00, s5;
	[dreg:$0xa] =	wrdreg s24  }
0x10: {  	s25 =	simm.s32 $0x4A00;
	s20 =	sadd.s32 $0x6A00, s6;
	[dreg:$0x5] =	wrdreg s5  }
0x11: {  	s7 =	simm.s32 $0x9200;
	s21 =	sadd.s32 $0x7A00, s6;
	[dreg:$0x6] =	wrdreg s20  }
0x12: {  	s22 =	sadd.s32 $0x8A00, s6;
	s23 =	sadd.s32 $0x9A00, s6;
	[dreg:$0x7] =	wrdreg s21  }
0x13: {  	s0 =	sadd.s32 $0x4A00, s0;
	s4 =	smax.u32 s2, $0x1;
	[dreg:$0x8] =	wrdreg s22  }
0x14: {  	v2 =	vlaneseq.u32;
	s24 =	simm.s32 $0x4200;
	s6 =	simm.s32 $0xC200;
	[dreg:$0x9] =	wrdreg s23  }
0x15: {  	vm0 =	vmmov $0xffff;
	v1 =	vshrl.u32 v2, $0x3;
	[dreg:$0xb] =	wrdreg s0;
	s5 =	simm.s32 $0x3;
	s20 =	simm.s32 $0x2A00  }
0x16: {  	v0 =	vand.u32 $0x7, v2;
	v2 =	vor.u32 $0x8, v2;
	v1 =	vmul.u32 $0x8, v1;
	s21 =	simm.s32 $0x3200;
	s23 =	simm.s32 $0x3A00;
	s22 =	simm.s32 $0xCA00  }
.LBB2_1:
0x17: {  	s15 =	rddreg [dreg:$0x5]  }
0x18: {  	[tilespmem:s3], [sflag:$0x3] =	stream.linear.gather [hbm4b:s15+s3], $0x200, $0x38;
	[tilespmem:$0x10A80] =	vst v63  }
0x19: {  	_ =	swait.ge [sflag:s5], $0x200  }
0x1a: {  	[sflag:s5] =	ssyncset.done $0x0  }
0x1b: {  	[sflag:s5] =	ssyncadd.s32 $0xFFFFFE00  }
0x1c: {  	v3 =	vld [tilespmem:$0x0];
	_ =	sdelay $0x4  }
0x1d: {  	v4 =	vshll.u32 v3, $0x1  }
0x1e: {  	v3 =	vand.u32 $0x7, v3;
	v4 =	vand.u32 $0xFFFFFFF0, v4  }
0x1f: {  	v3 =	vor.u32 v3, v4  }
0x20: {  	v4 =	vperm.xlane v3, v0;
	_ =	sdelay $0x1  }
0x21: {  	v3 =	vperm.xlane v3, v2;
	v4 =	vadd.s32 v1, v4;
	_ =	sdelay $0x1  }
0x22: {  	v3 =	vadd.s32 v1, v3;
	_ =	sdelay $0x1  }
0x23: {  	s0 =	simm.s32 $0x200  }
0x24: {  	[tilespmem:s0], [sflag:$0x1] =	stream.indirect_vreg.gather [hbm4b:s1+s3], $0x80, v4, vm0, $0xb8;
	[tilespmem:$0x10A80] =	vst v63  }
0x25: {  	s16 =	simm.s32 $0xA00  }
0x26: {  	[tilespmem:s16], [sflag:$0x1] =	stream.indirect_vreg.gather [hbm4b:s1+s3], $0x80, v3, vm0, $0xb8;
	[tilespmem:$0x10A80] =	vst v63  }
0x27: {  	v3 =	vld [tilespmem:$0x10];
	_ =	sdelay $0x4  }
0x28: {  	v32 =	vshll.u32 v3, $0x1  }
0x29: {  	v3 =	vand.u32 $0x7, v3;
	v4 =	vand.u32 $0xFFFFFFF0, v32  }
0x2a: {  	v3 =	vor.u32 v3, v4  }
0x2b: {  	v4 =	vperm.xlane v3, v0;
	_ =	sdelay $0x1  }
0x2c: {  	v3 =	vperm.xlane v3, v2;
	v4 =	vadd.s32 v1, v4;
	_ =	sdelay $0x1  }
0x2d: {  	v3 =	vadd.s32 v1, v3;
	_ =	sdelay $0x2  }
0x2e: {  	[tilespmem:s17], [sflag:$0x1] =	stream.indirect_vreg.gather [hbm4b:s1+s3], $0x80, v4, vm0, $0xb8;
	[tilespmem:$0x10A80] =	vst v63  }
0x2f: {  	_ = 	snop  }
0x30: {  	[tilespmem:s18], [sflag:$0x1] =	stream.indirect_vreg.gather [hbm4b:s1+s3], $0x80, v3, vm0, $0xb8;
	[tilespmem:$0x10A80] =	vst v63  }
0x31: {  	v3 =	vld [tilespmem:$0x20];
	_ =	sdelay $0x4  }
0x32: {  	v33 =	vshll.u32 v3, $0x1  }
0x33: {  	v3 =	vand.u32 $0x7, v3;
	v4 =	vand.u32 $0xFFFFFFF0, v33  }
0x34: {  	v3 =	vor.u32 v3, v4  }
0x35: {  	v4 =	vperm.xlane v3, v0;
	_ =	sdelay $0x1  }
0x36: {  	v3 =	vperm.xlane v3, v2;
	v4 =	vadd.s32 v1, v4;
	_ =	sdelay $0x1  }
0x37: {  	v3 =	vadd.s32 v1, v3;
	_ =	sdelay $0x2  }
0x38: {  	[tilespmem:s19], [sflag:$0x1] =	stream.indirect_vreg.gather [hbm4b:s1+s3], $0x80, v4, vm0, $0xb8;
	[tilespmem:$0x10A80] =	vst v63  }
0x39: {  	_ = 	snop  }
0x3a: {  	[tilespmem:s20], [sflag:$0x1] =	stream.indirect_vreg.gather [hbm4b:s1+s3], $0x80, v3, vm0, $0xb8;
	[tilespmem:$0x10A80] =	vst v63  }
0x3b: {  	v3 =	vld [tilespmem:$0x30];
	_ =	sdelay $0x4  }
0x3c: {  	v34 =	vshll.u32 v3, $0x1  }
0x3d: {  	v3 =	vand.u32 $0x7, v3;
	v4 =	vand.u32 $0xFFFFFFF0, v34  }
0x3e: {  	v3 =	vor.u32 v3, v4  }
0x3f: {  	v4 =	vperm.xlane v3, v0;
	_ =	sdelay $0x1  }
0x40: {  	v3 =	vperm.xlane v3, v2;
	v4 =	vadd.s32 v1, v4;
	_ =	sdelay $0x1  }
0x41: {  	v3 =	vadd.s32 v1, v3;
	_ =	sdelay $0x2  }
0x42: {  	[tilespmem:s21], [sflag:$0x1] =	stream.indirect_vreg.gather [hbm4b:s1+s3], $0x80, v4, vm0, $0xb8;
	[tilespmem:$0x10A80] =	vst v63  }
0x43: {  	_ = 	snop  }
0x44: {  	[tilespmem:s23], [sflag:$0x1] =	stream.indirect_vreg.gather [hbm4b:s1+s3], $0x80, v3, vm0, $0xb8;
	[tilespmem:$0x10A80] =	vst v63  }
0x45: {  	v3 =	vld [tilespmem:$0x40];
	_ =	sdelay $0x4  }
0x46: {  	v35 =	vshll.u32 v3, $0x1  }
0x47: {  	v3 =	vand.u32 $0x7, v3;
	v4 =	vand.u32 $0xFFFFFFF0, v35  }
0x48: {  	v3 =	vor.u32 v3, v4  }
0x49: {  	v4 =	vperm.xlane v3, v0;
	_ =	sdelay $0x1  }
0x4a: {  	v3 =	vperm.xlane v3, v2;
	v4 =	vadd.s32 v1, v4;
	_ =	sdelay $0x1  }
0x4b: {  	v3 =	vadd.s32 v1, v3;
	_ =	sdelay $0x2  }
0x4c: {  	[tilespmem:s24], [sflag:$0x1] =	stream.indirect_vreg.gather [hbm4b:s1+s3], $0x80, v4, vm0, $0xb8;
	[tilespmem:$0x10A80] =	vst v63  }
0x4d: {  	_ = 	snop  }
0x4e: {  	[tilespmem:s25], [sflag:$0x1] =	stream.indirect_vreg.gather [hbm4b:s1+s3], $0x80, v3, vm0, $0xb8;
	[tilespmem:$0x10A80] =	vst v63  }
0x4f: {  	v3 =	vld [tilespmem:$0x50];
	_ =	sdelay $0x4  }
0x50: {  	v36 =	vshll.u32 v3, $0x1  }
0x51: {  	v3 =	vand.u32 $0x7, v3;
	v4 =	vand.u32 $0xFFFFFFF0, v36  }
0x52: {  	v3 =	vor.u32 v3, v4  }
0x53: {  	v4 =	vperm.xlane v3, v0;
	_ =	sdelay $0x1  }
0x54: {  	v3 =	vperm.xlane v3, v2;
	v4 =	vadd.s32 v1, v4;
	_ =	sdelay $0x1  }
0x55: {  	v3 =	vadd.s32 v1, v3;
	_ =	sdelay $0x2  }
0x56: {  	[tilespmem:s26], [sflag:$0x1] =	stream.indirect_vreg.gather [hbm4b:s1+s3], $0x80, v4, vm0, $0xb8;
	[tilespmem:$0x10A80] =	vst v63  }
0x57: {  	_ = 	snop  }
0x58: {  	[tilespmem:s28], [sflag:$0x1] =	stream.indirect_vreg.gather [hbm4b:s1+s3], $0x80, v3, vm0, $0xb8;
	[tilespmem:$0x10A80] =	vst v63  }
0x59: {  	v3 =	vld [tilespmem:$0x60];
	_ =	sdelay $0x4  }
0x5a: {  	v37 =	vshll.u32 v3, $0x1  }
0x5b: {  	v3 =	vand.u32 $0x7, v3;
	v4 =	vand.u32 $0xFFFFFFF0, v37  }
0x5c: {  	v3 =	vor.u32 v3, v4  }
0x5d: {  	v4 =	vperm.xlane v3, v0;
	_ =	sdelay $0x1  }
0x5e: {  	v3 =	vperm.xlane v3, v2;
	v4 =	vadd.s32 v1, v4;
	_ =	sdelay $0x1  }
0x5f: {  	v3 =	vadd.s32 v1, v3;
	_ =	sdelay $0x2  }
0x60: {  	[tilespmem:s29], [sflag:$0x1] =	stream.indirect_vreg.gather [hbm4b:s1+s3], $0x80, v4, vm0, $0xb8;
	[tilespmem:$0x10A80] =	vst v63  }
0x61: {  	_ = 	snop  }
0x62: {  	[tilespmem:s30], [sflag:$0x1] =	stream.indirect_vreg.gather [hbm4b:s1+s3], $0x80, v3, vm0, $0xb8;
	[tilespmem:$0x10A80] =	vst v63  }
0x63: {  	v3 =	vld [tilespmem:$0x70];
	_ =	sdelay $0x4  }
0x64: {  	v38 =	vshll.u32 v3, $0x1  }
0x65: {  	v3 =	vand.u32 $0x7, v3;
	v4 =	vand.u32 $0xFFFFFFF0, v38  }
0x66: {  	v3 =	vor.u32 v3, v4  }
0x67: {  	v4 =	vperm.xlane v3, v0;
	_ =	sdelay $0x1  }
0x68: {  	v3 =	vperm.xlane v3, v2;
	v4 =	vadd.s32 v1, v4;
	_ =	sdelay $0x1  }
0x69: {  	v3 =	vadd.s32 v1, v3;
	_ =	sdelay $0x2  }
0x6a: {  	[tilespmem:s31], [sflag:$0x1] =	stream.indirect_vreg.gather [hbm4b:s1+s3], $0x80, v4, vm0, $0xb8;
	[tilespmem:$0x10A80] =	vst v63  }
0x6b: {  	s2 =	simm.s32 $0x7A00  }
0x6c: {  	[tilespmem:s2], [sflag:$0x1] =	stream.indirect_vreg.gather [hbm4b:s1+s3], $0x80, v3, vm0, $0xb8;
	[tilespmem:$0x10A80] =	vst v63  }
0x6d: {  	v3 =	vld [tilespmem:$0x80];
	_ =	sdelay $0x4  }
0x6e: {  	v39 =	vshll.u32 v3, $0x1  }
0x6f: {  	v3 =	vand.u32 $0x7, v3;
	v4 =	vand.u32 $0xFFFFFFF0, v39  }
0x70: {  	v3 =	vor.u32 v3, v4  }
0x71: {  	v4 =	vperm.xlane v3, v0;
	_ =	sdelay $0x1  }
0x72: {  	v3 =	vperm.xlane v3, v2;
	v4 =	vadd.s32 v1, v4;
	_ =	sdelay $0x1  }
0x73: {  	v3 =	vadd.s32 v1, v3;
	_ =	sdelay $0x2  }
0x74: {  	[tilespmem:s13], [sflag:$0x2] =	stream.indirect_vreg.gather [hbm4b:s1+s3], $0x80, v4, vm0, $0xb8;
	[tilespmem:$0x10A80] =	vst v63  }
0x75: {  	s15 =	simm.s32 $0x8A00  }
0x76: {  	[tilespmem:s15], [sflag:$0x2] =	stream.indirect_vreg.gather [hbm4b:s1+s3], $0x80, v3, vm0, $0xb8;
	[tilespmem:$0x10A80] =	vst v63  }
0x77: {  	v3 =	vld [tilespmem:$0x90];
	_ =	sdelay $0x4  }
0x78: {  	v40 =	vshll.u32 v3, $0x1  }
0x79: {  	v3 =	vand.u32 $0x7, v3;
	v4 =	vand.u32 $0xFFFFFFF0, v40  }
0x7a: {  	v3 =	vor.u32 v3, v4  }
0x7b: {  	v4 =	vperm.xlane v3, v0;
	_ =	sdelay $0x1  }
0x7c: {  	v3 =	vperm.xlane v3, v2;
	v4 =	vadd.s32 v1, v4;
	_ =	sdelay $0x1  }
0x7d: {  	v3 =	vadd.s32 v1, v3;
	_ =	sdelay $0x2  }
0x7e: {  	[tilespmem:s7], [sflag:$0x2] =	stream.indirect_vreg.gather [hbm4b:s1+s3], $0x80, v4, vm0, $0xb8;
	[tilespmem:$0x10A80] =	vst v63  }
0x7f: {  	_ = 	snop  }
0x80: {  	[tilespmem:s8], [sflag:$0x2] =	stream.indirect_vreg.gather [hbm4b:s1+s3], $0x80, v3, vm0, $0xb8;
	[tilespmem:$0x10A80] =	vst v63  }
0x81: {  	v3 =	vld [tilespmem:$0xA0];
	_ =	sdelay $0x4  }
0x82: {  	v41 =	vshll.u32 v3, $0x1  }
0x83: {  	v3 =	vand.u32 $0x7, v3;
	v4 =	vand.u32 $0xFFFFFFF0, v41  }
0x84: {  	v3 =	vor.u32 v3, v4  }
0x85: {  	v4 =	vperm.xlane v3, v0;
	_ =	sdelay $0x1  }
0x86: {  	v3 =	vperm.xlane v3, v2;
	v4 =	vadd.s32 v1, v4;
	_ =	sdelay $0x1  }
0x87: {  	v3 =	vadd.s32 v1, v3;
	_ =	sdelay $0x2  }
0x88: {  	[tilespmem:s9], [sflag:$0x2] =	stream.indirect_vreg.gather [hbm4b:s1+s3], $0x80, v4, vm0, $0xb8;
	[tilespmem:$0x10A80] =	vst v63  }
0x89: {  	_ = 	snop  }
0x8a: {  	[tilespmem:s10], [sflag:$0x2] =	stream.indirect_vreg.gather [hbm4b:s1+s3], $0x80, v3, vm0, $0xb8;
	[tilespmem:$0x10A80] =	vst v63  }
0x8b: {  	v3 =	vld [tilespmem:$0xB0];
	_ =	sdelay $0x4  }
0x8c: {  	v42 =	vshll.u32 v3, $0x1  }
0x8d: {  	v3 =	vand.u32 $0x7, v3;
	v4 =	vand.u32 $0xFFFFFFF0, v42  }
0x8e: {  	v3 =	vor.u32 v3, v4  }
0x8f: {  	v4 =	vperm.xlane v3, v0;
	_ =	sdelay $0x1  }
0x90: {  	v3 =	vperm.xlane v3, v2;
	v4 =	vadd.s32 v1, v4;
	_ =	sdelay $0x1  }
0x91: {  	v3 =	vadd.s32 v1, v3;
	_ =	sdelay $0x2  }
0x92: {  	[tilespmem:s11], [sflag:$0x2] =	stream.indirect_vreg.gather [hbm4b:s1+s3], $0x80, v4, vm0, $0xb8;
	[tilespmem:$0x10A80] =	vst v63  }
0x93: {  	_ = 	snop  }
0x94: {  	[tilespmem:s14], [sflag:$0x2] =	stream.indirect_vreg.gather [hbm4b:s1+s3], $0x80, v3, vm0, $0xb8;
	[tilespmem:$0x10A80] =	vst v63  }
0x95: {  	v3 =	vld [tilespmem:$0xC0];
	_ =	sdelay $0x4  }
0x96: {  	v43 =	vshll.u32 v3, $0x1  }
0x97: {  	v3 =	vand.u32 $0x7, v3;
	v4 =	vand.u32 $0xFFFFFFF0, v43  }
0x98: {  	v3 =	vor.u32 v3, v4  }
0x99: {  	v4 =	vperm.xlane v3, v0;
	_ =	sdelay $0x1  }
0x9a: {  	v3 =	vperm.xlane v3, v2;
	v4 =	vadd.s32 v1, v4;
	_ =	sdelay $0x1  }
0x9b: {  	v3 =	vadd.s32 v1, v3;
	_ =	sdelay $0x2  }
0x9c: {  	[tilespmem:s6], [sflag:$0x2] =	stream.indirect_vreg.gather [hbm4b:s1+s3], $0x80, v4, vm0, $0xb8;
	[tilespmem:$0x10A80] =	vst v63  }
0x9d: {  	_ = 	snop  }
0x9e: {  	[tilespmem:s22], [sflag:$0x2] =	stream.indirect_vreg.gather [hbm4b:s1+s3], $0x80, v3, vm0, $0xb8;
	[tilespmem:$0x10A80] =	vst v63  }
0x9f: {  	v3 =	vld [tilespmem:$0xD0];
	_ =	sdelay $0x4  }
0xa0: {  	v44 =	vshll.u32 v3, $0x1  }
0xa1: {  	v3 =	vand.u32 $0x7, v3;
	v4 =	vand.u32 $0xFFFFFFF0, v44  }
0xa2: {  	v3 =	vor.u32 v3, v4  }
0xa3: {  	v4 =	vperm.xlane v3, v0;
	_ =	sdelay $0x1  }
0xa4: {  	v3 =	vperm.xlane v3, v2;
	v4 =	vadd.s32 v1, v4;
	_ =	sdelay $0x1  }
0xa5: {  	v3 =	vadd.s32 v1, v3;
	_ =	sdelay $0x1  }
0xa6: {  	s15 =	simm.s32 $0xD200  }
0xa7: {  	[tilespmem:s15], [sflag:$0x2] =	stream.indirect_vreg.gather [hbm4b:s1+s3], $0x80, v4, vm0, $0xb8;
	[tilespmem:$0x10A80] =	vst v63  }
0xa8: {  	s15 =	simm.s32 $0xDA00  }
0xa9: {  	[tilespmem:s15], [sflag:$0x2] =	stream.indirect_vreg.gather [hbm4b:s1+s3], $0x80, v3, vm0, $0xb8;
	[tilespmem:$0x10A80] =	vst v63  }
0xaa: {  	v3 =	vld [tilespmem:$0xE0];
	_ =	sdelay $0x4  }
0xab: {  	v45 =	vshll.u32 v3, $0x1  }
0xac: {  	v3 =	vand.u32 $0x7, v3;
	v4 =	vand.u32 $0xFFFFFFF0, v45  }
0xad: {  	v3 =	vor.u32 v3, v4  }
0xae: {  	v4 =	vperm.xlane v3, v0;
	_ =	sdelay $0x1  }
0xaf: {  	v3 =	vperm.xlane v3, v2;
	v4 =	vadd.s32 v1, v4;
	_ =	sdelay $0x1  }
0xb0: {  	v3 =	vadd.s32 v1, v3;
	_ =	sdelay $0x1  }
0xb1: {  	s15 =	simm.s32 $0xE200  }
0xb2: {  	[tilespmem:s15], [sflag:$0x2] =	stream.indirect_vreg.gather [hbm4b:s1+s3], $0x80, v4, vm0, $0xb8;
	[tilespmem:$0x10A80] =	vst v63  }
0xb3: {  	s15 =	simm.s32 $0xEA00  }
0xb4: {  	[tilespmem:s15], [sflag:$0x2] =	stream.indirect_vreg.gather [hbm4b:s1+s3], $0x80, v3, vm0, $0xb8;
	[tilespmem:$0x10A80] =	vst v63  }
0xb5: {  	v3 =	vld [tilespmem:$0xF0];
	_ =	sdelay $0x4  }
0xb6: {  	v46 =	vshll.u32 v3, $0x1  }
0xb7: {  	v3 =	vand.u32 $0x7, v3;
	v4 =	vand.u32 $0xFFFFFFF0, v46  }
0xb8: {  	v3 =	vor.u32 v3, v4  }
0xb9: {  	v4 =	vperm.xlane v3, v0;
	_ =	sdelay $0x1  }
0xba: {  	v3 =	vperm.xlane v3, v2;
	v4 =	vadd.s32 v1, v4;
	_ =	sdelay $0x1  }
0xbb: {  	v3 =	vadd.s32 v1, v3;
	_ =	sdelay $0x1  }
0xbc: {  	s15 =	simm.s32 $0xF200  }
0xbd: {  	[tilespmem:s15], [sflag:$0x2] =	stream.indirect_vreg.gather [hbm4b:s1+s3], $0x80, v4, vm0, $0xb8;
	[tilespmem:$0x10A80] =	vst v63  }
0xbe: {  	s15 =	simm.s32 $0xFA00  }
0xbf: {  	[tilespmem:s15], [sflag:$0x2] =	stream.indirect_vreg.gather [hbm4b:s1+s3], $0x80, v3, vm0, $0xb8;
	[tilespmem:$0x10A80] =	vst v63  }
0xc0: {  	_ =	swait.ge [sflag:s12], $0x8000  }
0xc1: {  	[sflag:s12] =	ssyncset.done $0x0  }
0xc2: {  	s0 =	simm.s32 $0x200;
	s15 =	rddreg [dreg:$0x6];
	[sflag:s12] =	ssyncadd.s32 $0xFFFF8000  }
0xc3: {  	[hbm4b:s15+s3] =	stream.linear.scatter [tilespmem:s0], [sflag:$0x3], $0x8000, $0x38;
	[tilespmem:$0x10A80] =	vst v63  }
0xc4: {  	_ =	swait.ge [sflag:s5], $0x8000  }
0xc5: {  	[sflag:s5] =	ssyncset.done $0x0  }
0xc6: {  	[sflag:s5] =	ssyncadd.s32 $0xFFFF8000  }
0xc7: {  	v3 =	vld [tilespmem:$0x100];
	_ =	sdelay $0x4  }
0xc8: {  	v47 =	vshll.u32 v3, $0x1  }
0xc9: {  	v3 =	vand.u32 $0x7, v3;
	v4 =	vand.u32 $0xFFFFFFF0, v47  }
0xca: {  	v3 =	vor.u32 v3, v4  }
0xcb: {  	v4 =	vperm.xlane v3, v0;
	_ =	sdelay $0x1  }
0xcc: {  	v3 =	vperm.xlane v3, v2;
	v4 =	vadd.s32 v1, v4;
	_ =	sdelay $0x1  }
0xcd: {  	v3 =	vadd.s32 v1, v3;
	_ =	sdelay $0x2  }
0xce: {  	[tilespmem:s0], [sflag:$0x1] =	stream.indirect_vreg.gather [hbm4b:s1+s3], $0x80, v4, vm0, $0xb8;
	[tilespmem:$0x10A80] =	vst v63  }
0xcf: {  	_ = 	snop  }
0xd0: {  	[tilespmem:s16], [sflag:$0x1] =	stream.indirect_vreg.gather [hbm4b:s1+s3], $0x80, v3, vm0, $0xb8;
	[tilespmem:$0x10A80] =	vst v63  }
0xd1: {  	v3 =	vld [tilespmem:$0x110];
	_ =	sdelay $0x4  }
0xd2: {  	v48 =	vshll.u32 v3, $0x1  }
0xd3: {  	v3 =	vand.u32 $0x7, v3;
	v4 =	vand.u32 $0xFFFFFFF0, v48  }
0xd4: {  	v3 =	vor.u32 v3, v4  }
0xd5: {  	v4 =	vperm.xlane v3, v0;
	_ =	sdelay $0x1  }
0xd6: {  	v3 =	vperm.xlane v3, v2;
	v4 =	vadd.s32 v1, v4;
	_ =	sdelay $0x1  }
0xd7: {  	v3 =	vadd.s32 v1, v3;
	_ =	sdelay $0x2  }
0xd8: {  	[tilespmem:s17], [sflag:$0x1] =	stream.indirect_vreg.gather [hbm4b:s1+s3], $0x80, v4, vm0, $0xb8;
	[tilespmem:$0x10A80] =	vst v63  }
0xd9: {  	_ = 	snop  }
0xda: {  	[tilespmem:s18], [sflag:$0x1] =	stream.indirect_vreg.gather [hbm4b:s1+s3], $0x80, v3, vm0, $0xb8;
	[tilespmem:$0x10A80] =	vst v63  }
0xdb: {  	v3 =	vld [tilespmem:$0x120];
	_ =	sdelay $0x4  }
0xdc: {  	v49 =	vshll.u32 v3, $0x1  }
0xdd: {  	v3 =	vand.u32 $0x7, v3;
	v4 =	vand.u32 $0xFFFFFFF0, v49  }
0xde: {  	v3 =	vor.u32 v3, v4  }
0xdf: {  	v4 =	vperm.xlane v3, v0;
	_ =	sdelay $0x1  }
0xe0: {  	v3 =	vperm.xlane v3, v2;
	v4 =	vadd.s32 v1, v4;
	_ =	sdelay $0x1  }
0xe1: {  	v3 =	vadd.s32 v1, v3;
	_ =	sdelay $0x2  }
0xe2: {  	[tilespmem:s19], [sflag:$0x1] =	stream.indirect_vreg.gather [hbm4b:s1+s3], $0x80, v4, vm0, $0xb8;
	[tilespmem:$0x10A80] =	vst v63  }
0xe3: {  	_ = 	snop  }
0xe4: {  	[tilespmem:s20], [sflag:$0x1] =	stream.indirect_vreg.gather [hbm4b:s1+s3], $0x80, v3, vm0, $0xb8;
	[tilespmem:$0x10A80] =	vst v63  }
0xe5: {  	v3 =	vld [tilespmem:$0x130];
	_ =	sdelay $0x4  }
0xe6: {  	v50 =	vshll.u32 v3, $0x1  }
0xe7: {  	v3 =	vand.u32 $0x7, v3;
	v4 =	vand.u32 $0xFFFFFFF0, v50  }
0xe8: {  	v3 =	vor.u32 v3, v4  }
0xe9: {  	v4 =	vperm.xlane v3, v0;
	_ =	sdelay $0x1  }
0xea: {  	v3 =	vperm.xlane v3, v2;
	v4 =	vadd.s32 v1, v4;
	_ =	sdelay $0x1  }
0xeb: {  	v3 =	vadd.s32 v1, v3;
	_ =	sdelay $0x2  }
0xec: {  	[tilespmem:s21], [sflag:$0x1] =	stream.indirect_vreg.gather [hbm4b:s1+s3], $0x80, v4, vm0, $0xb8;
	[tilespmem:$0x10A80] =	vst v63  }
0xed: {  	_ = 	snop  }
0xee: {  	[tilespmem:s23], [sflag:$0x1] =	stream.indirect_vreg.gather [hbm4b:s1+s3], $0x80, v3, vm0, $0xb8;
	[tilespmem:$0x10A80] =	vst v63  }
0xef: {  	v3 =	vld [tilespmem:$0x140];
	_ =	sdelay $0x4  }
0xf0: {  	v51 =	vshll.u32 v3, $0x1  }
0xf1: {  	v3 =	vand.u32 $0x7, v3;
	v4 =	vand.u32 $0xFFFFFFF0, v51  }
0xf2: {  	v3 =	vor.u32 v3, v4  }
0xf3: {  	v4 =	vperm.xlane v3, v0;
	_ =	sdelay $0x1  }
0xf4: {  	v3 =	vperm.xlane v3, v2;
	v4 =	vadd.s32 v1, v4;
	_ =	sdelay $0x1  }
0xf5: {  	v3 =	vadd.s32 v1, v3;
	_ =	sdelay $0x2  }
0xf6: {  	[tilespmem:s24], [sflag:$0x1] =	stream.indirect_vreg.gather [hbm4b:s1+s3], $0x80, v4, vm0, $0xb8;
	[tilespmem:$0x10A80] =	vst v63  }
0xf7: {  	_ = 	snop  }
0xf8: {  	[tilespmem:s25], [sflag:$0x1] =	stream.indirect_vreg.gather [hbm4b:s1+s3], $0x80, v3, vm0, $0xb8;
	[tilespmem:$0x10A80] =	vst v63  }
0xf9: {  	v3 =	vld [tilespmem:$0x150];
	_ =	sdelay $0x4  }
0xfa: {  	v52 =	vshll.u32 v3, $0x1  }
0xfb: {  	v3 =	vand.u32 $0x7, v3;
	v4 =	vand.u32 $0xFFFFFFF0, v52  }
0xfc: {  	v3 =	vor.u32 v3, v4  }
0xfd: {  	v4 =	vperm.xlane v3, v0;
	_ =	sdelay $0x1  }
0xfe: {  	v3 =	vperm.xlane v3, v2;
	v4 =	vadd.s32 v1, v4;
	_ =	sdelay $0x1  }
0xff: {  	v3 =	vadd.s32 v1, v3;
	_ =	sdelay $0x2  }
0x100: {  	[tilespmem:s26], [sflag:$0x1] =	stream.indirect_vreg.gather [hbm4b:s1+s3], $0x80, v4, vm0, $0xb8;
	[tilespmem:$0x10A80] =	vst v63  }
0x101: {  	_ = 	snop  }
0x102: {  	[tilespmem:s28], [sflag:$0x1] =	stream.indirect_vreg.gather [hbm4b:s1+s3], $0x80, v3, vm0, $0xb8;
	[tilespmem:$0x10A80] =	vst v63  }
0x103: {  	v3 =	vld [tilespmem:$0x160];
	_ =	sdelay $0x4  }
0x104: {  	v53 =	vshll.u32 v3, $0x1  }
0x105: {  	v3 =	vand.u32 $0x7, v3;
	v4 =	vand.u32 $0xFFFFFFF0, v53  }
0x106: {  	v3 =	vor.u32 v3, v4  }
0x107: {  	v4 =	vperm.xlane v3, v0;
	_ =	sdelay $0x1  }
0x108: {  	v3 =	vperm.xlane v3, v2;
	v4 =	vadd.s32 v1, v4;
	_ =	sdelay $0x1  }
0x109: {  	v3 =	vadd.s32 v1, v3;
	_ =	sdelay $0x2  }
0x10a: {  	[tilespmem:s29], [sflag:$0x1] =	stream.indirect_vreg.gather [hbm4b:s1+s3], $0x80, v4, vm0, $0xb8;
	[tilespmem:$0x10A80] =	vst v63  }
0x10b: {  	_ = 	snop  }
0x10c: {  	[tilespmem:s30], [sflag:$0x1] =	stream.indirect_vreg.gather [hbm4b:s1+s3], $0x80, v3, vm0, $0xb8;
	[tilespmem:$0x10A80] =	vst v63  }
0x10d: {  	v3 =	vld [tilespmem:$0x170];
	_ =	sdelay $0x4  }
0x10e: {  	v54 =	vshll.u32 v3, $0x1  }
0x10f: {  	v3 =	vand.u32 $0x7, v3;
	v4 =	vand.u32 $0xFFFFFFF0, v54  }
0x110: {  	v3 =	vor.u32 v3, v4  }
0x111: {  	v4 =	vperm.xlane v3, v0;
	_ =	sdelay $0x1  }
0x112: {  	v3 =	vperm.xlane v3, v2;
	v4 =	vadd.s32 v1, v4;
	_ =	sdelay $0x1  }
0x113: {  	v3 =	vadd.s32 v1, v3;
	_ =	sdelay $0x2  }
0x114: {  	[tilespmem:s31], [sflag:$0x1] =	stream.indirect_vreg.gather [hbm4b:s1+s3], $0x80, v4, vm0, $0xb8;
	[tilespmem:$0x10A80] =	vst v63  }
0x115: {  	_ = 	snop  }
0x116: {  	[tilespmem:s2], [sflag:$0x1] =	stream.indirect_vreg.gather [hbm4b:s1+s3], $0x80, v3, vm0, $0xb8;
	[tilespmem:$0x10A80] =	vst v63  }
0x117: {  	s2 =	simm.s32 $0x2  }
0x118: {  	_ =	swait.ge [sflag:s2], $0x8000  }
0x119: {  	[sflag:s2] =	ssyncset.done $0x0  }
0x11a: {  	s0 =	rddreg [dreg:$0x7];
	[sflag:s2] =	ssyncadd.s32 $0xFFFF8000  }
0x11b: {  	[hbm4b:s0+s3] =	stream.linear.scatter [tilespmem:s13], [sflag:$0x3], $0x8000, $0x38;
	[tilespmem:$0x10A80] =	vst v63  }
0x11c: {  	_ =	swait.ge [sflag:s5], $0x8000  }
0x11d: {  	[sflag:s5] =	ssyncset.done $0x0  }
0x11e: {  	[sflag:s5] =	ssyncadd.s32 $0xFFFF8000  }
0x11f: {  	v3 =	vld [tilespmem:$0x180];
	_ =	sdelay $0x4  }
0x120: {  	v55 =	vshll.u32 v3, $0x1  }
0x121: {  	v3 =	vand.u32 $0x7, v3;
	v4 =	vand.u32 $0xFFFFFFF0, v55  }
0x122: {  	v3 =	vor.u32 v3, v4  }
0x123: {  	v4 =	vperm.xlane v3, v0;
	_ =	sdelay $0x1  }
0x124: {  	v3 =	vperm.xlane v3, v2;
	v4 =	vadd.s32 v1, v4;
	_ =	sdelay $0x1  }
0x125: {  	v3 =	vadd.s32 v1, v3;
	_ =	sdelay $0x2  }
0x126: {  	[tilespmem:s13], [sflag:$0x2] =	stream.indirect_vreg.gather [hbm4b:s1+s3], $0x80, v4, vm0, $0xb8;
	[tilespmem:$0x10A80] =	vst v63  }
0x127: {  	s16 =	simm.s32 $0x8A00  }
0x128: {  	[tilespmem:s16], [sflag:$0x2] =	stream.indirect_vreg.gather [hbm4b:s1+s3], $0x80, v3, vm0, $0xb8;
	[tilespmem:$0x10A80] =	vst v63  }
0x129: {  	v3 =	vld [tilespmem:$0x190];
	_ =	sdelay $0x4  }
0x12a: {  	v56 =	vshll.u32 v3, $0x1  }
0x12b: {  	v3 =	vand.u32 $0x7, v3;
	v4 =	vand.u32 $0xFFFFFFF0, v56  }
0x12c: {  	v3 =	vor.u32 v3, v4  }
0x12d: {  	v4 =	vperm.xlane v3, v0;
	_ =	sdelay $0x1  }
0x12e: {  	v3 =	vperm.xlane v3, v2;
	v4 =	vadd.s32 v1, v4;
	_ =	sdelay $0x1  }
0x12f: {  	v3 =	vadd.s32 v1, v3;
	_ =	sdelay $0x2  }
0x130: {  	[tilespmem:s7], [sflag:$0x2] =	stream.indirect_vreg.gather [hbm4b:s1+s3], $0x80, v4, vm0, $0xb8;
	[tilespmem:$0x10A80] =	vst v63  }
0x131: {  	_ = 	snop  }
0x132: {  	[tilespmem:s8], [sflag:$0x2] =	stream.indirect_vreg.gather [hbm4b:s1+s3], $0x80, v3, vm0, $0xb8;
	[tilespmem:$0x10A80] =	vst v63  }
0x133: {  	v3 =	vld [tilespmem:$0x1A0];
	_ =	sdelay $0x4  }
0x134: {  	v57 =	vshll.u32 v3, $0x1  }
0x135: {  	v3 =	vand.u32 $0x7, v3;
	v4 =	vand.u32 $0xFFFFFFF0, v57  }
0x136: {  	v3 =	vor.u32 v3, v4  }
0x137: {  	v4 =	vperm.xlane v3, v0;
	_ =	sdelay $0x1  }
0x138: {  	v3 =	vperm.xlane v3, v2;
	v4 =	vadd.s32 v1, v4;
	_ =	sdelay $0x1  }
0x139: {  	v3 =	vadd.s32 v1, v3;
	_ =	sdelay $0x2  }
0x13a: {  	[tilespmem:s9], [sflag:$0x2] =	stream.indirect_vreg.gather [hbm4b:s1+s3], $0x80, v4, vm0, $0xb8;
	[tilespmem:$0x10A80] =	vst v63  }
0x13b: {  	_ = 	snop  }
0x13c: {  	[tilespmem:s10], [sflag:$0x2] =	stream.indirect_vreg.gather [hbm4b:s1+s3], $0x80, v3, vm0, $0xb8;
	[tilespmem:$0x10A80] =	vst v63  }
0x13d: {  	v3 =	vld [tilespmem:$0x1B0];
	_ =	sdelay $0x4  }
0x13e: {  	v58 =	vshll.u32 v3, $0x1  }
0x13f: {  	v3 =	vand.u32 $0x7, v3;
	v4 =	vand.u32 $0xFFFFFFF0, v58  }
0x140: {  	v3 =	vor.u32 v3, v4  }
0x141: {  	v4 =	vperm.xlane v3, v0;
	_ =	sdelay $0x1  }
0x142: {  	v3 =	vperm.xlane v3, v2;
	v4 =	vadd.s32 v1, v4;
	_ =	sdelay $0x1  }
0x143: {  	v3 =	vadd.s32 v1, v3;
	_ =	sdelay $0x2  }
0x144: {  	[tilespmem:s11], [sflag:$0x2] =	stream.indirect_vreg.gather [hbm4b:s1+s3], $0x80, v4, vm0, $0xb8;
	[tilespmem:$0x10A80] =	vst v63  }
0x145: {  	_ = 	snop  }
0x146: {  	[tilespmem:s14], [sflag:$0x2] =	stream.indirect_vreg.gather [hbm4b:s1+s3], $0x80, v3, vm0, $0xb8;
	[tilespmem:$0x10A80] =	vst v63  }
0x147: {  	v3 =	vld [tilespmem:$0x1C0];
	_ =	sdelay $0x4  }
0x148: {  	v59 =	vshll.u32 v3, $0x1  }
0x149: {  	v3 =	vand.u32 $0x7, v3;
	v4 =	vand.u32 $0xFFFFFFF0, v59  }
0x14a: {  	v3 =	vor.u32 v3, v4  }
0x14b: {  	v4 =	vperm.xlane v3, v0;
	_ =	sdelay $0x1  }
0x14c: {  	v3 =	vperm.xlane v3, v2;
	v4 =	vadd.s32 v1, v4;
	_ =	sdelay $0x1  }
0x14d: {  	v3 =	vadd.s32 v1, v3;
	_ =	sdelay $0x2  }
0x14e: {  	[tilespmem:s6], [sflag:$0x2] =	stream.indirect_vreg.gather [hbm4b:s1+s3], $0x80, v4, vm0, $0xb8;
	[tilespmem:$0x10A80] =	vst v63  }
0x14f: {  	_ = 	snop  }
0x150: {  	[tilespmem:s22], [sflag:$0x2] =	stream.indirect_vreg.gather [hbm4b:s1+s3], $0x80, v3, vm0, $0xb8;
	[tilespmem:$0x10A80] =	vst v63  }
0x151: {  	v3 =	vld [tilespmem:$0x1D0];
	_ =	sdelay $0x4  }
0x152: {  	v60 =	vshll.u32 v3, $0x1  }
0x153: {  	v3 =	vand.u32 $0x7, v3;
	v4 =	vand.u32 $0xFFFFFFF0, v60  }
0x154: {  	v3 =	vor.u32 v3, v4  }
0x155: {  	v4 =	vperm.xlane v3, v0;
	_ =	sdelay $0x1  }
0x156: {  	v3 =	vperm.xlane v3, v2;
	v4 =	vadd.s32 v1, v4;
	_ =	sdelay $0x1  }
0x157: {  	v3 =	vadd.s32 v1, v3;
	_ =	sdelay $0x1  }
0x158: {  	s15 =	simm.s32 $0xD200  }
0x159: {  	[tilespmem:s15], [sflag:$0x2] =	stream.indirect_vreg.gather [hbm4b:s1+s3], $0x80, v4, vm0, $0xb8;
	[tilespmem:$0x10A80] =	vst v63  }
0x15a: {  	s16 =	simm.s32 $0xDA00  }
0x15b: {  	[tilespmem:s16], [sflag:$0x2] =	stream.indirect_vreg.gather [hbm4b:s1+s3], $0x80, v3, vm0, $0xb8;
	[tilespmem:$0x10A80] =	vst v63  }
0x15c: {  	v3 =	vld [tilespmem:$0x1E0];
	_ =	sdelay $0x4  }
0x15d: {  	v61 =	vshll.u32 v3, $0x1  }
0x15e: {  	v3 =	vand.u32 $0x7, v3;
	v4 =	vand.u32 $0xFFFFFFF0, v61  }
0x15f: {  	v3 =	vor.u32 v3, v4  }
0x160: {  	v4 =	vperm.xlane v3, v0;
	_ =	sdelay $0x1  }
0x161: {  	v3 =	vperm.xlane v3, v2;
	v4 =	vadd.s32 v1, v4;
	_ =	sdelay $0x1  }
0x162: {  	v3 =	vadd.s32 v1, v3;
	_ =	sdelay $0x1  }
0x163: {  	s15 =	simm.s32 $0xE200  }
0x164: {  	[tilespmem:s15], [sflag:$0x2] =	stream.indirect_vreg.gather [hbm4b:s1+s3], $0x80, v4, vm0, $0xb8;
	[tilespmem:$0x10A80] =	vst v63  }
0x165: {  	s16 =	simm.s32 $0xEA00  }
0x166: {  	[tilespmem:s16], [sflag:$0x2] =	stream.indirect_vreg.gather [hbm4b:s1+s3], $0x80, v3, vm0, $0xb8;
	[tilespmem:$0x10A80] =	vst v63  }
0x167: {  	v3 =	vld [tilespmem:$0x1F0];
	_ =	sdelay $0x4  }
0x168: {  	v62 =	vshll.u32 v3, $0x1  }
0x169: {  	v3 =	vand.u32 $0x7, v3;
	v4 =	vand.u32 $0xFFFFFFF0, v62  }
0x16a: {  	v3 =	vor.u32 v3, v4  }
0x16b: {  	v4 =	vperm.xlane v3, v0;
	_ =	sdelay $0x1  }
0x16c: {  	v3 =	vperm.xlane v3, v2;
	v4 =	vadd.s32 v1, v4;
	_ =	sdelay $0x1  }
0x16d: {  	v3 =	vadd.s32 v1, v3;
	_ =	sdelay $0x1  }
0x16e: {  	s15 =	simm.s32 $0xF200  }
0x16f: {  	[tilespmem:s15], [sflag:$0x2] =	stream.indirect_vreg.gather [hbm4b:s1+s3], $0x80, v4, vm0, $0xb8;
	[tilespmem:$0x10A80] =	vst v63  }
0x170: {  	s16 =	simm.s32 $0xFA00  }
0x171: {  	[tilespmem:s16], [sflag:$0x2] =	stream.indirect_vreg.gather [hbm4b:s1+s3], $0x80, v3, vm0, $0xb8;
	[tilespmem:$0x10A80] =	vst v63  }
0x172: {  	_ =	swait.ge [sflag:s12], $0x8000  }
0x173: {  	[sflag:s12] =	ssyncset.done $0x0  }
0x174: {  	s16 =	simm.s32 $0x200;
	s0 =	rddreg [dreg:$0x8];
	[sflag:s12] =	ssyncadd.s32 $0xFFFF8000  }
0x175: {  	[hbm4b:s0+s3] =	stream.linear.scatter [tilespmem:s16], [sflag:$0x3], $0x8000, $0x38;
	[tilespmem:$0x10A80] =	vst v63  }
0x176: {  	_ =	swait.ge [sflag:s5], $0x8000  }
0x177: {  	[sflag:s5] =	ssyncset.done $0x0  }
0x178: {  	[sflag:s5] =	ssyncadd.s32 $0xFFFF8000  }
0x179: {  	_ =	swait.ge [sflag:s2], $0x8000  }
0x17a: {  	[sflag:s2] =	ssyncset.done $0x0  }
0x17b: {  	s16 =	rddreg [dreg:$0x9];
	[sflag:s2] =	ssyncadd.s32 $0xFFFF8000  }
0x17c: {  	[hbm4b:s16+s3] =	stream.linear.scatter [tilespmem:s13], [sflag:$0x3], $0x8000, $0x38;
	[tilespmem:$0x10A80] =	vst v63  }
0x17d: {  	_ =	swait.ge [sflag:s5], $0x8000  }
0x17e: {  	s0 =	rddreg [dreg:$0xa];
	[sflag:s5] =	ssyncset.done $0x0  }
0x17f: {  	s2 =	rddreg [dreg:$0xc];
	[sflag:s5] =	ssyncadd.s32 $0xFFFF8000  }
0x180: {  	[tilespmem:s2], [sflag:$0x3] =	stream.linear.gather [hbm4b:s0+s3], $0x8, $0x38;
	[tilespmem:$0x10A80] =	vst v63  }
0x181: {  	_ =	swait.ge [sflag:s5], $0x8  }
0x182: {  	[sflag:s5] =	ssyncset.done $0x0  }
0x183: {  	[sflag:s5] =	ssyncadd.s32 $0xFFFFFFF8  }
0x184: {  	v3 =	vld.msk [tilespmem:$0x10200], $0xff;
	_ =	sdelay $0x4  }
0x185: {  	v63 =	vshll.u32 v3, $0x1  }
0x186: {  	v3 =	vand.u32 $0x7, v3;
	v4 =	vand.u32 $0xFFFFFFF0, v63  }
0x187: {  	v3 =	vor.u32 v3, v4  }
0x188: {  	v3 =	vperm.xlane v3, v0;
	_ =	sdelay $0x1  }
0x189: {  	v3 =	vadd.s32 v1, v3;
	_ =	sdelay $0x3  }
0x18a: {  	s2 =	simm.s32 $0x10280;
	s0 =	rddreg [dreg:$0x4]  }
0x18b: {  	[tilespmem:s2], [sflag:$0x1] =	stream.indirect_vreg.gather [hbm4b:s0+s3], $0x80, v3, vm0, $0xb8;
	[tilespmem:$0x10A80] =	vst v63  }
0x18c: {  	_ =	swait.ge [sflag:s12], $0x800  }
0x18d: {  	p0 =	sne.s32 s4, $0x1;
	[sflag:s12] =	ssyncset.done $0x0  }
.Ltmp0:
0x18e: {  	s16 =	rddreg [dreg:$0xb];
	[sflag:s12] =	ssyncadd.s32 $0xFFFFF800;
	(pc) =	sbr.rel @p0 .LBB2_1-.Ltmp0, $4  }
0x18f: {  	[hbm4b:s16+s3] =	stream.linear.scatter [tilespmem:s2], [sflag:$0x3], $0x800, $0x38;
	[tilespmem:$0x10A80] =	vst v63  }
0x190: {  	_ =	swait.ge [sflag:s5], $0x800  }
0x191: {  	[sflag:s5] =	ssyncset.done $0x0  }
0x192: {  	s4 =	sadd.s32 $0xFFFFFFFF, s4;
	[sflag:s5] =	ssyncadd.s32 $0xFFFFF800  }
0x193: {  	_ =	sfence.sel $0x180000  }
0x194: {  	[bflag:$0x0] =	sbarrier.arrive $0xFFFF  }
0x195: {  	_ =	strace $0x90000047  }
0x196: {  	s0 =	stileid.u32;
	[bflag:$0x2] =	sbarrier.arrive $0xFFFF  }
0x197: {  	p0 =	sne.s32 s0, $0x0;
	s0 =	rddreg [dreg:$0x3]  }
0x198: {  	s0 =	sadd.s32 @!p0 $0x100000, s0  }
0x199: {  	[sflag:s0] =	ssyncadd.tile.s32 @!p0 $0x1;
	_ =	shalt  }
.Lfunc_end2:
_tile_overlayer_lowered:
.L_overlay_start_2:
0x19a: {  	(tag) =	ssettag $0x2  }
0x19b: {  	s0 =	rddreg [dreg:$0x0];
	s2 =	stileid.u32  }
0x19c: {  	s1 =	rddreg [dreg:$0x1];
	p0 =	sne.s32 s2, $0x0  }
0x19d: {  	s3 =	rddreg [dreg:$0x2];
	[bflag:$0x3] =	sbarrier.arrive $0xFFFF;
	s2 =	simm.s32 @!p0 $0x1C03  }
0x19e: {  	[timem:s3], [sflag:s2] =	dma.local @!p0 [hbm:s0], s1  }
0x19f: {  	s0 =	simm.s32 @!p0 $0x3  }
0x1a0: {  	_ =	swait.ge @!p0 [sflag:s0], s1  }
0x1a1: {  	s1 =	ssub.s32 @!p0 $0x0, s1;
	[sflag:s0] =	ssyncset.done @!p0 $0x0  }
0x1a2: {  	[sflag:s0] =	ssyncadd.s32 @!p0 s1  }
0x1a3: {  	[bflag:$0x3] =	sbarrier.arrive $0xFFFF  }
0x1a4: {  	_ =	shalt  }

// kernel: _pipelined.13.cloned.1.call-start
scs
__scs_entry_jumppad:
0x0: {  	(pc) =	sbr.rel $0x88, $3  }
0x1: {  	(tag) =	ssettag $0x0;
	lr =	simm.s32 $0x1  }
0x2: {  	[smem:$0x3F98] =	sst lr;
	_ =	strace $0xD0000000  }
0x3: {  	_ = 	snop  }
0x4: {  	_ = 	snop  }
0x5: {  	_ = 	snop  }
0x6: {  	_ = 	snop  }
0x7: {  	_ = 	snop  }
__scs_overlays_trampoline_lowered:
0x8: {  	[smem:$0x3FA7] =	sst s0  }
0x9: {  	[smem:$0x3FA8] =	sst s1  }
0xa: {  	[smem:$0x3FA9] =	sst s2  }
0xb: {  	[smem:$0x3FAA] =	sst s3  }
0xc: {  	[smem:$0x3FAB] =	sst s4  }
0xd: {  	[smem:$0x3FAC] =	sst s5  }
0xe: {  	[smem:$0x3FAD] =	sst s6  }
0xf: {  	[smem:$0x3FAE] =	sst s7  }
0x10: {  	[smem:$0x3FAF] =	sst s8  }
0x11: {  	[smem:$0x3FB0] =	sst s9;
	s0 =	simm.s32 @!p0 $0x0  }
0x12: {  	s1 =	sld [smem:$0x3F96];
	s0 =	simm.s32 @p0 $0x1  }
0x13: {  	[smem:$0x3FB1] =	sst s0;
	s0 =	simm.s32 @!p1 $0x0  }
0x14: {  	s2 =	sld [smem:$0x3F95];
	s0 =	simm.s32 @p1 $0x1  }
0x15: {  	[smem:$0x3FB2] =	sst s0;
	s0 =	simm.s32 @!p2 $0x0  }
0x16: {  	s3 =	sld [smem:$0x3FDB];
	s0 =	simm.s32 @p2 $0x1  }
0x17: {  	s4 =	simm.s32 $0x1BF5;
	[smem:$0x3FB4] =	sst s0  }
0x18: {  	s0 =	sld [smem:$0x3F97];
	_ =	swait.ge [sflag:s4], $0x0  }
0x19: {  	s7 =	sld [smem:$0x3F98]  }
0x1a: {  	s8 =	sadd.s32 $0xFFFFE003, lr  }
0x1b: {  	s9 =	sadd.s32 $0xFFFFFEF7, lr;
	s5 =	simm.s32 $0xFFFFFFFF;
	p2 =	slt.u32 s8, $0xFFFFF086  }
0x1c: {  	p1 =	slt.u32 s9, $0xF7A;
	s5 =	simm.s32 @!p2 $0x0  }
0x1d: {  	s5 =	simm.s32 @p1 $0x1;
	p0 =	seq.s32 s7, s2  }
0x1e: {  	s7 =	smul.u32 @!p0 $0xF7A, s2;
	p2 =	seq.s32 @!p0 s5, $0x0  }
0x1f: {  	s9 =	smul.u32 $0xF7A, s1;
	s8 =	simm.s32 @!p0 $0x1BF5;
	p2 =	por !p2, p0  }
0x20: {  	[sflag:s8] =	ssyncset.s32 @!p0 $0xFFFFF086;
	s6 =	sadd.s32 @!p0 s3, s7;
	s7 =	simm.s32 @!p0 $0x108  }
0x21: {  	s3 =	sadd.s32 s3, s9;
	s6 =	sadd.s32 @!p0 $0x88, s6;
	s7 =	simm.s32 @p2 $0x1082  }
0x22: {  	[simem:s7], [sflag:s8] =	dma.local @!p0 [hbm:s6], $0xF7A  }
0x23: {  	s9 =	sor.u32 $0xD0000000, s2;
	s6 =	simm.s32 $0x108;
	_ =	swait.ge @!p0 [sflag:s8], $0x0  }
0x24: {  	s3 =	sadd.s32 $0x88, s3;
	s6 =	simm.s32 @!p1 $0x1082;
	[sflag:s4] =	ssyncset.s32 $0xFFFFF086  }
0x25: {  	[simem:s6], [sflag:s4] =	dma.local [hbm:s3], $0xF7A  }
0x26: {  	[smem:$0x3F98] =	sst s1;
	(tag) =	ssettag s2;
	_ =	strace s9  }
0x27: {  	s1 =	sld [smem:$0x3FA8]  }
0x28: {  	s2 =	sld [smem:$0x3FA9]  }
0x29: {  	s4 =	sld [smem:$0x3FAB]  }
0x2a: {  	p0 =	seq.s32 s5, $0x0;
	s5 =	sld [smem:$0x3FAC]  }
0x2b: {  	s6 =	sld [smem:$0x3FAD]  }
0x2c: {  	s7 =	sld [smem:$0x3FAE]  }
0x2d: {  	s3 =	simm.s32 $0x108;
	s8 =	sld [smem:$0x3FAF]  }
0x2e: {  	s3 =	simm.s32 @!p0 $0x1082;
	s9 =	sld [smem:$0x3FB0]  }
0x2f: {  	lr =	sadd.s32 s0, s3;
	s0 =	sld [smem:$0x3FA7]  }
0x30: {  	s3 =	sld [smem:$0x3FAA]  }
0x31: {  	[smem:$0x3FB3] =	sst s10  }
0x32: {  	s10 =	sld [smem:$0x3FB1];
	_ =	sdelay $0x3  }
0x33: {  	p0 =	seq.s32 s10, $0x1;
	s10 =	sld [smem:$0x3FB3];
	_ =	sdelay $0x3  }
0x34: {  	[smem:$0x3FB3] =	sst s10  }
0x35: {  	s10 =	sld [smem:$0x3FB2];
	_ =	sdelay $0x3  }
0x36: {  	p1 =	seq.s32 s10, $0x1;
	s10 =	sld [smem:$0x3FB3];
	_ =	sdelay $0x3  }
0x37: {  	[smem:$0x3FB3] =	sst s10  }
0x38: {  	s10 =	sld [smem:$0x3FB4]  }
0x39: {  	_ = 	snop;
	(pc) =	sbr.ind lr, $3  }
0x3a: {  	_ = 	snop  }
0x3b: {  	_ = 	snop  }
0x3c: {  	p2 =	seq.s32 s10, $0x1;
	s10 =	sld [smem:$0x3FB3]  }
0x3d: {  	_ =	shalt  }
0x3e: {  	_ =	shalt  }
0x3f: {  	_ =	shalt  }
0x40: {  	_ =	shalt  }
0x41: {  	_ =	shalt  }
0x42: {  	_ =	shalt  }
0x43: {  	_ =	shalt  }
0x44: {  	_ =	shalt  }
0x45: {  	_ =	shalt  }
0x46: {  	_ =	shalt  }
0x47: {  	_ =	shalt  }
0x48: {  	_ =	shalt  }
0x49: {  	_ =	shalt  }
0x4a: {  	_ =	shalt  }
0x4b: {  	_ =	shalt  }
0x4c: {  	_ =	shalt  }
0x4d: {  	_ =	shalt  }
0x4e: {  	_ =	shalt  }
0x4f: {  	_ =	shalt  }
0x50: {  	_ =	shalt  }
0x51: {  	_ =	shalt  }
0x52: {  	_ =	shalt  }
0x53: {  	_ =	shalt  }
0x54: {  	_ =	shalt  }
0x55: {  	_ =	shalt  }
0x56: {  	_ =	shalt  }
0x57: {  	_ =	shalt  }
0x58: {  	_ =	shalt  }
0x59: {  	_ =	shalt  }
0x5a: {  	_ =	shalt  }
0x5b: {  	_ =	shalt  }
0x5c: {  	_ =	shalt  }
0x5d: {  	_ =	shalt  }
0x5e: {  	_ =	shalt  }
0x5f: {  	_ =	shalt  }
0x60: {  	_ =	shalt  }
0x61: {  	_ =	shalt  }
0x62: {  	_ =	shalt  }
0x63: {  	_ =	shalt  }
0x64: {  	_ =	shalt  }
0x65: {  	_ =	shalt  }
0x66: {  	_ =	shalt  }
0x67: {  	_ =	shalt  }
0x68: {  	_ =	shalt  }
0x69: {  	_ =	shalt  }
0x6a: {  	_ =	shalt  }
0x6b: {  	_ =	shalt  }
0x6c: {  	_ =	shalt  }
0x6d: {  	_ =	shalt  }
0x6e: {  	_ =	shalt  }
0x6f: {  	_ =	shalt  }
0x70: {  	_ =	shalt  }
0x71: {  	_ =	shalt  }
0x72: {  	_ =	shalt  }
0x73: {  	_ =	shalt  }
0x74: {  	_ =	shalt  }
0x75: {  	_ =	shalt  }
0x76: {  	_ =	shalt  }
0x77: {  	_ =	shalt  }
0x78: {  	_ =	shalt  }
0x79: {  	_ =	shalt  }
0x7a: {  	_ =	shalt  }
0x7b: {  	_ =	shalt  }
0x7c: {  	_ =	shalt  }
0x7d: {  	_ =	shalt  }
0x7e: {  	_ =	shalt  }
0x7f: {  	_ =	shalt  }
0x80: {  	_ =	shalt  }
0x81: {  	_ =	shalt  }
0x82: {  	_ =	shalt  }
0x83: {  	_ =	shalt  }
0x84: {  	_ =	shalt  }
0x85: {  	_ =	shalt  }
0x86: {  	_ =	shalt  }
0x87: {  	_ =	shalt  }
.Lfunc_end0:
.L_simem_size_0:
called_computation.1_lowered:
.L_overlay_start_0:
0x88: {  	s2 =	sld [smem:$0x3FD9]  }
0x89: {  	s3 =	sld [smem:$0x3FFE];
	_ =	sdelay $0x1  }
0x8a: {  	s1 =	srdreg.scid  }
0x8b: {  	s0 =	sand.u32 $0x1, s1  }
0x8c: {  	s17 =	sshll.u32 s0, $0xA;
	s2 =	sadd.s32 s3, s2  }
0x8d: {  	s2 =	sadd.s32 s2, s17  }
0x8e: {  	[smem:$0x3FBF] =	sst s2  }
0x8f: {  	_ = 	snop  }
0x90: {  	s4 =	sld [smem:$0x3FC5]  }
0x91: {  	s18 =	sld [smem:$0x3FC4];
	(tm) =	ssettm $0x1  }
0x92: {  	s19 =	sld [smem:$0x3FFB];
	_ =	sdelay $0x3  }
0x93: {  	_ =	strace s19  }
0x94: {  	s2 =	sld [smem:$0x3FFC];
	_ =	sdelay $0x3  }
0x95: {  	_ =	strace s2  }
0x96: {  	s2 =	sld [smem:$0x3FFD];
	_ =	sdelay $0x3  }
0x97: {  	_ =	strace s2  }
0x98: {  	_ =	strace $0x8FFFFFFF  }
0x99: {  	s20 =	sld [smem:$0x3FDB];
	_ =	sdelay $0x1  }
0x9a: {  	s5 =	simm.s32 $_scs_section_size  }
0x9b: {  	s6 =	simm.s32 $_size__tile_overlayer_lowered;
	s7 =	simm.s32 $_tile_overlayer_lowered  }
0x9c: {  	s8 =	simm.s32 $0x1BFF;
	s21 =	sshll.u32 s7, $0x1;
	s5 =	sadd.s32 s5, s20  }
0x9d: {  	s22 =	simm.s32 $0x0;
	s6 =	sshll.u32 s6, $0x1;
	s7 =	sadd.s32 s21, s5  }
0x9e: {  	[timem:s22], [sflag:s8] =	dma.local [hbm:s7], s6  }
0x9f: {  	_ =	swait.ge [sflag:s8], s6  }
0xa0: {  	s6 =	ssub.s32 $0x0, s6;
	[sflag:s8] =	ssyncset.done $0x0  }
0xa1: {  	[sflag:s8] =	ssyncadd.s32 s6;
	_ =	sdelay $0x1  }
0xa2: {  	s23 =	simm.s32 $0x1B8B  }
0xa3: {  	_ =	swait.ge [sflag:s23], $0x1  }
0xa4: {  	[sflag:s23] =	ssyncset.done $0x0  }
0xa5: {  	[sflag:s23] =	ssyncadd.s32 $0xFFFFFFFF  }
0xa6: {  	s6 =	sld [smem:$0x0]  }
0xa7: {  	s7 =	sand.u32 $0xFFFFFFFE, s1  }
0xa8: {  	p0 =	sne.s32 s1, s7  }
0xa9: {  	s7 =	sshll.u32 @p0 s7, $0xE  }
0xaa: {  	s7 =	sadd.s32 @p0 $0x11B8D, s7;
	s8 =	sshll.u32 @p0 s6, $0x11  }
0xab: {  	s7 =	sor.u32 @p0 s8, s7  }
0xac: {  	[sflag:s7] =	ssyncadd.remote.s32 @p0 $0x1;
	_ =	sdelay $0x1  }
0xad: {  	s7 =	simm.s32 @p0 $0x1B8D  }
0xae: {  	_ =	swait.eq @p0 [sflag:s7], $0x1  }
0xaf: {  	[sflag:s7] =	ssyncadd.s32 @p0 $0xFFFFFFFF  }
0xb0: {  	s8 =	sshll.u32 @!p0 s1, $0xE  }
0xb1: {  	s8 =	sor.u32 @!p0 $0x4000, s8;
	s7 =	simm.s32 @!p0 $0x1B8D  }
0xb2: {  	s6 =	sshll.u32 @!p0 s6, $0x11;
	s8 =	sadd.s32 @!p0 $0x11B8D, s8;
	_ =	swait.eq @!p0 [sflag:s7], $0x1  }
0xb3: {  	s6 =	sor.u32 @!p0 s6, s8;
	[sflag:s7] =	ssyncadd.s32 @!p0 $0xFFFFFFFF  }
0xb4: {  	s25 =	simm.s32 $0x1B8E;
	s24 =	sld [smem:$0x3FFE];
	[sflag:s6] =	ssyncadd.remote.s32 @!p0 $0x1  }
0xb5: {  	s26 =	simm.s32 $execute0_lowered;
	[smem:$0x3FD2] =	sst s25  }
0xb6: {  	s7 =	sshll.u32 s26, $0x1;
	_ =	strace $0x80000049;
	[dreg:$0x1] =	wrdreg $0xFFFFFFFF  }
0xb7: {  	s28 =	simm.s32 $_size_execute0_lowered;
	s5 =	sadd.s32 s5, s7;
	[dreg:$0x0] =	wrdreg $0x0  }
0xb8: {  	s7 =	sshll.u32 s28, $0x1;
	[dreg:$0x2] =	wrdreg s5  }
0xb9: {  	[dreg:$0x3] =	wrdreg s7  }
0xba: {  	[dreg:$0x4] =	wrdreg $0xC0  }
0xbb: {  	_ =	task [dreg:s22], $0x5FFFF  }
0xbc: {  	[dreg:$0x1] =	wrdreg $0xFFFFFFFF  }
0xbd: {  	[dreg:$0x0] =	wrdreg $0x60  }
0xbe: {  	[dreg:$0x2] =	wrdreg s4  }
0xbf: {  	[dreg:$0x3] =	wrdreg s24  }
0xc0: {  	[dreg:$0x4] =	wrdreg s18  }
0xc1: {  	[dreg:$0x5] =	wrdreg $0xA  }
0xc2: {  	_ =	task.clear_ibuf [dreg:s22], $0x6FFFF;
	_ =	strace $0x90000049  }
0xc3: {  	s29 =	simm.s32 $0xA;
	_ =	strace $0x8000004B  }
0xc4: {  	_ =	swait.ge [sflag:s29], $0x1  }
0xc5: {  	[sflag:s29] =	ssyncadd.s32 $0xFFFFFFFF  }
0xc6: {  	_ =	strace $0x9000004B  }
0xc7: {  	_ =	sfence  }
0xc8: {  	s30 =	sld [smem:$0x0];
	_ =	sdelay $0x2  }
0xc9: {  	s31 =	sshll.u32 s1, $0xD;
	s1 =	sshrl.u32 s1, $0x2  }
0xca: {  	s4 =	sand.u32 $0x4000, s31;
	s1 =	sadd.s32 s1, s30  }
0xcb: {  	s0 =	sor.u32 s4, s0;
	s1 =	sshll.u32 s1, $0x11  }
0xcc: {  	s0 =	sor.u32 s1, s0  }
0xcd: {  	s0 =	sadd.s32 $0x8F2B, s0  }
0xce: {  	[sflag:s0] =	ssyncadd.remote.s32 $0x1  }
0xcf: {  	_ =	sfence.sel $0xFFFF  }
0xd0: {  	[dreg:$0x0] =	wrdreg $0xFFFFFFFF;
	(pc) =	sbr.abs _section_cstart, $3  }
0xd1: {  	[dreg:$0x1] =	wrdreg $0xFFFFFFFF  }
0xd2: {  	_ =	task.clear_ibuf [dreg:s22], $0x2FFFF;
	_ =	strace $0x9FFFFFFF  }
0xd3: {  	(tm) =	ssettm $0x7FFFFFFF  }
tec
execute0_lowered:
.L_overlay_start_1:
0x0: {  	(tag) =	ssettag $0x1  }
0x1: {  	s1 =	rddreg [dreg:$0x0]  }
0x2: {  	s0 =	rddreg [dreg:$0x1];
	s2 =	srdreg.scid  }
0x3: {  	s4 =	stileid.u32;
	s3 =	rddreg [dreg:$0x2];
	s26 =	simm.s32 $0x10200  }
0x4: {  	s12 =	simm.s32 $0x1;
	s17 =	simm.s32 $0x1200;
	s18 =	simm.s32 $0x1A00  }
0x5: {  	s19 =	simm.s32 $0x2200;
	s28 =	simm.s32 $0x5A00;
	s29 =	simm.s32 $0x6200  }
0x6: {  	s30 =	simm.s32 $0x6A00;
	s31 =	simm.s32 $0x7200;
	s13 =	simm.s32 $0x8200  }
0x7: {  	s8 =	simm.s32 $0x9A00;
	s9 =	simm.s32 $0xA200;
	s10 =	simm.s32 $0xAA00  }
0x8: {  	s11 =	simm.s32 $0xB200;
	s14 =	simm.s32 $0xBA00;
	s2 =	sand.u32 $0x1, s2  }
0x9: {  	s4 =	sshll.u32 s4, $0x1;
	[dreg:$0x4] =	wrdreg s3;
	s3 =	simm.s32 $0x0  }
0xa: {  	s4 =	sor.u32 s2, s4;
	[smem:$0x7FF] =	sst s3;
	s2 =	ssub.s32 $0x2, s2  }
0xb: {  	s5 =	sshll.u32 s4, $0x6;
	s6 =	sshll.u32 s4, $0xE;
	_ =	strace $0x8000004A  }
0xc: {  	s7 =	sadd.s32 s4, s0;
	s4 =	sshll.u32 s4, $0x8;
	s25 =	sshrl.u32 s2, $0x1  }
0xd: {  	[dreg:$0xc] =	wrdreg s26;
	s26 =	simm.s32 $0x5200;
	s5 =	sadd.s32 s5, s0  }
0xe: {  	s6 =	sadd.s32 s6, s0;
	s0 =	sadd.s32 s4, s0;
	s24 =	sadd.s32 $0x4400, s7  }
0xf: {  	s2 =	ssub.s32 s2, s25;
	s5 =	sadd.s32 $0x86A00, s5;
	[dreg:$0xa] =	wrdreg s24  }
0x10: {  	s25 =	simm.s32 $0x4A00;
	s20 =	sadd.s32 $0x89200, s6;
	[dreg:$0x5] =	wrdreg s5  }
0x11: {  	s7 =	simm.s32 $0x9200;
	s21 =	sadd.s32 $0x8A200, s6;
	[dreg:$0x6] =	wrdreg s20  }
0x12: {  	s22 =	sadd.s32 $0x8B200, s6;
	s23 =	sadd.s32 $0x8C200, s6;
	[dreg:$0x7] =	wrdreg s21  }
0x13: {  	s0 =	sadd.s32 $0x87200, s0;
	s4 =	smax.u32 s2, $0x1;
	[dreg:$0x8] =	wrdreg s22  }
0x14: {  	v2 =	vlaneseq.u32;
	s24 =	simm.s32 $0x4200;
	s6 =	simm.s32 $0xC200;
	[dreg:$0x9] =	wrdreg s23  }
0x15: {  	vm0 =	vmmov $0xffff;
	v1 =	vshrl.u32 v2, $0x3;
	[dreg:$0xb] =	wrdreg s0;
	s5 =	simm.s32 $0x3;
	s20 =	simm.s32 $0x2A00  }
0x16: {  	v0 =	vand.u32 $0x7, v2;
	v2 =	vor.u32 $0x8, v2;
	v1 =	vmul.u32 $0x8, v1;
	s21 =	simm.s32 $0x3200;
	s23 =	simm.s32 $0x3A00;
	s22 =	simm.s32 $0xCA00  }
.LBB2_1:
0x17: {  	s15 =	rddreg [dreg:$0x5]  }
0x18: {  	[tilespmem:s3], [sflag:$0x3] =	stream.linear.gather [hbm4b:s15+s3], $0x200, $0x38;
	[tilespmem:$0x10A80] =	vst v63  }
0x19: {  	_ =	swait.ge [sflag:s5], $0x200  }
0x1a: {  	[sflag:s5] =	ssyncset.done $0x0  }
0x1b: {  	[sflag:s5] =	ssyncadd.s32 $0xFFFFFE00  }
0x1c: {  	v3 =	vld [tilespmem:$0x0];
	_ =	sdelay $0x4  }
0x1d: {  	v4 =	vshll.u32 v3, $0x1  }
0x1e: {  	v3 =	vand.u32 $0x7, v3;
	v4 =	vand.u32 $0xFFFFFFF0, v4  }
0x1f: {  	v3 =	vor.u32 v3, v4  }
0x20: {  	v4 =	vperm.xlane v3, v0;
	_ =	sdelay $0x1  }
0x21: {  	v3 =	vperm.xlane v3, v2;
	v4 =	vadd.s32 v1, v4;
	_ =	sdelay $0x1  }
0x22: {  	v3 =	vadd.s32 v1, v3;
	_ =	sdelay $0x1  }
0x23: {  	s0 =	simm.s32 $0x200  }
0x24: {  	[tilespmem:s0], [sflag:$0x1] =	stream.indirect_vreg.gather [hbm4b:s1+s3], $0x80, v4, vm0, $0xb8;
	[tilespmem:$0x10A80] =	vst v63  }
0x25: {  	s16 =	simm.s32 $0xA00  }
0x26: {  	[tilespmem:s16], [sflag:$0x1] =	stream.indirect_vreg.gather [hbm4b:s1+s3], $0x80, v3, vm0, $0xb8;
	[tilespmem:$0x10A80] =	vst v63  }
0x27: {  	v3 =	vld [tilespmem:$0x10];
	_ =	sdelay $0x4  }
0x28: {  	v32 =	vshll.u32 v3, $0x1  }
0x29: {  	v3 =	vand.u32 $0x7, v3;
	v4 =	vand.u32 $0xFFFFFFF0, v32  }
0x2a: {  	v3 =	vor.u32 v3, v4  }
0x2b: {  	v4 =	vperm.xlane v3, v0;
	_ =	sdelay $0x1  }
0x2c: {  	v3 =	vperm.xlane v3, v2;
	v4 =	vadd.s32 v1, v4;
	_ =	sdelay $0x1  }
0x2d: {  	v3 =	vadd.s32 v1, v3;
	_ =	sdelay $0x2  }
0x2e: {  	[tilespmem:s17], [sflag:$0x1] =	stream.indirect_vreg.gather [hbm4b:s1+s3], $0x80, v4, vm0, $0xb8;
	[tilespmem:$0x10A80] =	vst v63  }
0x2f: {  	_ = 	snop  }
0x30: {  	[tilespmem:s18], [sflag:$0x1] =	stream.indirect_vreg.gather [hbm4b:s1+s3], $0x80, v3, vm0, $0xb8;
	[tilespmem:$0x10A80] =	vst v63  }
0x31: {  	v3 =	vld [tilespmem:$0x20];
	_ =	sdelay $0x4  }
0x32: {  	v33 =	vshll.u32 v3, $0x1  }
0x33: {  	v3 =	vand.u32 $0x7, v3;
	v4 =	vand.u32 $0xFFFFFFF0, v33  }
0x34: {  	v3 =	vor.u32 v3, v4  }
0x35: {  	v4 =	vperm.xlane v3, v0;
	_ =	sdelay $0x1  }
0x36: {  	v3 =	vperm.xlane v3, v2;
	v4 =	vadd.s32 v1, v4;
	_ =	sdelay $0x1  }
0x37: {  	v3 =	vadd.s32 v1, v3;
	_ =	sdelay $0x2  }
0x38: {  	[tilespmem:s19], [sflag:$0x1] =	stream.indirect_vreg.gather [hbm4b:s1+s3], $0x80, v4, vm0, $0xb8;
	[tilespmem:$0x10A80] =	vst v63  }
0x39: {  	_ = 	snop  }
0x3a: {  	[tilespmem:s20], [sflag:$0x1] =	stream.indirect_vreg.gather [hbm4b:s1+s3], $0x80, v3, vm0, $0xb8;
	[tilespmem:$0x10A80] =	vst v63  }
0x3b: {  	v3 =	vld [tilespmem:$0x30];
	_ =	sdelay $0x4  }
0x3c: {  	v34 =	vshll.u32 v3, $0x1  }
0x3d: {  	v3 =	vand.u32 $0x7, v3;
	v4 =	vand.u32 $0xFFFFFFF0, v34  }
0x3e: {  	v3 =	vor.u32 v3, v4  }
0x3f: {  	v4 =	vperm.xlane v3, v0;
	_ =	sdelay $0x1  }
0x40: {  	v3 =	vperm.xlane v3, v2;
	v4 =	vadd.s32 v1, v4;
	_ =	sdelay $0x1  }
0x41: {  	v3 =	vadd.s32 v1, v3;
	_ =	sdelay $0x2  }
0x42: {  	[tilespmem:s21], [sflag:$0x1] =	stream.indirect_vreg.gather [hbm4b:s1+s3], $0x80, v4, vm0, $0xb8;
	[tilespmem:$0x10A80] =	vst v63  }
0x43: {  	_ = 	snop  }
0x44: {  	[tilespmem:s23], [sflag:$0x1] =	stream.indirect_vreg.gather [hbm4b:s1+s3], $0x80, v3, vm0, $0xb8;
	[tilespmem:$0x10A80] =	vst v63  }
0x45: {  	v3 =	vld [tilespmem:$0x40];
	_ =	sdelay $0x4  }
0x46: {  	v35 =	vshll.u32 v3, $0x1  }
0x47: {  	v3 =	vand.u32 $0x7, v3;
	v4 =	vand.u32 $0xFFFFFFF0, v35  }
0x48: {  	v3 =	vor.u32 v3, v4  }
0x49: {  	v4 =	vperm.xlane v3, v0;
	_ =	sdelay $0x1  }
0x4a: {  	v3 =	vperm.xlane v3, v2;
	v4 =	vadd.s32 v1, v4;
	_ =	sdelay $0x1  }
0x4b: {  	v3 =	vadd.s32 v1, v3;
	_ =	sdelay $0x2  }
0x4c: {  	[tilespmem:s24], [sflag:$0x1] =	stream.indirect_vreg.gather [hbm4b:s1+s3], $0x80, v4, vm0, $0xb8;
	[tilespmem:$0x10A80] =	vst v63  }
0x4d: {  	_ = 	snop  }
0x4e: {  	[tilespmem:s25], [sflag:$0x1] =	stream.indirect_vreg.gather [hbm4b:s1+s3], $0x80, v3, vm0, $0xb8;
	[tilespmem:$0x10A80] =	vst v63  }
0x4f: {  	v3 =	vld [tilespmem:$0x50];
	_ =	sdelay $0x4  }
0x50: {  	v36 =	vshll.u32 v3, $0x1  }
0x51: {  	v3 =	vand.u32 $0x7, v3;
	v4 =	vand.u32 $0xFFFFFFF0, v36  }
0x52: {  	v3 =	vor.u32 v3, v4  }
0x53: {  	v4 =	vperm.xlane v3, v0;
	_ =	sdelay $0x1  }
0x54: {  	v3 =	vperm.xlane v3, v2;
	v4 =	vadd.s32 v1, v4;
	_ =	sdelay $0x1  }
0x55: {  	v3 =	vadd.s32 v1, v3;
	_ =	sdelay $0x2  }
0x56: {  	[tilespmem:s26], [sflag:$0x1] =	stream.indirect_vreg.gather [hbm4b:s1+s3], $0x80, v4, vm0, $0xb8;
	[tilespmem:$0x10A80] =	vst v63  }
0x57: {  	_ = 	snop  }
0x58: {  	[tilespmem:s28], [sflag:$0x1] =	stream.indirect_vreg.gather [hbm4b:s1+s3], $0x80, v3, vm0, $0xb8;
	[tilespmem:$0x10A80] =	vst v63  }
0x59: {  	v3 =	vld [tilespmem:$0x60];
	_ =	sdelay $0x4  }
0x5a: {  	v37 =	vshll.u32 v3, $0x1  }
0x5b: {  	v3 =	vand.u32 $0x7, v3;
	v4 =	vand.u32 $0xFFFFFFF0, v37  }
0x5c: {  	v3 =	vor.u32 v3, v4  }
0x5d: {  	v4 =	vperm.xlane v3, v0;
	_ =	sdelay $0x1  }
0x5e: {  	v3 =	vperm.xlane v3, v2;
	v4 =	vadd.s32 v1, v4;
	_ =	sdelay $0x1  }
0x5f: {  	v3 =	vadd.s32 v1, v3;
	_ =	sdelay $0x2  }
0x60: {  	[tilespmem:s29], [sflag:$0x1] =	stream.indirect_vreg.gather [hbm4b:s1+s3], $0x80, v4, vm0, $0xb8;
	[tilespmem:$0x10A80] =	vst v63  }
0x61: {  	_ = 	snop  }
0x62: {  	[tilespmem:s30], [sflag:$0x1] =	stream.indirect_vreg.gather [hbm4b:s1+s3], $0x80, v3, vm0, $0xb8;
	[tilespmem:$0x10A80] =	vst v63  }
0x63: {  	v3 =	vld [tilespmem:$0x70];
	_ =	sdelay $0x4  }
0x64: {  	v38 =	vshll.u32 v3, $0x1  }
0x65: {  	v3 =	vand.u32 $0x7, v3;
	v4 =	vand.u32 $0xFFFFFFF0, v38  }
0x66: {  	v3 =	vor.u32 v3, v4  }
0x67: {  	v4 =	vperm.xlane v3, v0;
	_ =	sdelay $0x1  }
0x68: {  	v3 =	vperm.xlane v3, v2;
	v4 =	vadd.s32 v1, v4;
	_ =	sdelay $0x1  }
0x69: {  	v3 =	vadd.s32 v1, v3;
	_ =	sdelay $0x2  }
0x6a: {  	[tilespmem:s31], [sflag:$0x1] =	stream.indirect_vreg.gather [hbm4b:s1+s3], $0x80, v4, vm0, $0xb8;
	[tilespmem:$0x10A80] =	vst v63  }
0x6b: {  	s2 =	simm.s32 $0x7A00  }
0x6c: {  	[tilespmem:s2], [sflag:$0x1] =	stream.indirect_vreg.gather [hbm4b:s1+s3], $0x80, v3, vm0, $0xb8;
	[tilespmem:$0x10A80] =	vst v63  }
0x6d: {  	v3 =	vld [tilespmem:$0x80];
	_ =	sdelay $0x4  }
0x6e: {  	v39 =	vshll.u32 v3, $0x1  }
0x6f: {  	v3 =	vand.u32 $0x7, v3;
	v4 =	vand.u32 $0xFFFFFFF0, v39  }
0x70: {  	v3 =	vor.u32 v3, v4  }
0x71: {  	v4 =	vperm.xlane v3, v0;
	_ =	sdelay $0x1  }
0x72: {  	v3 =	vperm.xlane v3, v2;
	v4 =	vadd.s32 v1, v4;
	_ =	sdelay $0x1  }
0x73: {  	v3 =	vadd.s32 v1, v3;
	_ =	sdelay $0x2  }
0x74: {  	[tilespmem:s13], [sflag:$0x2] =	stream.indirect_vreg.gather [hbm4b:s1+s3], $0x80, v4, vm0, $0xb8;
	[tilespmem:$0x10A80] =	vst v63  }
0x75: {  	s15 =	simm.s32 $0x8A00  }
0x76: {  	[tilespmem:s15], [sflag:$0x2] =	stream.indirect_vreg.gather [hbm4b:s1+s3], $0x80, v3, vm0, $0xb8;
	[tilespmem:$0x10A80] =	vst v63  }
0x77: {  	v3 =	vld [tilespmem:$0x90];
	_ =	sdelay $0x4  }
0x78: {  	v40 =	vshll.u32 v3, $0x1  }
0x79: {  	v3 =	vand.u32 $0x7, v3;
	v4 =	vand.u32 $0xFFFFFFF0, v40  }
0x7a: {  	v3 =	vor.u32 v3, v4  }
0x7b: {  	v4 =	vperm.xlane v3, v0;
	_ =	sdelay $0x1  }
0x7c: {  	v3 =	vperm.xlane v3, v2;
	v4 =	vadd.s32 v1, v4;
	_ =	sdelay $0x1  }
0x7d: {  	v3 =	vadd.s32 v1, v3;
	_ =	sdelay $0x2  }
0x7e: {  	[tilespmem:s7], [sflag:$0x2] =	stream.indirect_vreg.gather [hbm4b:s1+s3], $0x80, v4, vm0, $0xb8;
	[tilespmem:$0x10A80] =	vst v63  }
0x7f: {  	_ = 	snop  }
0x80: {  	[tilespmem:s8], [sflag:$0x2] =	stream.indirect_vreg.gather [hbm4b:s1+s3], $0x80, v3, vm0, $0xb8;
	[tilespmem:$0x10A80] =	vst v63  }
0x81: {  	v3 =	vld [tilespmem:$0xA0];
	_ =	sdelay $0x4  }
0x82: {  	v41 =	vshll.u32 v3, $0x1  }
0x83: {  	v3 =	vand.u32 $0x7, v3;
	v4 =	vand.u32 $0xFFFFFFF0, v41  }
0x84: {  	v3 =	vor.u32 v3, v4  }
0x85: {  	v4 =	vperm.xlane v3, v0;
	_ =	sdelay $0x1  }
0x86: {  	v3 =	vperm.xlane v3, v2;
	v4 =	vadd.s32 v1, v4;
	_ =	sdelay $0x1  }
0x87: {  	v3 =	vadd.s32 v1, v3;
	_ =	sdelay $0x2  }
0x88: {  	[tilespmem:s9], [sflag:$0x2] =	stream.indirect_vreg.gather [hbm4b:s1+s3], $0x80, v4, vm0, $0xb8;
	[tilespmem:$0x10A80] =	vst v63  }
0x89: {  	_ = 	snop  }
0x8a: {  	[tilespmem:s10], [sflag:$0x2] =	stream.indirect_vreg.gather [hbm4b:s1+s3], $0x80, v3, vm0, $0xb8;
	[tilespmem:$0x10A80] =	vst v63  }
0x8b: {  	v3 =	vld [tilespmem:$0xB0];
	_ =	sdelay $0x4  }
0x8c: {  	v42 =	vshll.u32 v3, $0x1  }
0x8d: {  	v3 =	vand.u32 $0x7, v3;
	v4 =	vand.u32 $0xFFFFFFF0, v42  }
0x8e: {  	v3 =	vor.u32 v3, v4  }
0x8f: {  	v4 =	vperm.xlane v3, v0;
	_ =	sdelay $0x1  }
0x90: {  	v3 =	vperm.xlane v3, v2;
	v4 =	vadd.s32 v1, v4;
	_ =	sdelay $0x1  }
0x91: {  	v3 =	vadd.s32 v1, v3;
	_ =	sdelay $0x2  }
0x92: {  	[tilespmem:s11], [sflag:$0x2] =	stream.indirect_vreg.gather [hbm4b:s1+s3], $0x80, v4, vm0, $0xb8;
	[tilespmem:$0x10A80] =	vst v63  }
0x93: {  	_ = 	snop  }
0x94: {  	[tilespmem:s14], [sflag:$0x2] =	stream.indirect_vreg.gather [hbm4b:s1+s3], $0x80, v3, vm0, $0xb8;
	[tilespmem:$0x10A80] =	vst v63  }
0x95: {  	v3 =	vld [tilespmem:$0xC0];
	_ =	sdelay $0x4  }
0x96: {  	v43 =	vshll.u32 v3, $0x1  }
0x97: {  	v3 =	vand.u32 $0x7, v3;
	v4 =	vand.u32 $0xFFFFFFF0, v43  }
0x98: {  	v3 =	vor.u32 v3, v4  }
0x99: {  	v4 =	vperm.xlane v3, v0;
	_ =	sdelay $0x1  }
0x9a: {  	v3 =	vperm.xlane v3, v2;
	v4 =	vadd.s32 v1, v4;
	_ =	sdelay $0x1  }
0x9b: {  	v3 =	vadd.s32 v1, v3;
	_ =	sdelay $0x2  }
0x9c: {  	[tilespmem:s6], [sflag:$0x2] =	stream.indirect_vreg.gather [hbm4b:s1+s3], $0x80, v4, vm0, $0xb8;
	[tilespmem:$0x10A80] =	vst v63  }
0x9d: {  	_ = 	snop  }
0x9e: {  	[tilespmem:s22], [sflag:$0x2] =	stream.indirect_vreg.gather [hbm4b:s1+s3], $0x80, v3, vm0, $0xb8;
	[tilespmem:$0x10A80] =	vst v63  }
0x9f: {  	v3 =	vld [tilespmem:$0xD0];
	_ =	sdelay $0x4  }
0xa0: {  	v44 =	vshll.u32 v3, $0x1  }
0xa1: {  	v3 =	vand.u32 $0x7, v3;
	v4 =	vand.u32 $0xFFFFFFF0, v44  }
0xa2: {  	v3 =	vor.u32 v3, v4  }
0xa3: {  	v4 =	vperm.xlane v3, v0;
	_ =	sdelay $0x1  }
0xa4: {  	v3 =	vperm.xlane v3, v2;
	v4 =	vadd.s32 v1, v4;
	_ =	sdelay $0x1  }
0xa5: {  	v3 =	vadd.s32 v1, v3;
	_ =	sdelay $0x1  }
0xa6: {  	s15 =	simm.s32 $0xD200  }
0xa7: {  	[tilespmem:s15], [sflag:$0x2] =	stream.indirect_vreg.gather [hbm4b:s1+s3], $0x80, v4, vm0, $0xb8;
	[tilespmem:$0x10A80] =	vst v63  }
0xa8: {  	s15 =	simm.s32 $0xDA00  }
0xa9: {  	[tilespmem:s15], [sflag:$0x2] =	stream.indirect_vreg.gather [hbm4b:s1+s3], $0x80, v3, vm0, $0xb8;
	[tilespmem:$0x10A80] =	vst v63  }
0xaa: {  	v3 =	vld [tilespmem:$0xE0];
	_ =	sdelay $0x4  }
0xab: {  	v45 =	vshll.u32 v3, $0x1  }
0xac: {  	v3 =	vand.u32 $0x7, v3;
	v4 =	vand.u32 $0xFFFFFFF0, v45  }
0xad: {  	v3 =	vor.u32 v3, v4  }
0xae: {  	v4 =	vperm.xlane v3, v0;
	_ =	sdelay $0x1  }
0xaf: {  	v3 =	vperm.xlane v3, v2;
	v4 =	vadd.s32 v1, v4;
	_ =	sdelay $0x1  }
0xb0: {  	v3 =	vadd.s32 v1, v3;
	_ =	sdelay $0x1  }
0xb1: {  	s15 =	simm.s32 $0xE200  }
0xb2: {  	[tilespmem:s15], [sflag:$0x2] =	stream.indirect_vreg.gather [hbm4b:s1+s3], $0x80, v4, vm0, $0xb8;
	[tilespmem:$0x10A80] =	vst v63  }
0xb3: {  	s15 =	simm.s32 $0xEA00  }
0xb4: {  	[tilespmem:s15], [sflag:$0x2] =	stream.indirect_vreg.gather [hbm4b:s1+s3], $0x80, v3, vm0, $0xb8;
	[tilespmem:$0x10A80] =	vst v63  }
0xb5: {  	v3 =	vld [tilespmem:$0xF0];
	_ =	sdelay $0x4  }
0xb6: {  	v46 =	vshll.u32 v3, $0x1  }
0xb7: {  	v3 =	vand.u32 $0x7, v3;
	v4 =	vand.u32 $0xFFFFFFF0, v46  }
0xb8: {  	v3 =	vor.u32 v3, v4  }
0xb9: {  	v4 =	vperm.xlane v3, v0;
	_ =	sdelay $0x1  }
0xba: {  	v3 =	vperm.xlane v3, v2;
	v4 =	vadd.s32 v1, v4;
	_ =	sdelay $0x1  }
0xbb: {  	v3 =	vadd.s32 v1, v3;
	_ =	sdelay $0x1  }
0xbc: {  	s15 =	simm.s32 $0xF200  }
0xbd: {  	[tilespmem:s15], [sflag:$0x2] =	stream.indirect_vreg.gather [hbm4b:s1+s3], $0x80, v4, vm0, $0xb8;
	[tilespmem:$0x10A80] =	vst v63  }
0xbe: {  	s15 =	simm.s32 $0xFA00  }
0xbf: {  	[tilespmem:s15], [sflag:$0x2] =	stream.indirect_vreg.gather [hbm4b:s1+s3], $0x80, v3, vm0, $0xb8;
	[tilespmem:$0x10A80] =	vst v63  }
0xc0: {  	_ =	swait.ge [sflag:s12], $0x8000  }
0xc1: {  	[sflag:s12] =	ssyncset.done $0x0  }
0xc2: {  	s0 =	simm.s32 $0x200;
	s15 =	rddreg [dreg:$0x6];
	[sflag:s12] =	ssyncadd.s32 $0xFFFF8000  }
0xc3: {  	[hbm4b:s15+s3] =	stream.linear.scatter [tilespmem:s0], [sflag:$0x3], $0x8000, $0x38;
	[tilespmem:$0x10A80] =	vst v63  }
0xc4: {  	_ =	swait.ge [sflag:s5], $0x8000  }
0xc5: {  	[sflag:s5] =	ssyncset.done $0x0  }
0xc6: {  	[sflag:s5] =	ssyncadd.s32 $0xFFFF8000  }
0xc7: {  	v3 =	vld [tilespmem:$0x100];
	_ =	sdelay $0x4  }
0xc8: {  	v47 =	vshll.u32 v3, $0x1  }
0xc9: {  	v3 =	vand.u32 $0x7, v3;
	v4 =	vand.u32 $0xFFFFFFF0, v47  }
0xca: {  	v3 =	vor.u32 v3, v4  }
0xcb: {  	v4 =	vperm.xlane v3, v0;
	_ =	sdelay $0x1  }
0xcc: {  	v3 =	vperm.xlane v3, v2;
	v4 =	vadd.s32 v1, v4;
	_ =	sdelay $0x1  }
0xcd: {  	v3 =	vadd.s32 v1, v3;
	_ =	sdelay $0x2  }
0xce: {  	[tilespmem:s0], [sflag:$0x1] =	stream.indirect_vreg.gather [hbm4b:s1+s3], $0x80, v4, vm0, $0xb8;
	[tilespmem:$0x10A80] =	vst v63  }
0xcf: {  	_ = 	snop  }
0xd0: {  	[tilespmem:s16], [sflag:$0x1] =	stream.indirect_vreg.gather [hbm4b:s1+s3], $0x80, v3, vm0, $0xb8;
	[tilespmem:$0x10A80] =	vst v63  }
0xd1: {  	v3 =	vld [tilespmem:$0x110];
	_ =	sdelay $0x4  }
0xd2: {  	v48 =	vshll.u32 v3, $0x1  }
0xd3: {  	v3 =	vand.u32 $0x7, v3;
	v4 =	vand.u32 $0xFFFFFFF0, v48  }
0xd4: {  	v3 =	vor.u32 v3, v4  }
0xd5: {  	v4 =	vperm.xlane v3, v0;
	_ =	sdelay $0x1  }
0xd6: {  	v3 =	vperm.xlane v3, v2;
	v4 =	vadd.s32 v1, v4;
	_ =	sdelay $0x1  }
0xd7: {  	v3 =	vadd.s32 v1, v3;
	_ =	sdelay $0x2  }
0xd8: {  	[tilespmem:s17], [sflag:$0x1] =	stream.indirect_vreg.gather [hbm4b:s1+s3], $0x80, v4, vm0, $0xb8;
	[tilespmem:$0x10A80] =	vst v63  }
0xd9: {  	_ = 	snop  }
0xda: {  	[tilespmem:s18], [sflag:$0x1] =	stream.indirect_vreg.gather [hbm4b:s1+s3], $0x80, v3, vm0, $0xb8;
	[tilespmem:$0x10A80] =	vst v63  }
0xdb: {  	v3 =	vld [tilespmem:$0x120];
	_ =	sdelay $0x4  }
0xdc: {  	v49 =	vshll.u32 v3, $0x1  }
0xdd: {  	v3 =	vand.u32 $0x7, v3;
	v4 =	vand.u32 $0xFFFFFFF0, v49  }
0xde: {  	v3 =	vor.u32 v3, v4  }
0xdf: {  	v4 =	vperm.xlane v3, v0;
	_ =	sdelay $0x1  }
0xe0: {  	v3 =	vperm.xlane v3, v2;
	v4 =	vadd.s32 v1, v4;
	_ =	sdelay $0x1  }
0xe1: {  	v3 =	vadd.s32 v1, v3;
	_ =	sdelay $0x2  }
0xe2: {  	[tilespmem:s19], [sflag:$0x1] =	stream.indirect_vreg.gather [hbm4b:s1+s3], $0x80, v4, vm0, $0xb8;
	[tilespmem:$0x10A80] =	vst v63  }
0xe3: {  	_ = 	snop  }
0xe4: {  	[tilespmem:s20], [sflag:$0x1] =	stream.indirect_vreg.gather [hbm4b:s1+s3], $0x80, v3, vm0, $0xb8;
	[tilespmem:$0x10A80] =	vst v63  }
0xe5: {  	v3 =	vld [tilespmem:$0x130];
	_ =	sdelay $0x4  }
0xe6: {  	v50 =	vshll.u32 v3, $0x1  }
0xe7: {  	v3 =	vand.u32 $0x7, v3;
	v4 =	vand.u32 $0xFFFFFFF0, v50  }
0xe8: {  	v3 =	vor.u32 v3, v4  }
0xe9: {  	v4 =	vperm.xlane v3, v0;
	_ =	sdelay $0x1  }
0xea: {  	v3 =	vperm.xlane v3, v2;
	v4 =	vadd.s32 v1, v4;
	_ =	sdelay $0x1  }
0xeb: {  	v3 =	vadd.s32 v1, v3;
	_ =	sdelay $0x2  }
0xec: {  	[tilespmem:s21], [sflag:$0x1] =	stream.indirect_vreg.gather [hbm4b:s1+s3], $0x80, v4, vm0, $0xb8;
	[tilespmem:$0x10A80] =	vst v63  }
0xed: {  	_ = 	snop  }
0xee: {  	[tilespmem:s23], [sflag:$0x1] =	stream.indirect_vreg.gather [hbm4b:s1+s3], $0x80, v3, vm0, $0xb8;
	[tilespmem:$0x10A80] =	vst v63  }
0xef: {  	v3 =	vld [tilespmem:$0x140];
	_ =	sdelay $0x4  }
0xf0: {  	v51 =	vshll.u32 v3, $0x1  }
0xf1: {  	v3 =	vand.u32 $0x7, v3;
	v4 =	vand.u32 $0xFFFFFFF0, v51  }
0xf2: {  	v3 =	vor.u32 v3, v4  }
0xf3: {  	v4 =	vperm.xlane v3, v0;
	_ =	sdelay $0x1  }
0xf4: {  	v3 =	vperm.xlane v3, v2;
	v4 =	vadd.s32 v1, v4;
	_ =	sdelay $0x1  }
0xf5: {  	v3 =	vadd.s32 v1, v3;
	_ =	sdelay $0x2  }
0xf6: {  	[tilespmem:s24], [sflag:$0x1] =	stream.indirect_vreg.gather [hbm4b:s1+s3], $0x80, v4, vm0, $0xb8;
	[tilespmem:$0x10A80] =	vst v63  }
0xf7: {  	_ = 	snop  }
0xf8: {  	[tilespmem:s25], [sflag:$0x1] =	stream.indirect_vreg.gather [hbm4b:s1+s3], $0x80, v3, vm0, $0xb8;
	[tilespmem:$0x10A80] =	vst v63  }
0xf9: {  	v3 =	vld [tilespmem:$0x150];
	_ =	sdelay $0x4  }
0xfa: {  	v52 =	vshll.u32 v3, $0x1  }
0xfb: {  	v3 =	vand.u32 $0x7, v3;
	v4 =	vand.u32 $0xFFFFFFF0, v52  }
0xfc: {  	v3 =	vor.u32 v3, v4  }
0xfd: {  	v4 =	vperm.xlane v3, v0;
	_ =	sdelay $0x1  }
0xfe: {  	v3 =	vperm.xlane v3, v2;
	v4 =	vadd.s32 v1, v4;
	_ =	sdelay $0x1  }
0xff: {  	v3 =	vadd.s32 v1, v3;
	_ =	sdelay $0x2  }
0x100: {  	[tilespmem:s26], [sflag:$0x1] =	stream.indirect_vreg.gather [hbm4b:s1+s3], $0x80, v4, vm0, $0xb8;
	[tilespmem:$0x10A80] =	vst v63  }
0x101: {  	_ = 	snop  }
0x102: {  	[tilespmem:s28], [sflag:$0x1] =	stream.indirect_vreg.gather [hbm4b:s1+s3], $0x80, v3, vm0, $0xb8;
	[tilespmem:$0x10A80] =	vst v63  }
0x103: {  	v3 =	vld [tilespmem:$0x160];
	_ =	sdelay $0x4  }
0x104: {  	v53 =	vshll.u32 v3, $0x1  }
0x105: {  	v3 =	vand.u32 $0x7, v3;
	v4 =	vand.u32 $0xFFFFFFF0, v53  }
0x106: {  	v3 =	vor.u32 v3, v4  }
0x107: {  	v4 =	vperm.xlane v3, v0;
	_ =	sdelay $0x1  }
0x108: {  	v3 =	vperm.xlane v3, v2;
	v4 =	vadd.s32 v1, v4;
	_ =	sdelay $0x1  }
0x109: {  	v3 =	vadd.s32 v1, v3;
	_ =	sdelay $0x2  }
0x10a: {  	[tilespmem:s29], [sflag:$0x1] =	stream.indirect_vreg.gather [hbm4b:s1+s3], $0x80, v4, vm0, $0xb8;
	[tilespmem:$0x10A80] =	vst v63  }
0x10b: {  	_ = 	snop  }
0x10c: {  	[tilespmem:s30], [sflag:$0x1] =	stream.indirect_vreg.gather [hbm4b:s1+s3], $0x80, v3, vm0, $0xb8;
	[tilespmem:$0x10A80] =	vst v63  }
0x10d: {  	v3 =	vld [tilespmem:$0x170];
	_ =	sdelay $0x4  }
0x10e: {  	v54 =	vshll.u32 v3, $0x1  }
0x10f: {  	v3 =	vand.u32 $0x7, v3;
	v4 =	vand.u32 $0xFFFFFFF0, v54  }
0x110: {  	v3 =	vor.u32 v3, v4  }
0x111: {  	v4 =	vperm.xlane v3, v0;
	_ =	sdelay $0x1  }
0x112: {  	v3 =	vperm.xlane v3, v2;
	v4 =	vadd.s32 v1, v4;
	_ =	sdelay $0x1  }
0x113: {  	v3 =	vadd.s32 v1, v3;
	_ =	sdelay $0x2  }
0x114: {  	[tilespmem:s31], [sflag:$0x1] =	stream.indirect_vreg.gather [hbm4b:s1+s3], $0x80, v4, vm0, $0xb8;
	[tilespmem:$0x10A80] =	vst v63  }
0x115: {  	_ = 	snop  }
0x116: {  	[tilespmem:s2], [sflag:$0x1] =	stream.indirect_vreg.gather [hbm4b:s1+s3], $0x80, v3, vm0, $0xb8;
	[tilespmem:$0x10A80] =	vst v63  }
0x117: {  	s2 =	simm.s32 $0x2  }
0x118: {  	_ =	swait.ge [sflag:s2], $0x8000  }
0x119: {  	[sflag:s2] =	ssyncset.done $0x0  }
0x11a: {  	s0 =	rddreg [dreg:$0x7];
	[sflag:s2] =	ssyncadd.s32 $0xFFFF8000  }
0x11b: {  	[hbm4b:s0+s3] =	stream.linear.scatter [tilespmem:s13], [sflag:$0x3], $0x8000, $0x38;
	[tilespmem:$0x10A80] =	vst v63  }
0x11c: {  	_ =	swait.ge [sflag:s5], $0x8000  }
0x11d: {  	[sflag:s5] =	ssyncset.done $0x0  }
0x11e: {  	[sflag:s5] =	ssyncadd.s32 $0xFFFF8000  }
0x11f: {  	v3 =	vld [tilespmem:$0x180];
	_ =	sdelay $0x4  }
0x120: {  	v55 =	vshll.u32 v3, $0x1  }
0x121: {  	v3 =	vand.u32 $0x7, v3;
	v4 =	vand.u32 $0xFFFFFFF0, v55  }
0x122: {  	v3 =	vor.u32 v3, v4  }
0x123: {  	v4 =	vperm.xlane v3, v0;
	_ =	sdelay $0x1  }
0x124: {  	v3 =	vperm.xlane v3, v2;
	v4 =	vadd.s32 v1, v4;
	_ =	sdelay $0x1  }
0x125: {  	v3 =	vadd.s32 v1, v3;
	_ =	sdelay $0x2  }
0x126: {  	[tilespmem:s13], [sflag:$0x2] =	stream.indirect_vreg.gather [hbm4b:s1+s3], $0x80, v4, vm0, $0xb8;
	[tilespmem:$0x10A80] =	vst v63  }
0x127: {  	s16 =	simm.s32 $0x8A00  }
0x128: {  	[tilespmem:s16], [sflag:$0x2] =	stream.indirect_vreg.gather [hbm4b:s1+s3], $0x80, v3, vm0, $0xb8;
	[tilespmem:$0x10A80] =	vst v63  }
0x129: {  	v3 =	vld [tilespmem:$0x190];
	_ =	sdelay $0x4  }
0x12a: {  	v56 =	vshll.u32 v3, $0x1  }
0x12b: {  	v3 =	vand.u32 $0x7, v3;
	v4 =	vand.u32 $0xFFFFFFF0, v56  }
0x12c: {  	v3 =	vor.u32 v3, v4  }
0x12d: {  	v4 =	vperm.xlane v3, v0;
	_ =	sdelay $0x1  }
0x12e: {  	v3 =	vperm.xlane v3, v2;
	v4 =	vadd.s32 v1, v4;
	_ =	sdelay $0x1  }
0x12f: {  	v3 =	vadd.s32 v1, v3;
	_ =	sdelay $0x2  }
0x130: {  	[tilespmem:s7], [sflag:$0x2] =	stream.indirect_vreg.gather [hbm4b:s1+s3], $0x80, v4, vm0, $0xb8;
	[tilespmem:$0x10A80] =	vst v63  }
0x131: {  	_ = 	snop  }
0x132: {  	[tilespmem:s8], [sflag:$0x2] =	stream.indirect_vreg.gather [hbm4b:s1+s3], $0x80, v3, vm0, $0xb8;
	[tilespmem:$0x10A80] =	vst v63  }
0x133: {  	v3 =	vld [tilespmem:$0x1A0];
	_ =	sdelay $0x4  }
0x134: {  	v57 =	vshll.u32 v3, $0x1  }
0x135: {  	v3 =	vand.u32 $0x7, v3;
	v4 =	vand.u32 $0xFFFFFFF0, v57  }
0x136: {  	v3 =	vor.u32 v3, v4  }
0x137: {  	v4 =	vperm.xlane v3, v0;
	_ =	sdelay $0x1  }
0x138: {  	v3 =	vperm.xlane v3, v2;
	v4 =	vadd.s32 v1, v4;
	_ =	sdelay $0x1  }
0x139: {  	v3 =	vadd.s32 v1, v3;
	_ =	sdelay $0x2  }
0x13a: {  	[tilespmem:s9], [sflag:$0x2] =	stream.indirect_vreg.gather [hbm4b:s1+s3], $0x80, v4, vm0, $0xb8;
	[tilespmem:$0x10A80] =	vst v63  }
0x13b: {  	_ = 	snop  }
0x13c: {  	[tilespmem:s10], [sflag:$0x2] =	stream.indirect_vreg.gather [hbm4b:s1+s3], $0x80, v3, vm0, $0xb8;
	[tilespmem:$0x10A80] =	vst v63  }
0x13d: {  	v3 =	vld [tilespmem:$0x1B0];
	_ =	sdelay $0x4  }
0x13e: {  	v58 =	vshll.u32 v3, $0x1  }
0x13f: {  	v3 =	vand.u32 $0x7, v3;
	v4 =	vand.u32 $0xFFFFFFF0, v58  }
0x140: {  	v3 =	vor.u32 v3, v4  }
0x141: {  	v4 =	vperm.xlane v3, v0;
	_ =	sdelay $0x1  }
0x142: {  	v3 =	vperm.xlane v3, v2;
	v4 =	vadd.s32 v1, v4;
	_ =	sdelay $0x1  }
0x143: {  	v3 =	vadd.s32 v1, v3;
	_ =	sdelay $0x2  }
0x144: {  	[tilespmem:s11], [sflag:$0x2] =	stream.indirect_vreg.gather [hbm4b:s1+s3], $0x80, v4, vm0, $0xb8;
	[tilespmem:$0x10A80] =	vst v63  }
0x145: {  	_ = 	snop  }
0x146: {  	[tilespmem:s14], [sflag:$0x2] =	stream.indirect_vreg.gather [hbm4b:s1+s3], $0x80, v3, vm0, $0xb8;
	[tilespmem:$0x10A80] =	vst v63  }
0x147: {  	v3 =	vld [tilespmem:$0x1C0];
	_ =	sdelay $0x4  }
0x148: {  	v59 =	vshll.u32 v3, $0x1  }
0x149: {  	v3 =	vand.u32 $0x7, v3;
	v4 =	vand.u32 $0xFFFFFFF0, v59  }
0x14a: {  	v3 =	vor.u32 v3, v4  }
0x14b: {  	v4 =	vperm.xlane v3, v0;
	_ =	sdelay $0x1  }
0x14c: {  	v3 =	vperm.xlane v3, v2;
	v4 =	vadd.s32 v1, v4;
	_ =	sdelay $0x1  }
0x14d: {  	v3 =	vadd.s32 v1, v3;
	_ =	sdelay $0x2  }
0x14e: {  	[tilespmem:s6], [sflag:$0x2] =	stream.indirect_vreg.gather [hbm4b:s1+s3], $0x80, v4, vm0, $0xb8;
	[tilespmem:$0x10A80] =	vst v63  }
0x14f: {  	_ = 	snop  }
0x150: {  	[tilespmem:s22], [sflag:$0x2] =	stream.indirect_vreg.gather [hbm4b:s1+s3], $0x80, v3, vm0, $0xb8;
	[tilespmem:$0x10A80] =	vst v63  }
0x151: {  	v3 =	vld [tilespmem:$0x1D0];
	_ =	sdelay $0x4  }
0x152: {  	v60 =	vshll.u32 v3, $0x1  }
0x153: {  	v3 =	vand.u32 $0x7, v3;
	v4 =	vand.u32 $0xFFFFFFF0, v60  }
0x154: {  	v3 =	vor.u32 v3, v4  }
0x155: {  	v4 =	vperm.xlane v3, v0;
	_ =	sdelay $0x1  }
0x156: {  	v3 =	vperm.xlane v3, v2;
	v4 =	vadd.s32 v1, v4;
	_ =	sdelay $0x1  }
0x157: {  	v3 =	vadd.s32 v1, v3;
	_ =	sdelay $0x1  }
0x158: {  	s15 =	simm.s32 $0xD200  }
0x159: {  	[tilespmem:s15], [sflag:$0x2] =	stream.indirect_vreg.gather [hbm4b:s1+s3], $0x80, v4, vm0, $0xb8;
	[tilespmem:$0x10A80] =	vst v63  }
0x15a: {  	s16 =	simm.s32 $0xDA00  }
0x15b: {  	[tilespmem:s16], [sflag:$0x2] =	stream.indirect_vreg.gather [hbm4b:s1+s3], $0x80, v3, vm0, $0xb8;
	[tilespmem:$0x10A80] =	vst v63  }
0x15c: {  	v3 =	vld [tilespmem:$0x1E0];
	_ =	sdelay $0x4  }
0x15d: {  	v61 =	vshll.u32 v3, $0x1  }
0x15e: {  	v3 =	vand.u32 $0x7, v3;
	v4 =	vand.u32 $0xFFFFFFF0, v61  }
0x15f: {  	v3 =	vor.u32 v3, v4  }
0x160: {  	v4 =	vperm.xlane v3, v0;
	_ =	sdelay $0x1  }
0x161: {  	v3 =	vperm.xlane v3, v2;
	v4 =	vadd.s32 v1, v4;
	_ =	sdelay $0x1  }
0x162: {  	v3 =	vadd.s32 v1, v3;
	_ =	sdelay $0x1  }
0x163: {  	s15 =	simm.s32 $0xE200  }
0x164: {  	[tilespmem:s15], [sflag:$0x2] =	stream.indirect_vreg.gather [hbm4b:s1+s3], $0x80, v4, vm0, $0xb8;
	[tilespmem:$0x10A80] =	vst v63  }
0x165: {  	s16 =	simm.s32 $0xEA00  }
0x166: {  	[tilespmem:s16], [sflag:$0x2] =	stream.indirect_vreg.gather [hbm4b:s1+s3], $0x80, v3, vm0, $0xb8;
	[tilespmem:$0x10A80] =	vst v63  }
0x167: {  	v3 =	vld [tilespmem:$0x1F0];
	_ =	sdelay $0x4  }
0x168: {  	v62 =	vshll.u32 v3, $0x1  }
0x169: {  	v3 =	vand.u32 $0x7, v3;
	v4 =	vand.u32 $0xFFFFFFF0, v62  }
0x16a: {  	v3 =	vor.u32 v3, v4  }
0x16b: {  	v4 =	vperm.xlane v3, v0;
	_ =	sdelay $0x1  }
0x16c: {  	v3 =	vperm.xlane v3, v2;
	v4 =	vadd.s32 v1, v4;
	_ =	sdelay $0x1  }
0x16d: {  	v3 =	vadd.s32 v1, v3;
	_ =	sdelay $0x1  }
0x16e: {  	s15 =	simm.s32 $0xF200  }
0x16f: {  	[tilespmem:s15], [sflag:$0x2] =	stream.indirect_vreg.gather [hbm4b:s1+s3], $0x80, v4, vm0, $0xb8;
	[tilespmem:$0x10A80] =	vst v63  }
0x170: {  	s16 =	simm.s32 $0xFA00  }
0x171: {  	[tilespmem:s16], [sflag:$0x2] =	stream.indirect_vreg.gather [hbm4b:s1+s3], $0x80, v3, vm0, $0xb8;
	[tilespmem:$0x10A80] =	vst v63  }
0x172: {  	_ =	swait.ge [sflag:s12], $0x8000  }
0x173: {  	[sflag:s12] =	ssyncset.done $0x0  }
0x174: {  	s16 =	simm.s32 $0x200;
	s0 =	rddreg [dreg:$0x8];
	[sflag:s12] =	ssyncadd.s32 $0xFFFF8000  }
0x175: {  	[hbm4b:s0+s3] =	stream.linear.scatter [tilespmem:s16], [sflag:$0x3], $0x8000, $0x38;
	[tilespmem:$0x10A80] =	vst v63  }
0x176: {  	_ =	swait.ge [sflag:s5], $0x8000  }
0x177: {  	[sflag:s5] =	ssyncset.done $0x0  }
0x178: {  	[sflag:s5] =	ssyncadd.s32 $0xFFFF8000  }
0x179: {  	_ =	swait.ge [sflag:s2], $0x8000  }
0x17a: {  	[sflag:s2] =	ssyncset.done $0x0  }
0x17b: {  	s16 =	rddreg [dreg:$0x9];
	[sflag:s2] =	ssyncadd.s32 $0xFFFF8000  }
0x17c: {  	[hbm4b:s16+s3] =	stream.linear.scatter [tilespmem:s13], [sflag:$0x3], $0x8000, $0x38;
	[tilespmem:$0x10A80] =	vst v63  }
0x17d: {  	_ =	swait.ge [sflag:s5], $0x8000  }
0x17e: {  	s0 =	rddreg [dreg:$0xa];
	[sflag:s5] =	ssyncset.done $0x0  }
0x17f: {  	s2 =	rddreg [dreg:$0xc];
	[sflag:s5] =	ssyncadd.s32 $0xFFFF8000  }
0x180: {  	[tilespmem:s2], [sflag:$0x3] =	stream.linear.gather [hbm4b:s0+s3], $0x8, $0x38;
	[tilespmem:$0x10A80] =	vst v63  }
0x181: {  	_ =	swait.ge [sflag:s5], $0x8  }
0x182: {  	[sflag:s5] =	ssyncset.done $0x0  }
0x183: {  	[sflag:s5] =	ssyncadd.s32 $0xFFFFFFF8  }
0x184: {  	v3 =	vld.msk [tilespmem:$0x10200], $0xff;
	_ =	sdelay $0x4  }
0x185: {  	v63 =	vshll.u32 v3, $0x1  }
0x186: {  	v3 =	vand.u32 $0x7, v3;
	v4 =	vand.u32 $0xFFFFFFF0, v63  }
0x187: {  	v3 =	vor.u32 v3, v4  }
0x188: {  	v3 =	vperm.xlane v3, v0;
	_ =	sdelay $0x1  }
0x189: {  	v3 =	vadd.s32 v1, v3;
	_ =	sdelay $0x3  }
0x18a: {  	s2 =	simm.s32 $0x10280;
	s0 =	rddreg [dreg:$0x4]  }
0x18b: {  	[tilespmem:s2], [sflag:$0x1] =	stream.indirect_vreg.gather [hbm4b:s0+s3], $0x80, v3, vm0, $0xb8;
	[tilespmem:$0x10A80] =	vst v63  }
0x18c: {  	_ =	swait.ge [sflag:s12], $0x800  }
0x18d: {  	p0 =	sne.s32 s4, $0x1;
	[sflag:s12] =	ssyncset.done $0x0  }
.Ltmp0:
0x18e: {  	s16 =	rddreg [dreg:$0xb];
	[sflag:s12] =	ssyncadd.s32 $0xFFFFF800;
	(pc) =	sbr.rel @p0 .LBB2_1-.Ltmp0, $4  }
0x18f: {  	[hbm4b:s16+s3] =	stream.linear.scatter [tilespmem:s2], [sflag:$0x3], $0x800, $0x38;
	[tilespmem:$0x10A80] =	vst v63  }
0x190: {  	_ =	swait.ge [sflag:s5], $0x800  }
0x191: {  	[sflag:s5] =	ssyncset.done $0x0  }
0x192: {  	s4 =	sadd.s32 $0xFFFFFFFF, s4;
	[sflag:s5] =	ssyncadd.s32 $0xFFFFF800  }
0x193: {  	_ =	sfence.sel $0x180000  }
0x194: {  	[bflag:$0x0] =	sbarrier.arrive $0xFFFF  }
0x195: {  	_ =	strace $0x9000004A  }
0x196: {  	s0 =	stileid.u32;
	[bflag:$0x2] =	sbarrier.arrive $0xFFFF  }
0x197: {  	p0 =	sne.s32 s0, $0x0;
	s0 =	rddreg [dreg:$0x3]  }
0x198: {  	s0 =	sadd.s32 @!p0 $0x100000, s0  }
0x199: {  	[sflag:s0] =	ssyncadd.tile.s32 @!p0 $0x1;
	_ =	shalt  }
.Lfunc_end2:
_tile_overlayer_lowered:
.L_overlay_start_2:
0x19a: {  	(tag) =	ssettag $0x2  }
0x19b: {  	s0 =	rddreg [dreg:$0x0];
	s2 =	stileid.u32  }
0x19c: {  	s1 =	rddreg [dreg:$0x1];
	p0 =	sne.s32 s2, $0x0  }
0x19d: {  	s3 =	rddreg [dreg:$0x2];
	[bflag:$0x3] =	sbarrier.arrive $0xFFFF;
	s2 =	simm.s32 @!p0 $0x1C03  }
0x19e: {  	[timem:s3], [sflag:s2] =	dma.local @!p0 [hbm:s0], s1  }
0x19f: {  	s0 =	simm.s32 @!p0 $0x3  }
0x1a0: {  	_ =	swait.ge @!p0 [sflag:s0], s1  }
0x1a1: {  	s1 =	ssub.s32 @!p0 $0x0, s1;
	[sflag:s0] =	ssyncset.done @!p0 $0x0  }
0x1a2: {  	[sflag:s0] =	ssyncadd.s32 @!p0 s1  }
0x1a3: {  	[bflag:$0x3] =	sbarrier.arrive $0xFFFF  }
0x1a4: {  	_ =	shalt  }

// kernel: _pipelined.16.cloned.1.call-start
scs
__scs_entry_jumppad:
0x0: {  	(pc) =	sbr.rel $0x88, $3  }
0x1: {  	(tag) =	ssettag $0x0;
	lr =	simm.s32 $0x1  }
0x2: {  	[smem:$0x3F98] =	sst lr;
	_ =	strace $0xD0000000  }
0x3: {  	_ = 	snop  }
0x4: {  	_ = 	snop  }
0x5: {  	_ = 	snop  }
0x6: {  	_ = 	snop  }
0x7: {  	_ = 	snop  }
__scs_overlays_trampoline_lowered:
0x8: {  	[smem:$0x3FA7] =	sst s0  }
0x9: {  	[smem:$0x3FA8] =	sst s1  }
0xa: {  	[smem:$0x3FA9] =	sst s2  }
0xb: {  	[smem:$0x3FAA] =	sst s3  }
0xc: {  	[smem:$0x3FAB] =	sst s4  }
0xd: {  	[smem:$0x3FAC] =	sst s5  }
0xe: {  	[smem:$0x3FAD] =	sst s6  }
0xf: {  	[smem:$0x3FAE] =	sst s7  }
0x10: {  	[smem:$0x3FAF] =	sst s8  }
0x11: {  	[smem:$0x3FB0] =	sst s9;
	s0 =	simm.s32 @!p0 $0x0  }
0x12: {  	s1 =	sld [smem:$0x3F96];
	s0 =	simm.s32 @p0 $0x1  }
0x13: {  	[smem:$0x3FB1] =	sst s0;
	s0 =	simm.s32 @!p1 $0x0  }
0x14: {  	s2 =	sld [smem:$0x3F95];
	s0 =	simm.s32 @p1 $0x1  }
0x15: {  	[smem:$0x3FB2] =	sst s0;
	s0 =	simm.s32 @!p2 $0x0  }
0x16: {  	s3 =	sld [smem:$0x3FDB];
	s0 =	simm.s32 @p2 $0x1  }
0x17: {  	s4 =	simm.s32 $0x1BF5;
	[smem:$0x3FB4] =	sst s0  }
0x18: {  	s0 =	sld [smem:$0x3F97];
	_ =	swait.ge [sflag:s4], $0x0  }
0x19: {  	s7 =	sld [smem:$0x3F98]  }
0x1a: {  	s8 =	sadd.s32 $0xFFFFE003, lr  }
0x1b: {  	s9 =	sadd.s32 $0xFFFFFEF7, lr;
	s5 =	simm.s32 $0xFFFFFFFF;
	p2 =	slt.u32 s8, $0xFFFFF086  }
0x1c: {  	p1 =	slt.u32 s9, $0xF7A;
	s5 =	simm.s32 @!p2 $0x0  }
0x1d: {  	s5 =	simm.s32 @p1 $0x1;
	p0 =	seq.s32 s7, s2  }
0x1e: {  	s7 =	smul.u32 @!p0 $0xF7A, s2;
	p2 =	seq.s32 @!p0 s5, $0x0  }
0x1f: {  	s9 =	smul.u32 $0xF7A, s1;
	s8 =	simm.s32 @!p0 $0x1BF5;
	p2 =	por !p2, p0  }
0x20: {  	[sflag:s8] =	ssyncset.s32 @!p0 $0xFFFFF086;
	s6 =	sadd.s32 @!p0 s3, s7;
	s7 =	simm.s32 @!p0 $0x108  }
0x21: {  	s3 =	sadd.s32 s3, s9;
	s6 =	sadd.s32 @!p0 $0x88, s6;
	s7 =	simm.s32 @p2 $0x1082  }
0x22: {  	[simem:s7], [sflag:s8] =	dma.local @!p0 [hbm:s6], $0xF7A  }
0x23: {  	s9 =	sor.u32 $0xD0000000, s2;
	s6 =	simm.s32 $0x108;
	_ =	swait.ge @!p0 [sflag:s8], $0x0  }
0x24: {  	s3 =	sadd.s32 $0x88, s3;
	s6 =	simm.s32 @!p1 $0x1082;
	[sflag:s4] =	ssyncset.s32 $0xFFFFF086  }
0x25: {  	[simem:s6], [sflag:s4] =	dma.local [hbm:s3], $0xF7A  }
0x26: {  	[smem:$0x3F98] =	sst s1;
	(tag) =	ssettag s2;
	_ =	strace s9  }
0x27: {  	s1 =	sld [smem:$0x3FA8]  }
0x28: {  	s2 =	sld [smem:$0x3FA9]  }
0x29: {  	s4 =	sld [smem:$0x3FAB]  }
0x2a: {  	p0 =	seq.s32 s5, $0x0;
	s5 =	sld [smem:$0x3FAC]  }
0x2b: {  	s6 =	sld [smem:$0x3FAD]  }
0x2c: {  	s7 =	sld [smem:$0x3FAE]  }
0x2d: {  	s3 =	simm.s32 $0x108;
	s8 =	sld [smem:$0x3FAF]  }
0x2e: {  	s3 =	simm.s32 @!p0 $0x1082;
	s9 =	sld [smem:$0x3FB0]  }
0x2f: {  	lr =	sadd.s32 s0, s3;
	s0 =	sld [smem:$0x3FA7]  }
0x30: {  	s3 =	sld [smem:$0x3FAA]  }
0x31: {  	[smem:$0x3FB3] =	sst s10  }
0x32: {  	s10 =	sld [smem:$0x3FB1];
	_ =	sdelay $0x3  }
0x33: {  	p0 =	seq.s32 s10, $0x1;
	s10 =	sld [smem:$0x3FB3];
	_ =	sdelay $0x3  }
0x34: {  	[smem:$0x3FB3] =	sst s10  }
0x35: {  	s10 =	sld [smem:$0x3FB2];
	_ =	sdelay $0x3  }
0x36: {  	p1 =	seq.s32 s10, $0x1;
	s10 =	sld [smem:$0x3FB3];
	_ =	sdelay $0x3  }
0x37: {  	[smem:$0x3FB3] =	sst s10  }
0x38: {  	s10 =	sld [smem:$0x3FB4]  }
0x39: {  	_ = 	snop;
	(pc) =	sbr.ind lr, $3  }
0x3a: {  	_ = 	snop  }
0x3b: {  	_ = 	snop  }
0x3c: {  	p2 =	seq.s32 s10, $0x1;
	s10 =	sld [smem:$0x3FB3]  }
0x3d: {  	_ =	shalt  }
0x3e: {  	_ =	shalt  }
0x3f: {  	_ =	shalt  }
0x40: {  	_ =	shalt  }
0x41: {  	_ =	shalt  }
0x42: {  	_ =	shalt  }
0x43: {  	_ =	shalt  }
0x44: {  	_ =	shalt  }
0x45: {  	_ =	shalt  }
0x46: {  	_ =	shalt  }
0x47: {  	_ =	shalt  }
0x48: {  	_ =	shalt  }
0x49: {  	_ =	shalt  }
0x4a: {  	_ =	shalt  }
0x4b: {  	_ =	shalt  }
0x4c: {  	_ =	shalt  }
0x4d: {  	_ =	shalt  }
0x4e: {  	_ =	shalt  }
0x4f: {  	_ =	shalt  }
0x50: {  	_ =	shalt  }
0x51: {  	_ =	shalt  }
0x52: {  	_ =	shalt  }
0x53: {  	_ =	shalt  }
0x54: {  	_ =	shalt  }
0x55: {  	_ =	shalt  }
0x56: {  	_ =	shalt  }
0x57: {  	_ =	shalt  }
0x58: {  	_ =	shalt  }
0x59: {  	_ =	shalt  }
0x5a: {  	_ =	shalt  }
0x5b: {  	_ =	shalt  }
0x5c: {  	_ =	shalt  }
0x5d: {  	_ =	shalt  }
0x5e: {  	_ =	shalt  }
0x5f: {  	_ =	shalt  }
0x60: {  	_ =	shalt  }
0x61: {  	_ =	shalt  }
0x62: {  	_ =	shalt  }
0x63: {  	_ =	shalt  }
0x64: {  	_ =	shalt  }
0x65: {  	_ =	shalt  }
0x66: {  	_ =	shalt  }
0x67: {  	_ =	shalt  }
0x68: {  	_ =	shalt  }
0x69: {  	_ =	shalt  }
0x6a: {  	_ =	shalt  }
0x6b: {  	_ =	shalt  }
0x6c: {  	_ =	shalt  }
0x6d: {  	_ =	shalt  }
0x6e: {  	_ =	shalt  }
0x6f: {  	_ =	shalt  }
0x70: {  	_ =	shalt  }
0x71: {  	_ =	shalt  }
0x72: {  	_ =	shalt  }
0x73: {  	_ =	shalt  }
0x74: {  	_ =	shalt  }
0x75: {  	_ =	shalt  }
0x76: {  	_ =	shalt  }
0x77: {  	_ =	shalt  }
0x78: {  	_ =	shalt  }
0x79: {  	_ =	shalt  }
0x7a: {  	_ =	shalt  }
0x7b: {  	_ =	shalt  }
0x7c: {  	_ =	shalt  }
0x7d: {  	_ =	shalt  }
0x7e: {  	_ =	shalt  }
0x7f: {  	_ =	shalt  }
0x80: {  	_ =	shalt  }
0x81: {  	_ =	shalt  }
0x82: {  	_ =	shalt  }
0x83: {  	_ =	shalt  }
0x84: {  	_ =	shalt  }
0x85: {  	_ =	shalt  }
0x86: {  	_ =	shalt  }
0x87: {  	_ =	shalt  }
.Lfunc_end0:
.L_simem_size_0:
called_computation.2_lowered:
.L_overlay_start_0:
0x88: {  	s2 =	sld [smem:$0x3FD9]  }
0x89: {  	s3 =	sld [smem:$0x3FFE];
	_ =	sdelay $0x1  }
0x8a: {  	s1 =	srdreg.scid  }
0x8b: {  	s0 =	sand.u32 $0x1, s1  }
0x8c: {  	s17 =	sshll.u32 s0, $0xA;
	s2 =	sadd.s32 s3, s2  }
0x8d: {  	s2 =	sadd.s32 s2, s17  }
0x8e: {  	[smem:$0x3FBF] =	sst s2  }
0x8f: {  	_ = 	snop  }
0x90: {  	s4 =	sld [smem:$0x3FC5]  }
0x91: {  	s18 =	sld [smem:$0x3FC4];
	(tm) =	ssettm $0x1  }
0x92: {  	s19 =	sld [smem:$0x3FFB];
	_ =	sdelay $0x3  }
0x93: {  	_ =	strace s19  }
0x94: {  	s2 =	sld [smem:$0x3FFC];
	_ =	sdelay $0x3  }
0x95: {  	_ =	strace s2  }
0x96: {  	s2 =	sld [smem:$0x3FFD];
	_ =	sdelay $0x3  }
0x97: {  	_ =	strace s2  }
0x98: {  	_ =	strace $0x8FFFFFFF  }
0x99: {  	s20 =	sld [smem:$0x3FDB];
	_ =	sdelay $0x1  }
0x9a: {  	s5 =	simm.s32 $_scs_section_size  }
0x9b: {  	s6 =	simm.s32 $_size__tile_overlayer_lowered;
	s7 =	simm.s32 $_tile_overlayer_lowered  }
0x9c: {  	s8 =	simm.s32 $0x1BFF;
	s21 =	sshll.u32 s7, $0x1;
	s5 =	sadd.s32 s5, s20  }
0x9d: {  	s22 =	simm.s32 $0x0;
	s6 =	sshll.u32 s6, $0x1;
	s7 =	sadd.s32 s21, s5  }
0x9e: {  	[timem:s22], [sflag:s8] =	dma.local [hbm:s7], s6  }
0x9f: {  	_ =	swait.ge [sflag:s8], s6  }
0xa0: {  	s6 =	ssub.s32 $0x0, s6;
	[sflag:s8] =	ssyncset.done $0x0  }
0xa1: {  	[sflag:s8] =	ssyncadd.s32 s6;
	_ =	sdelay $0x1  }
0xa2: {  	s23 =	simm.s32 $0x1B8B  }
0xa3: {  	_ =	swait.ge [sflag:s23], $0x1  }
0xa4: {  	[sflag:s23] =	ssyncset.done $0x0  }
0xa5: {  	[sflag:s23] =	ssyncadd.s32 $0xFFFFFFFF  }
0xa6: {  	s6 =	sld [smem:$0x0]  }
0xa7: {  	s7 =	sand.u32 $0xFFFFFFFE, s1  }
0xa8: {  	p0 =	sne.s32 s1, s7  }
0xa9: {  	s7 =	sshll.u32 @p0 s7, $0xE  }
0xaa: {  	s7 =	sadd.s32 @p0 $0x11B8D, s7;
	s8 =	sshll.u32 @p0 s6, $0x11  }
0xab: {  	s7 =	sor.u32 @p0 s8, s7  }
0xac: {  	[sflag:s7] =	ssyncadd.remote.s32 @p0 $0x1;
	_ =	sdelay $0x1  }
0xad: {  	s7 =	simm.s32 @p0 $0x1B8D  }
0xae: {  	_ =	swait.eq @p0 [sflag:s7], $0x1  }
0xaf: {  	[sflag:s7] =	ssyncadd.s32 @p0 $0xFFFFFFFF  }
0xb0: {  	s8 =	sshll.u32 @!p0 s1, $0xE  }
0xb1: {  	s8 =	sor.u32 @!p0 $0x4000, s8;
	s7 =	simm.s32 @!p0 $0x1B8D  }
0xb2: {  	s6 =	sshll.u32 @!p0 s6, $0x11;
	s8 =	sadd.s32 @!p0 $0x11B8D, s8;
	_ =	swait.eq @!p0 [sflag:s7], $0x1  }
0xb3: {  	s6 =	sor.u32 @!p0 s6, s8;
	[sflag:s7] =	ssyncadd.s32 @!p0 $0xFFFFFFFF  }
0xb4: {  	s25 =	simm.s32 $0x1B8E;
	s24 =	sld [smem:$0x3FFE];
	[sflag:s6] =	ssyncadd.remote.s32 @!p0 $0x1  }
0xb5: {  	s26 =	simm.s32 $execute0_lowered;
	[smem:$0x3FD2] =	sst s25  }
0xb6: {  	s7 =	sshll.u32 s26, $0x1;
	_ =	strace $0x8000004C;
	[dreg:$0x1] =	wrdreg $0xFFFFFFFF  }
0xb7: {  	s28 =	simm.s32 $_size_execute0_lowered;
	s5 =	sadd.s32 s5, s7;
	[dreg:$0x0] =	wrdreg $0x0  }
0xb8: {  	s7 =	sshll.u32 s28, $0x1;
	[dreg:$0x2] =	wrdreg s5  }
0xb9: {  	[dreg:$0x3] =	wrdreg s7  }
0xba: {  	[dreg:$0x4] =	wrdreg $0xC0  }
0xbb: {  	_ =	task [dreg:s22], $0x5FFFF  }
0xbc: {  	[dreg:$0x1] =	wrdreg $0xFFFFFFFF  }
0xbd: {  	[dreg:$0x0] =	wrdreg $0x60  }
0xbe: {  	[dreg:$0x2] =	wrdreg s4  }
0xbf: {  	[dreg:$0x3] =	wrdreg s24  }
0xc0: {  	[dreg:$0x4] =	wrdreg s18  }
0xc1: {  	[dreg:$0x5] =	wrdreg $0xB  }
0xc2: {  	_ =	task.clear_ibuf [dreg:s22], $0x6FFFF;
	_ =	strace $0x9000004C  }
0xc3: {  	s29 =	simm.s32 $0xB;
	_ =	strace $0x8000004E  }
0xc4: {  	_ =	swait.ge [sflag:s29], $0x1  }
0xc5: {  	[sflag:s29] =	ssyncadd.s32 $0xFFFFFFFF  }
0xc6: {  	_ =	strace $0x9000004E  }
0xc7: {  	_ =	sfence  }
0xc8: {  	s30 =	sld [smem:$0x0];
	_ =	sdelay $0x2  }
0xc9: {  	s31 =	sshll.u32 s1, $0xD;
	s1 =	sshrl.u32 s1, $0x2  }
0xca: {  	s4 =	sand.u32 $0x4000, s31;
	s1 =	sadd.s32 s1, s30  }
0xcb: {  	s0 =	sor.u32 s4, s0;
	s1 =	sshll.u32 s1, $0x11  }
0xcc: {  	s0 =	sor.u32 s1, s0  }
0xcd: {  	s0 =	sadd.s32 $0x8F2B, s0  }
0xce: {  	[sflag:s0] =	ssyncadd.remote.s32 $0x1  }
0xcf: {  	_ =	sfence.sel $0xFFFF  }
0xd0: {  	[dreg:$0x0] =	wrdreg $0xFFFFFFFF;
	(pc) =	sbr.abs _section_cstart, $3  }
0xd1: {  	[dreg:$0x1] =	wrdreg $0xFFFFFFFF  }
0xd2: {  	_ =	task.clear_ibuf [dreg:s22], $0x2FFFF;
	_ =	strace $0x9FFFFFFF  }
0xd3: {  	(tm) =	ssettm $0x7FFFFFFF  }
tec
execute0_lowered:
.L_overlay_start_1:
0x0: {  	(tag) =	ssettag $0x1  }
0x1: {  	s1 =	rddreg [dreg:$0x0]  }
0x2: {  	s0 =	rddreg [dreg:$0x1];
	s2 =	srdreg.scid  }
0x3: {  	s4 =	stileid.u32;
	s3 =	rddreg [dreg:$0x2];
	s26 =	simm.s32 $0x10200  }
0x4: {  	s12 =	simm.s32 $0x1;
	s17 =	simm.s32 $0x1200;
	s18 =	simm.s32 $0x1A00  }
0x5: {  	s19 =	simm.s32 $0x2200;
	s28 =	simm.s32 $0x5A00;
	s29 =	simm.s32 $0x6200  }
0x6: {  	s30 =	simm.s32 $0x6A00;
	s31 =	simm.s32 $0x7200;
	s13 =	simm.s32 $0x8200  }
0x7: {  	s8 =	simm.s32 $0x9A00;
	s9 =	simm.s32 $0xA200;
	s10 =	simm.s32 $0xAA00  }
0x8: {  	s11 =	simm.s32 $0xB200;
	s14 =	simm.s32 $0xBA00;
	s2 =	sand.u32 $0x1, s2  }
0x9: {  	s4 =	sshll.u32 s4, $0x1;
	[dreg:$0x4] =	wrdreg s3;
	s3 =	simm.s32 $0x0  }
0xa: {  	s4 =	sor.u32 s2, s4;
	[smem:$0x7FF] =	sst s3;
	s2 =	ssub.s32 $0x2, s2  }
0xb: {  	s5 =	sshll.u32 s4, $0x6;
	s6 =	sshll.u32 s4, $0xE;
	_ =	strace $0x8000004D  }
0xc: {  	s7 =	sadd.s32 s4, s0;
	s4 =	sshll.u32 s4, $0x8;
	s25 =	sshrl.u32 s2, $0x1  }
0xd: {  	[dreg:$0xc] =	wrdreg s26;
	s26 =	simm.s32 $0x5200;
	s5 =	sadd.s32 s5, s0  }
0xe: {  	s6 =	sadd.s32 s6, s0;
	s0 =	sadd.s32 s4, s0;
	s24 =	sadd.s32 $0x4600, s7  }
0xf: {  	s2 =	ssub.s32 s2, s25;
	s5 =	sadd.s32 $0x109200, s5;
	[dreg:$0xa] =	wrdreg s24  }
0x10: {  	s25 =	simm.s32 $0x4A00;
	s20 =	sadd.s32 $0x10BA00, s6;
	[dreg:$0x5] =	wrdreg s5  }
0x11: {  	s7 =	simm.s32 $0x9200;
	s21 =	sadd.s32 $0x10CA00, s6;
	[dreg:$0x6] =	wrdreg s20  }
0x12: {  	s22 =	sadd.s32 $0x10DA00, s6;
	s23 =	sadd.s32 $0x10EA00, s6;
	[dreg:$0x7] =	wrdreg s21  }
0x13: {  	s0 =	sadd.s32 $0x109A00, s0;
	s4 =	smax.u32 s2, $0x1;
	[dreg:$0x8] =	wrdreg s22  }
0x14: {  	v2 =	vlaneseq.u32;
	s24 =	simm.s32 $0x4200;
	s6 =	simm.s32 $0xC200;
	[dreg:$0x9] =	wrdreg s23  }
0x15: {  	vm0 =	vmmov $0xffff;
	v1 =	vshrl.u32 v2, $0x3;
	[dreg:$0xb] =	wrdreg s0;
	s5 =	simm.s32 $0x3;
	s20 =	simm.s32 $0x2A00  }
0x16: {  	v0 =	vand.u32 $0x7, v2;
	v2 =	vor.u32 $0x8, v2;
	v1 =	vmul.u32 $0x8, v1;
	s21 =	simm.s32 $0x3200;
	s23 =	simm.s32 $0x3A00;
	s22 =	simm.s32 $0xCA00  }
.LBB2_1:
0x17: {  	s15 =	rddreg [dreg:$0x5]  }
0x18: {  	[tilespmem:s3], [sflag:$0x3] =	stream.linear.gather [hbm4b:s15+s3], $0x200, $0x38;
	[tilespmem:$0x10A80] =	vst v63  }
0x19: {  	_ =	swait.ge [sflag:s5], $0x200  }
0x1a: {  	[sflag:s5] =	ssyncset.done $0x0  }
0x1b: {  	[sflag:s5] =	ssyncadd.s32 $0xFFFFFE00  }
0x1c: {  	v3 =	vld [tilespmem:$0x0];
	_ =	sdelay $0x4  }
0x1d: {  	v4 =	vshll.u32 v3, $0x1  }
0x1e: {  	v3 =	vand.u32 $0x7, v3;
	v4 =	vand.u32 $0xFFFFFFF0, v4  }
0x1f: {  	v3 =	vor.u32 v3, v4  }
0x20: {  	v4 =	vperm.xlane v3, v0;
	_ =	sdelay $0x1  }
0x21: {  	v3 =	vperm.xlane v3, v2;
	v4 =	vadd.s32 v1, v4;
	_ =	sdelay $0x1  }
0x22: {  	v3 =	vadd.s32 v1, v3;
	_ =	sdelay $0x1  }
0x23: {  	s0 =	simm.s32 $0x200  }
0x24: {  	[tilespmem:s0], [sflag:$0x1] =	stream.indirect_vreg.gather [hbm4b:s1+s3], $0x80, v4, vm0, $0xb8;
	[tilespmem:$0x10A80] =	vst v63  }
0x25: {  	s16 =	simm.s32 $0xA00  }
0x26: {  	[tilespmem:s16], [sflag:$0x1] =	stream.indirect_vreg.gather [hbm4b:s1+s3], $0x80, v3, vm0, $0xb8;
	[tilespmem:$0x10A80] =	vst v63  }
0x27: {  	v3 =	vld [tilespmem:$0x10];
	_ =	sdelay $0x4  }
0x28: {  	v32 =	vshll.u32 v3, $0x1  }
0x29: {  	v3 =	vand.u32 $0x7, v3;
	v4 =	vand.u32 $0xFFFFFFF0, v32  }
0x2a: {  	v3 =	vor.u32 v3, v4  }
0x2b: {  	v4 =	vperm.xlane v3, v0;
	_ =	sdelay $0x1  }
0x2c: {  	v3 =	vperm.xlane v3, v2;
	v4 =	vadd.s32 v1, v4;
	_ =	sdelay $0x1  }
0x2d: {  	v3 =	vadd.s32 v1, v3;
	_ =	sdelay $0x2  }
0x2e: {  	[tilespmem:s17], [sflag:$0x1] =	stream.indirect_vreg.gather [hbm4b:s1+s3], $0x80, v4, vm0, $0xb8;
	[tilespmem:$0x10A80] =	vst v63  }
0x2f: {  	_ = 	snop  }
0x30: {  	[tilespmem:s18], [sflag:$0x1] =	stream.indirect_vreg.gather [hbm4b:s1+s3], $0x80, v3, vm0, $0xb8;
	[tilespmem:$0x10A80] =	vst v63  }
0x31: {  	v3 =	vld [tilespmem:$0x20];
	_ =	sdelay $0x4  }
0x32: {  	v33 =	vshll.u32 v3, $0x1  }
0x33: {  	v3 =	vand.u32 $0x7, v3;
	v4 =	vand.u32 $0xFFFFFFF0, v33  }
0x34: {  	v3 =	vor.u32 v3, v4  }
0x35: {  	v4 =	vperm.xlane v3, v0;
	_ =	sdelay $0x1  }
0x36: {  	v3 =	vperm.xlane v3, v2;
	v4 =	vadd.s32 v1, v4;
	_ =	sdelay $0x1  }
0x37: {  	v3 =	vadd.s32 v1, v3;
	_ =	sdelay $0x2  }
0x38: {  	[tilespmem:s19], [sflag:$0x1] =	stream.indirect_vreg.gather [hbm4b:s1+s3], $0x80, v4, vm0, $0xb8;
	[tilespmem:$0x10A80] =	vst v63  }
0x39: {  	_ = 	snop  }
0x3a: {  	[tilespmem:s20], [sflag:$0x1] =	stream.indirect_vreg.gather [hbm4b:s1+s3], $0x80, v3, vm0, $0xb8;
	[tilespmem:$0x10A80] =	vst v63  }
0x3b: {  	v3 =	vld [tilespmem:$0x30];
	_ =	sdelay $0x4  }
0x3c: {  	v34 =	vshll.u32 v3, $0x1  }
0x3d: {  	v3 =	vand.u32 $0x7, v3;
	v4 =	vand.u32 $0xFFFFFFF0, v34  }
0x3e: {  	v3 =	vor.u32 v3, v4  }
0x3f: {  	v4 =	vperm.xlane v3, v0;
	_ =	sdelay $0x1  }
0x40: {  	v3 =	vperm.xlane v3, v2;
	v4 =	vadd.s32 v1, v4;
	_ =	sdelay $0x1  }
0x41: {  	v3 =	vadd.s32 v1, v3;
	_ =	sdelay $0x2  }
0x42: {  	[tilespmem:s21], [sflag:$0x1] =	stream.indirect_vreg.gather [hbm4b:s1+s3], $0x80, v4, vm0, $0xb8;
	[tilespmem:$0x10A80] =	vst v63  }
0x43: {  	_ = 	snop  }
0x44: {  	[tilespmem:s23], [sflag:$0x1] =	stream.indirect_vreg.gather [hbm4b:s1+s3], $0x80, v3, vm0, $0xb8;
	[tilespmem:$0x10A80] =	vst v63  }
0x45: {  	v3 =	vld [tilespmem:$0x40];
	_ =	sdelay $0x4  }
0x46: {  	v35 =	vshll.u32 v3, $0x1  }
0x47: {  	v3 =	vand.u32 $0x7, v3;
	v4 =	vand.u32 $0xFFFFFFF0, v35  }
0x48: {  	v3 =	vor.u32 v3, v4  }
0x49: {  	v4 =	vperm.xlane v3, v0;
	_ =	sdelay $0x1  }
0x4a: {  	v3 =	vperm.xlane v3, v2;
	v4 =	vadd.s32 v1, v4;
	_ =	sdelay $0x1  }
0x4b: {  	v3 =	vadd.s32 v1, v3;
	_ =	sdelay $0x2  }
0x4c: {  	[tilespmem:s24], [sflag:$0x1] =	stream.indirect_vreg.gather [hbm4b:s1+s3], $0x80, v4, vm0, $0xb8;
	[tilespmem:$0x10A80] =	vst v63  }
0x4d: {  	_ = 	snop  }
0x4e: {  	[tilespmem:s25], [sflag:$0x1] =	stream.indirect_vreg.gather [hbm4b:s1+s3], $0x80, v3, vm0, $0xb8;
	[tilespmem:$0x10A80] =	vst v63  }
0x4f: {  	v3 =	vld [tilespmem:$0x50];
	_ =	sdelay $0x4  }
0x50: {  	v36 =	vshll.u32 v3, $0x1  }
0x51: {  	v3 =	vand.u32 $0x7, v3;
	v4 =	vand.u32 $0xFFFFFFF0, v36  }
0x52: {  	v3 =	vor.u32 v3, v4  }
0x53: {  	v4 =	vperm.xlane v3, v0;
	_ =	sdelay $0x1  }
0x54: {  	v3 =	vperm.xlane v3, v2;
	v4 =	vadd.s32 v1, v4;
	_ =	sdelay $0x1  }
0x55: {  	v3 =	vadd.s32 v1, v3;
	_ =	sdelay $0x2  }
0x56: {  	[tilespmem:s26], [sflag:$0x1] =	stream.indirect_vreg.gather [hbm4b:s1+s3], $0x80, v4, vm0, $0xb8;
	[tilespmem:$0x10A80] =	vst v63  }
0x57: {  	_ = 	snop  }
0x58: {  	[tilespmem:s28], [sflag:$0x1] =	stream.indirect_vreg.gather [hbm4b:s1+s3], $0x80, v3, vm0, $0xb8;
	[tilespmem:$0x10A80] =	vst v63  }
0x59: {  	v3 =	vld [tilespmem:$0x60];
	_ =	sdelay $0x4  }
0x5a: {  	v37 =	vshll.u32 v3, $0x1  }
0x5b: {  	v3 =	vand.u32 $0x7, v3;
	v4 =	vand.u32 $0xFFFFFFF0, v37  }
0x5c: {  	v3 =	vor.u32 v3, v4  }
0x5d: {  	v4 =	vperm.xlane v3, v0;
	_ =	sdelay $0x1  }
0x5e: {  	v3 =	vperm.xlane v3, v2;
	v4 =	vadd.s32 v1, v4;
	_ =	sdelay $0x1  }
0x5f: {  	v3 =	vadd.s32 v1, v3;
	_ =	sdelay $0x2  }
0x60: {  	[tilespmem:s29], [sflag:$0x1] =	stream.indirect_vreg.gather [hbm4b:s1+s3], $0x80, v4, vm0, $0xb8;
	[tilespmem:$0x10A80] =	vst v63  }
0x61: {  	_ = 	snop  }
0x62: {  	[tilespmem:s30], [sflag:$0x1] =	stream.indirect_vreg.gather [hbm4b:s1+s3], $0x80, v3, vm0, $0xb8;
	[tilespmem:$0x10A80] =	vst v63  }
0x63: {  	v3 =	vld [tilespmem:$0x70];
	_ =	sdelay $0x4  }
0x64: {  	v38 =	vshll.u32 v3, $0x1  }
0x65: {  	v3 =	vand.u32 $0x7, v3;
	v4 =	vand.u32 $0xFFFFFFF0, v38  }
0x66: {  	v3 =	vor.u32 v3, v4  }
0x67: {  	v4 =	vperm.xlane v3, v0;
	_ =	sdelay $0x1  }
0x68: {  	v3 =	vperm.xlane v3, v2;
	v4 =	vadd.s32 v1, v4;
	_ =	sdelay $0x1  }
0x69: {  	v3 =	vadd.s32 v1, v3;
	_ =	sdelay $0x2  }
0x6a: {  	[tilespmem:s31], [sflag:$0x1] =	stream.indirect_vreg.gather [hbm4b:s1+s3], $0x80, v4, vm0, $0xb8;
	[tilespmem:$0x10A80] =	vst v63  }
0x6b: {  	s2 =	simm.s32 $0x7A00  }
0x6c: {  	[tilespmem:s2], [sflag:$0x1] =	stream.indirect_vreg.gather [hbm4b:s1+s3], $0x80, v3, vm0, $0xb8;
	[tilespmem:$0x10A80] =	vst v63  }
0x6d: {  	v3 =	vld [tilespmem:$0x80];
	_ =	sdelay $0x4  }
0x6e: {  	v39 =	vshll.u32 v3, $0x1  }
0x6f: {  	v3 =	vand.u32 $0x7, v3;
	v4 =	vand.u32 $0xFFFFFFF0, v39  }
0x70: {  	v3 =	vor.u32 v3, v4  }
0x71: {  	v4 =	vperm.xlane v3, v0;
	_ =	sdelay $0x1  }
0x72: {  	v3 =	vperm.xlane v3, v2;
	v4 =	vadd.s32 v1, v4;
	_ =	sdelay $0x1  }
0x73: {  	v3 =	vadd.s32 v1, v3;
	_ =	sdelay $0x2  }
0x74: {  	[tilespmem:s13], [sflag:$0x2] =	stream.indirect_vreg.gather [hbm4b:s1+s3], $0x80, v4, vm0, $0xb8;
	[tilespmem:$0x10A80] =	vst v63  }
0x75: {  	s15 =	simm.s32 $0x8A00  }
0x76: {  	[tilespmem:s15], [sflag:$0x2] =	stream.indirect_vreg.gather [hbm4b:s1+s3], $0x80, v3, vm0, $0xb8;
	[tilespmem:$0x10A80] =	vst v63  }
0x77: {  	v3 =	vld [tilespmem:$0x90];
	_ =	sdelay $0x4  }
0x78: {  	v40 =	vshll.u32 v3, $0x1  }
0x79: {  	v3 =	vand.u32 $0x7, v3;
	v4 =	vand.u32 $0xFFFFFFF0, v40  }
0x7a: {  	v3 =	vor.u32 v3, v4  }
0x7b: {  	v4 =	vperm.xlane v3, v0;
	_ =	sdelay $0x1  }
0x7c: {  	v3 =	vperm.xlane v3, v2;
	v4 =	vadd.s32 v1, v4;
	_ =	sdelay $0x1  }
0x7d: {  	v3 =	vadd.s32 v1, v3;
	_ =	sdelay $0x2  }
0x7e: {  	[tilespmem:s7], [sflag:$0x2] =	stream.indirect_vreg.gather [hbm4b:s1+s3], $0x80, v4, vm0, $0xb8;
	[tilespmem:$0x10A80] =	vst v63  }
0x7f: {  	_ = 	snop  }
0x80: {  	[tilespmem:s8], [sflag:$0x2] =	stream.indirect_vreg.gather [hbm4b:s1+s3], $0x80, v3, vm0, $0xb8;
	[tilespmem:$0x10A80] =	vst v63  }
0x81: {  	v3 =	vld [tilespmem:$0xA0];
	_ =	sdelay $0x4  }
0x82: {  	v41 =	vshll.u32 v3, $0x1  }
0x83: {  	v3 =	vand.u32 $0x7, v3;
	v4 =	vand.u32 $0xFFFFFFF0, v41  }
0x84: {  	v3 =	vor.u32 v3, v4  }
0x85: {  	v4 =	vperm.xlane v3, v0;
	_ =	sdelay $0x1  }
0x86: {  	v3 =	vperm.xlane v3, v2;
	v4 =	vadd.s32 v1, v4;
	_ =	sdelay $0x1  }
0x87: {  	v3 =	vadd.s32 v1, v3;
	_ =	sdelay $0x2  }
0x88: {  	[tilespmem:s9], [sflag:$0x2] =	stream.indirect_vreg.gather [hbm4b:s1+s3], $0x80, v4, vm0, $0xb8;
	[tilespmem:$0x10A80] =	vst v63  }
0x89: {  	_ = 	snop  }
0x8a: {  	[tilespmem:s10], [sflag:$0x2] =	stream.indirect_vreg.gather [hbm4b:s1+s3], $0x80, v3, vm0, $0xb8;
	[tilespmem:$0x10A80] =	vst v63  }
0x8b: {  	v3 =	vld [tilespmem:$0xB0];
	_ =	sdelay $0x4  }
0x8c: {  	v42 =	vshll.u32 v3, $0x1  }
0x8d: {  	v3 =	vand.u32 $0x7, v3;
	v4 =	vand.u32 $0xFFFFFFF0, v42  }
0x8e: {  	v3 =	vor.u32 v3, v4  }
0x8f: {  	v4 =	vperm.xlane v3, v0;
	_ =	sdelay $0x1  }
0x90: {  	v3 =	vperm.xlane v3, v2;
	v4 =	vadd.s32 v1, v4;
	_ =	sdelay $0x1  }
0x91: {  	v3 =	vadd.s32 v1, v3;
	_ =	sdelay $0x2  }
0x92: {  	[tilespmem:s11], [sflag:$0x2] =	stream.indirect_vreg.gather [hbm4b:s1+s3], $0x80, v4, vm0, $0xb8;
	[tilespmem:$0x10A80] =	vst v63  }
0x93: {  	_ = 	snop  }
0x94: {  	[tilespmem:s14], [sflag:$0x2] =	stream.indirect_vreg.gather [hbm4b:s1+s3], $0x80, v3, vm0, $0xb8;
	[tilespmem:$0x10A80] =	vst v63  }
0x95: {  	v3 =	vld [tilespmem:$0xC0];
	_ =	sdelay $0x4  }
0x96: {  	v43 =	vshll.u32 v3, $0x1  }
0x97: {  	v3 =	vand.u32 $0x7, v3;
	v4 =	vand.u32 $0xFFFFFFF0, v43  }
0x98: {  	v3 =	vor.u32 v3, v4  }
0x99: {  	v4 =	vperm.xlane v3, v0;
	_ =	sdelay $0x1  }
0x9a: {  	v3 =	vperm.xlane v3, v2;
	v4 =	vadd.s32 v1, v4;
	_ =	sdelay $0x1  }
0x9b: {  	v3 =	vadd.s32 v1, v3;
	_ =	sdelay $0x2  }
0x9c: {  	[tilespmem:s6], [sflag:$0x2] =	stream.indirect_vreg.gather [hbm4b:s1+s3], $0x80, v4, vm0, $0xb8;
	[tilespmem:$0x10A80] =	vst v63  }
0x9d: {  	_ = 	snop  }
0x9e: {  	[tilespmem:s22], [sflag:$0x2] =	stream.indirect_vreg.gather [hbm4b:s1+s3], $0x80, v3, vm0, $0xb8;
	[tilespmem:$0x10A80] =	vst v63  }
0x9f: {  	v3 =	vld [tilespmem:$0xD0];
	_ =	sdelay $0x4  }
0xa0: {  	v44 =	vshll.u32 v3, $0x1  }
0xa1: {  	v3 =	vand.u32 $0x7, v3;
	v4 =	vand.u32 $0xFFFFFFF0, v44  }
0xa2: {  	v3 =	vor.u32 v3, v4  }
0xa3: {  	v4 =	vperm.xlane v3, v0;
	_ =	sdelay $0x1  }
0xa4: {  	v3 =	vperm.xlane v3, v2;
	v4 =	vadd.s32 v1, v4;
	_ =	sdelay $0x1  }
0xa5: {  	v3 =	vadd.s32 v1, v3;
	_ =	sdelay $0x1  }
0xa6: {  	s15 =	simm.s32 $0xD200  }
0xa7: {  	[tilespmem:s15], [sflag:$0x2] =	stream.indirect_vreg.gather [hbm4b:s1+s3], $0x80, v4, vm0, $0xb8;
	[tilespmem:$0x10A80] =	vst v63  }
0xa8: {  	s15 =	simm.s32 $0xDA00  }
0xa9: {  	[tilespmem:s15], [sflag:$0x2] =	stream.indirect_vreg.gather [hbm4b:s1+s3], $0x80, v3, vm0, $0xb8;
	[tilespmem:$0x10A80] =	vst v63  }
0xaa: {  	v3 =	vld [tilespmem:$0xE0];
	_ =	sdelay $0x4  }
0xab: {  	v45 =	vshll.u32 v3, $0x1  }
0xac: {  	v3 =	vand.u32 $0x7, v3;
	v4 =	vand.u32 $0xFFFFFFF0, v45  }
0xad: {  	v3 =	vor.u32 v3, v4  }
0xae: {  	v4 =	vperm.xlane v3, v0;
	_ =	sdelay $0x1  }
0xaf: {  	v3 =	vperm.xlane v3, v2;
	v4 =	vadd.s32 v1, v4;
	_ =	sdelay $0x1  }
0xb0: {  	v3 =	vadd.s32 v1, v3;
	_ =	sdelay $0x1  }
0xb1: {  	s15 =	simm.s32 $0xE200  }
0xb2: {  	[tilespmem:s15], [sflag:$0x2] =	stream.indirect_vreg.gather [hbm4b:s1+s3], $0x80, v4, vm0, $0xb8;
	[tilespmem:$0x10A80] =	vst v63  }
0xb3: {  	s15 =	simm.s32 $0xEA00  }
0xb4: {  	[tilespmem:s15], [sflag:$0x2] =	stream.indirect_vreg.gather [hbm4b:s1+s3], $0x80, v3, vm0, $0xb8;
	[tilespmem:$0x10A80] =	vst v63  }
0xb5: {  	v3 =	vld [tilespmem:$0xF0];
	_ =	sdelay $0x4  }
0xb6: {  	v46 =	vshll.u32 v3, $0x1  }
0xb7: {  	v3 =	vand.u32 $0x7, v3;
	v4 =	vand.u32 $0xFFFFFFF0, v46  }
0xb8: {  	v3 =	vor.u32 v3, v4  }
0xb9: {  	v4 =	vperm.xlane v3, v0;
	_ =	sdelay $0x1  }
0xba: {  	v3 =	vperm.xlane v3, v2;
	v4 =	vadd.s32 v1, v4;
	_ =	sdelay $0x1  }
0xbb: {  	v3 =	vadd.s32 v1, v3;
	_ =	sdelay $0x1  }
0xbc: {  	s15 =	simm.s32 $0xF200  }
0xbd: {  	[tilespmem:s15], [sflag:$0x2] =	stream.indirect_vreg.gather [hbm4b:s1+s3], $0x80, v4, vm0, $0xb8;
	[tilespmem:$0x10A80] =	vst v63  }
0xbe: {  	s15 =	simm.s32 $0xFA00  }
0xbf: {  	[tilespmem:s15], [sflag:$0x2] =	stream.indirect_vreg.gather [hbm4b:s1+s3], $0x80, v3, vm0, $0xb8;
	[tilespmem:$0x10A80] =	vst v63  }
0xc0: {  	_ =	swait.ge [sflag:s12], $0x8000  }
0xc1: {  	[sflag:s12] =	ssyncset.done $0x0  }
0xc2: {  	s0 =	simm.s32 $0x200;
	s15 =	rddreg [dreg:$0x6];
	[sflag:s12] =	ssyncadd.s32 $0xFFFF8000  }
0xc3: {  	[hbm4b:s15+s3] =	stream.linear.scatter [tilespmem:s0], [sflag:$0x3], $0x8000, $0x38;
	[tilespmem:$0x10A80] =	vst v63  }
0xc4: {  	_ =	swait.ge [sflag:s5], $0x8000  }
0xc5: {  	[sflag:s5] =	ssyncset.done $0x0  }
0xc6: {  	[sflag:s5] =	ssyncadd.s32 $0xFFFF8000  }
0xc7: {  	v3 =	vld [tilespmem:$0x100];
	_ =	sdelay $0x4  }
0xc8: {  	v47 =	vshll.u32 v3, $0x1  }
0xc9: {  	v3 =	vand.u32 $0x7, v3;
	v4 =	vand.u32 $0xFFFFFFF0, v47  }
0xca: {  	v3 =	vor.u32 v3, v4  }
0xcb: {  	v4 =	vperm.xlane v3, v0;
	_ =	sdelay $0x1  }
0xcc: {  	v3 =	vperm.xlane v3, v2;
	v4 =	vadd.s32 v1, v4;
	_ =	sdelay $0x1  }
0xcd: {  	v3 =	vadd.s32 v1, v3;
	_ =	sdelay $0x2  }
0xce: {  	[tilespmem:s0], [sflag:$0x1] =	stream.indirect_vreg.gather [hbm4b:s1+s3], $0x80, v4, vm0, $0xb8;
	[tilespmem:$0x10A80] =	vst v63  }
0xcf: {  	_ = 	snop  }
0xd0: {  	[tilespmem:s16], [sflag:$0x1] =	stream.indirect_vreg.gather [hbm4b:s1+s3], $0x80, v3, vm0, $0xb8;
	[tilespmem:$0x10A80] =	vst v63  }
0xd1: {  	v3 =	vld [tilespmem:$0x110];
	_ =	sdelay $0x4  }
0xd2: {  	v48 =	vshll.u32 v3, $0x1  }
0xd3: {  	v3 =	vand.u32 $0x7, v3;
	v4 =	vand.u32 $0xFFFFFFF0, v48  }
0xd4: {  	v3 =	vor.u32 v3, v4  }
0xd5: {  	v4 =	vperm.xlane v3, v0;
	_ =	sdelay $0x1  }
0xd6: {  	v3 =	vperm.xlane v3, v2;
	v4 =	vadd.s32 v1, v4;
	_ =	sdelay $0x1  }
0xd7: {  	v3 =	vadd.s32 v1, v3;
	_ =	sdelay $0x2  }
0xd8: {  	[tilespmem:s17], [sflag:$0x1] =	stream.indirect_vreg.gather [hbm4b:s1+s3], $0x80, v4, vm0, $0xb8;
	[tilespmem:$0x10A80] =	vst v63  }
0xd9: {  	_ = 	snop  }
0xda: {  	[tilespmem:s18], [sflag:$0x1] =	stream.indirect_vreg.gather [hbm4b:s1+s3], $0x80, v3, vm0, $0xb8;
	[tilespmem:$0x10A80] =	vst v63  }
0xdb: {  	v3 =	vld [tilespmem:$0x120];
	_ =	sdelay $0x4  }
0xdc: {  	v49 =	vshll.u32 v3, $0x1  }
0xdd: {  	v3 =	vand.u32 $0x7, v3;
	v4 =	vand.u32 $0xFFFFFFF0, v49  }
0xde: {  	v3 =	vor.u32 v3, v4  }
0xdf: {  	v4 =	vperm.xlane v3, v0;
	_ =	sdelay $0x1  }
0xe0: {  	v3 =	vperm.xlane v3, v2;
	v4 =	vadd.s32 v1, v4;
	_ =	sdelay $0x1  }
0xe1: {  	v3 =	vadd.s32 v1, v3;
	_ =	sdelay $0x2  }
0xe2: {  	[tilespmem:s19], [sflag:$0x1] =	stream.indirect_vreg.gather [hbm4b:s1+s3], $0x80, v4, vm0, $0xb8;
	[tilespmem:$0x10A80] =	vst v63  }
0xe3: {  	_ = 	snop  }
0xe4: {  	[tilespmem:s20], [sflag:$0x1] =	stream.indirect_vreg.gather [hbm4b:s1+s3], $0x80, v3, vm0, $0xb8;
	[tilespmem:$0x10A80] =	vst v63  }
0xe5: {  	v3 =	vld [tilespmem:$0x130];
	_ =	sdelay $0x4  }
0xe6: {  	v50 =	vshll.u32 v3, $0x1  }
0xe7: {  	v3 =	vand.u32 $0x7, v3;
	v4 =	vand.u32 $0xFFFFFFF0, v50  }
0xe8: {  	v3 =	vor.u32 v3, v4  }
0xe9: {  	v4 =	vperm.xlane v3, v0;
	_ =	sdelay $0x1  }
0xea: {  	v3 =	vperm.xlane v3, v2;
	v4 =	vadd.s32 v1, v4;
	_ =	sdelay $0x1  }
0xeb: {  	v3 =	vadd.s32 v1, v3;
	_ =	sdelay $0x2  }
0xec: {  	[tilespmem:s21], [sflag:$0x1] =	stream.indirect_vreg.gather [hbm4b:s1+s3], $0x80, v4, vm0, $0xb8;
	[tilespmem:$0x10A80] =	vst v63  }
0xed: {  	_ = 	snop  }
0xee: {  	[tilespmem:s23], [sflag:$0x1] =	stream.indirect_vreg.gather [hbm4b:s1+s3], $0x80, v3, vm0, $0xb8;
	[tilespmem:$0x10A80] =	vst v63  }
0xef: {  	v3 =	vld [tilespmem:$0x140];
	_ =	sdelay $0x4  }
0xf0: {  	v51 =	vshll.u32 v3, $0x1  }
0xf1: {  	v3 =	vand.u32 $0x7, v3;
	v4 =	vand.u32 $0xFFFFFFF0, v51  }
0xf2: {  	v3 =	vor.u32 v3, v4  }
0xf3: {  	v4 =	vperm.xlane v3, v0;
	_ =	sdelay $0x1  }
0xf4: {  	v3 =	vperm.xlane v3, v2;
	v4 =	vadd.s32 v1, v4;
	_ =	sdelay $0x1  }
0xf5: {  	v3 =	vadd.s32 v1, v3;
	_ =	sdelay $0x2  }
0xf6: {  	[tilespmem:s24], [sflag:$0x1] =	stream.indirect_vreg.gather [hbm4b:s1+s3], $0x80, v4, vm0, $0xb8;
	[tilespmem:$0x10A80] =	vst v63  }
0xf7: {  	_ = 	snop  }
0xf8: {  	[tilespmem:s25], [sflag:$0x1] =	stream.indirect_vreg.gather [hbm4b:s1+s3], $0x80, v3, vm0, $0xb8;
	[tilespmem:$0x10A80] =	vst v63  }
0xf9: {  	v3 =	vld [tilespmem:$0x150];
	_ =	sdelay $0x4  }
0xfa: {  	v52 =	vshll.u32 v3, $0x1  }
0xfb: {  	v3 =	vand.u32 $0x7, v3;
	v4 =	vand.u32 $0xFFFFFFF0, v52  }
0xfc: {  	v3 =	vor.u32 v3, v4  }
0xfd: {  	v4 =	vperm.xlane v3, v0;
	_ =	sdelay $0x1  }
0xfe: {  	v3 =	vperm.xlane v3, v2;
	v4 =	vadd.s32 v1, v4;
	_ =	sdelay $0x1  }
0xff: {  	v3 =	vadd.s32 v1, v3;
	_ =	sdelay $0x2  }
0x100: {  	[tilespmem:s26], [sflag:$0x1] =	stream.indirect_vreg.gather [hbm4b:s1+s3], $0x80, v4, vm0, $0xb8;
	[tilespmem:$0x10A80] =	vst v63  }
0x101: {  	_ = 	snop  }
0x102: {  	[tilespmem:s28], [sflag:$0x1] =	stream.indirect_vreg.gather [hbm4b:s1+s3], $0x80, v3, vm0, $0xb8;
	[tilespmem:$0x10A80] =	vst v63  }
0x103: {  	v3 =	vld [tilespmem:$0x160];
	_ =	sdelay $0x4  }
0x104: {  	v53 =	vshll.u32 v3, $0x1  }
0x105: {  	v3 =	vand.u32 $0x7, v3;
	v4 =	vand.u32 $0xFFFFFFF0, v53  }
0x106: {  	v3 =	vor.u32 v3, v4  }
0x107: {  	v4 =	vperm.xlane v3, v0;
	_ =	sdelay $0x1  }
0x108: {  	v3 =	vperm.xlane v3, v2;
	v4 =	vadd.s32 v1, v4;
	_ =	sdelay $0x1  }
0x109: {  	v3 =	vadd.s32 v1, v3;
	_ =	sdelay $0x2  }
0x10a: {  	[tilespmem:s29], [sflag:$0x1] =	stream.indirect_vreg.gather [hbm4b:s1+s3], $0x80, v4, vm0, $0xb8;
	[tilespmem:$0x10A80] =	vst v63  }
0x10b: {  	_ = 	snop  }
0x10c: {  	[tilespmem:s30], [sflag:$0x1] =	stream.indirect_vreg.gather [hbm4b:s1+s3], $0x80, v3, vm0, $0xb8;
	[tilespmem:$0x10A80] =	vst v63  }
0x10d: {  	v3 =	vld [tilespmem:$0x170];
	_ =	sdelay $0x4  }
0x10e: {  	v54 =	vshll.u32 v3, $0x1  }
0x10f: {  	v3 =	vand.u32 $0x7, v3;
	v4 =	vand.u32 $0xFFFFFFF0, v54  }
0x110: {  	v3 =	vor.u32 v3, v4  }
0x111: {  	v4 =	vperm.xlane v3, v0;
	_ =	sdelay $0x1  }
0x112: {  	v3 =	vperm.xlane v3, v2;
	v4 =	vadd.s32 v1, v4;
	_ =	sdelay $0x1  }
0x113: {  	v3 =	vadd.s32 v1, v3;
	_ =	sdelay $0x2  }
0x114: {  	[tilespmem:s31], [sflag:$0x1] =	stream.indirect_vreg.gather [hbm4b:s1+s3], $0x80, v4, vm0, $0xb8;
	[tilespmem:$0x10A80] =	vst v63  }
0x115: {  	_ = 	snop  }
0x116: {  	[tilespmem:s2], [sflag:$0x1] =	stream.indirect_vreg.gather [hbm4b:s1+s3], $0x80, v3, vm0, $0xb8;
	[tilespmem:$0x10A80] =	vst v63  }
0x117: {  	s2 =	simm.s32 $0x2  }
0x118: {  	_ =	swait.ge [sflag:s2], $0x8000  }
0x119: {  	[sflag:s2] =	ssyncset.done $0x0  }
0x11a: {  	s0 =	rddreg [dreg:$0x7];
	[sflag:s2] =	ssyncadd.s32 $0xFFFF8000  }
0x11b: {  	[hbm4b:s0+s3] =	stream.linear.scatter [tilespmem:s13], [sflag:$0x3], $0x8000, $0x38;
	[tilespmem:$0x10A80] =	vst v63  }
0x11c: {  	_ =	swait.ge [sflag:s5], $0x8000  }
0x11d: {  	[sflag:s5] =	ssyncset.done $0x0  }
0x11e: {  	[sflag:s5] =	ssyncadd.s32 $0xFFFF8000  }
0x11f: {  	v3 =	vld [tilespmem:$0x180];
	_ =	sdelay $0x4  }
0x120: {  	v55 =	vshll.u32 v3, $0x1  }
0x121: {  	v3 =	vand.u32 $0x7, v3;
	v4 =	vand.u32 $0xFFFFFFF0, v55  }
0x122: {  	v3 =	vor.u32 v3, v4  }
0x123: {  	v4 =	vperm.xlane v3, v0;
	_ =	sdelay $0x1  }
0x124: {  	v3 =	vperm.xlane v3, v2;
	v4 =	vadd.s32 v1, v4;
	_ =	sdelay $0x1  }
0x125: {  	v3 =	vadd.s32 v1, v3;
	_ =	sdelay $0x2  }
0x126: {  	[tilespmem:s13], [sflag:$0x2] =	stream.indirect_vreg.gather [hbm4b:s1+s3], $0x80, v4, vm0, $0xb8;
	[tilespmem:$0x10A80] =	vst v63  }
0x127: {  	s16 =	simm.s32 $0x8A00  }
0x128: {  	[tilespmem:s16], [sflag:$0x2] =	stream.indirect_vreg.gather [hbm4b:s1+s3], $0x80, v3, vm0, $0xb8;
	[tilespmem:$0x10A80] =	vst v63  }
0x129: {  	v3 =	vld [tilespmem:$0x190];
	_ =	sdelay $0x4  }
0x12a: {  	v56 =	vshll.u32 v3, $0x1  }
0x12b: {  	v3 =	vand.u32 $0x7, v3;
	v4 =	vand.u32 $0xFFFFFFF0, v56  }
0x12c: {  	v3 =	vor.u32 v3, v4  }
0x12d: {  	v4 =	vperm.xlane v3, v0;
	_ =	sdelay $0x1  }
0x12e: {  	v3 =	vperm.xlane v3, v2;
	v4 =	vadd.s32 v1, v4;
	_ =	sdelay $0x1  }
0x12f: {  	v3 =	vadd.s32 v1, v3;
	_ =	sdelay $0x2  }
0x130: {  	[tilespmem:s7], [sflag:$0x2] =	stream.indirect_vreg.gather [hbm4b:s1+s3], $0x80, v4, vm0, $0xb8;
	[tilespmem:$0x10A80] =	vst v63  }
0x131: {  	_ = 	snop  }
0x132: {  	[tilespmem:s8], [sflag:$0x2] =	stream.indirect_vreg.gather [hbm4b:s1+s3], $0x80, v3, vm0, $0xb8;
	[tilespmem:$0x10A80] =	vst v63  }
0x133: {  	v3 =	vld [tilespmem:$0x1A0];
	_ =	sdelay $0x4  }
0x134: {  	v57 =	vshll.u32 v3, $0x1  }
0x135: {  	v3 =	vand.u32 $0x7, v3;
	v4 =	vand.u32 $0xFFFFFFF0, v57  }
0x136: {  	v3 =	vor.u32 v3, v4  }
0x137: {  	v4 =	vperm.xlane v3, v0;
	_ =	sdelay $0x1  }
0x138: {  	v3 =	vperm.xlane v3, v2;
	v4 =	vadd.s32 v1, v4;
	_ =	sdelay $0x1  }
0x139: {  	v3 =	vadd.s32 v1, v3;
	_ =	sdelay $0x2  }
0x13a: {  	[tilespmem:s9], [sflag:$0x2] =	stream.indirect_vreg.gather [hbm4b:s1+s3], $0x80, v4, vm0, $0xb8;
	[tilespmem:$0x10A80] =	vst v63  }
0x13b: {  	_ = 	snop  }
0x13c: {  	[tilespmem:s10], [sflag:$0x2] =	stream.indirect_vreg.gather [hbm4b:s1+s3], $0x80, v3, vm0, $0xb8;
	[tilespmem:$0x10A80] =	vst v63  }
0x13d: {  	v3 =	vld [tilespmem:$0x1B0];
	_ =	sdelay $0x4  }
0x13e: {  	v58 =	vshll.u32 v3, $0x1  }
0x13f: {  	v3 =	vand.u32 $0x7, v3;
	v4 =	vand.u32 $0xFFFFFFF0, v58  }
0x140: {  	v3 =	vor.u32 v3, v4  }
0x141: {  	v4 =	vperm.xlane v3, v0;
	_ =	sdelay $0x1  }
0x142: {  	v3 =	vperm.xlane v3, v2;
	v4 =	vadd.s32 v1, v4;
	_ =	sdelay $0x1  }
0x143: {  	v3 =	vadd.s32 v1, v3;
	_ =	sdelay $0x2  }
0x144: {  	[tilespmem:s11], [sflag:$0x2] =	stream.indirect_vreg.gather [hbm4b:s1+s3], $0x80, v4, vm0, $0xb8;
	[tilespmem:$0x10A80] =	vst v63  }
0x145: {  	_ = 	snop  }
0x146: {  	[tilespmem:s14], [sflag:$0x2] =	stream.indirect_vreg.gather [hbm4b:s1+s3], $0x80, v3, vm0, $0xb8;
	[tilespmem:$0x10A80] =	vst v63  }
0x147: {  	v3 =	vld [tilespmem:$0x1C0];
	_ =	sdelay $0x4  }
0x148: {  	v59 =	vshll.u32 v3, $0x1  }
0x149: {  	v3 =	vand.u32 $0x7, v3;
	v4 =	vand.u32 $0xFFFFFFF0, v59  }
0x14a: {  	v3 =	vor.u32 v3, v4  }
0x14b: {  	v4 =	vperm.xlane v3, v0;
	_ =	sdelay $0x1  }
0x14c: {  	v3 =	vperm.xlane v3, v2;
	v4 =	vadd.s32 v1, v4;
	_ =	sdelay $0x1  }
0x14d: {  	v3 =	vadd.s32 v1, v3;
	_ =	sdelay $0x2  }
0x14e: {  	[tilespmem:s6], [sflag:$0x2] =	stream.indirect_vreg.gather [hbm4b:s1+s3], $0x80, v4, vm0, $0xb8;
	[tilespmem:$0x10A80] =	vst v63  }
0x14f: {  	_ = 	snop  }
0x150: {  	[tilespmem:s22], [sflag:$0x2] =	stream.indirect_vreg.gather [hbm4b:s1+s3], $0x80, v3, vm0, $0xb8;
	[tilespmem:$0x10A80] =	vst v63  }
0x151: {  	v3 =	vld [tilespmem:$0x1D0];
	_ =	sdelay $0x4  }
0x152: {  	v60 =	vshll.u32 v3, $0x1  }
0x153: {  	v3 =	vand.u32 $0x7, v3;
	v4 =	vand.u32 $0xFFFFFFF0, v60  }
0x154: {  	v3 =	vor.u32 v3, v4  }
0x155: {  	v4 =	vperm.xlane v3, v0;
	_ =	sdelay $0x1  }
0x156: {  	v3 =	vperm.xlane v3, v2;
	v4 =	vadd.s32 v1, v4;
	_ =	sdelay $0x1  }
0x157: {  	v3 =	vadd.s32 v1, v3;
	_ =	sdelay $0x1  }
0x158: {  	s15 =	simm.s32 $0xD200  }
0x159: {  	[tilespmem:s15], [sflag:$0x2] =	stream.indirect_vreg.gather [hbm4b:s1+s3], $0x80, v4, vm0, $0xb8;
	[tilespmem:$0x10A80] =	vst v63  }
0x15a: {  	s16 =	simm.s32 $0xDA00  }
0x15b: {  	[tilespmem:s16], [sflag:$0x2] =	stream.indirect_vreg.gather [hbm4b:s1+s3], $0x80, v3, vm0, $0xb8;
	[tilespmem:$0x10A80] =	vst v63  }
0x15c: {  	v3 =	vld [tilespmem:$0x1E0];
	_ =	sdelay $0x4  }
0x15d: {  	v61 =	vshll.u32 v3, $0x1  }
0x15e: {  	v3 =	vand.u32 $0x7, v3;
	v4 =	vand.u32 $0xFFFFFFF0, v61  }
0x15f: {  	v3 =	vor.u32 v3, v4  }
0x160: {  	v4 =	vperm.xlane v3, v0;
	_ =	sdelay $0x1  }
0x161: {  	v3 =	vperm.xlane v3, v2;
	v4 =	vadd.s32 v1, v4;
	_ =	sdelay $0x1  }
0x162: {  	v3 =	vadd.s32 v1, v3;
	_ =	sdelay $0x1  }
0x163: {  	s15 =	simm.s32 $0xE200  }
0x164: {  	[tilespmem:s15], [sflag:$0x2] =	stream.indirect_vreg.gather [hbm4b:s1+s3], $0x80, v4, vm0, $0xb8;
	[tilespmem:$0x10A80] =	vst v63  }
0x165: {  	s16 =	simm.s32 $0xEA00  }
0x166: {  	[tilespmem:s16], [sflag:$0x2] =	stream.indirect_vreg.gather [hbm4b:s1+s3], $0x80, v3, vm0, $0xb8;
	[tilespmem:$0x10A80] =	vst v63  }
0x167: {  	v3 =	vld [tilespmem:$0x1F0];
	_ =	sdelay $0x4  }
0x168: {  	v62 =	vshll.u32 v3, $0x1  }
0x169: {  	v3 =	vand.u32 $0x7, v3;
	v4 =	vand.u32 $0xFFFFFFF0, v62  }
0x16a: {  	v3 =	vor.u32 v3, v4  }
0x16b: {  	v4 =	vperm.xlane v3, v0;
	_ =	sdelay $0x1  }
0x16c: {  	v3 =	vperm.xlane v3, v2;
	v4 =	vadd.s32 v1, v4;
	_ =	sdelay $0x1  }
0x16d: {  	v3 =	vadd.s32 v1, v3;
	_ =	sdelay $0x1  }
0x16e: {  	s15 =	simm.s32 $0xF200  }
0x16f: {  	[tilespmem:s15], [sflag:$0x2] =	stream.indirect_vreg.gather [hbm4b:s1+s3], $0x80, v4, vm0, $0xb8;
	[tilespmem:$0x10A80] =	vst v63  }
0x170: {  	s16 =	simm.s32 $0xFA00  }
0x171: {  	[tilespmem:s16], [sflag:$0x2] =	stream.indirect_vreg.gather [hbm4b:s1+s3], $0x80, v3, vm0, $0xb8;
	[tilespmem:$0x10A80] =	vst v63  }
0x172: {  	_ =	swait.ge [sflag:s12], $0x8000  }
0x173: {  	[sflag:s12] =	ssyncset.done $0x0  }
0x174: {  	s16 =	simm.s32 $0x200;
	s0 =	rddreg [dreg:$0x8];
	[sflag:s12] =	ssyncadd.s32 $0xFFFF8000  }
0x175: {  	[hbm4b:s0+s3] =	stream.linear.scatter [tilespmem:s16], [sflag:$0x3], $0x8000, $0x38;
	[tilespmem:$0x10A80] =	vst v63  }
0x176: {  	_ =	swait.ge [sflag:s5], $0x8000  }
0x177: {  	[sflag:s5] =	ssyncset.done $0x0  }
0x178: {  	[sflag:s5] =	ssyncadd.s32 $0xFFFF8000  }
0x179: {  	_ =	swait.ge [sflag:s2], $0x8000  }
0x17a: {  	[sflag:s2] =	ssyncset.done $0x0  }
0x17b: {  	s16 =	rddreg [dreg:$0x9];
	[sflag:s2] =	ssyncadd.s32 $0xFFFF8000  }
0x17c: {  	[hbm4b:s16+s3] =	stream.linear.scatter [tilespmem:s13], [sflag:$0x3], $0x8000, $0x38;
	[tilespmem:$0x10A80] =	vst v63  }
0x17d: {  	_ =	swait.ge [sflag:s5], $0x8000  }
0x17e: {  	s0 =	rddreg [dreg:$0xa];
	[sflag:s5] =	ssyncset.done $0x0  }
0x17f: {  	s2 =	rddreg [dreg:$0xc];
	[sflag:s5] =	ssyncadd.s32 $0xFFFF8000  }
0x180: {  	[tilespmem:s2], [sflag:$0x3] =	stream.linear.gather [hbm4b:s0+s3], $0x8, $0x38;
	[tilespmem:$0x10A80] =	vst v63  }
0x181: {  	_ =	swait.ge [sflag:s5], $0x8  }
0x182: {  	[sflag:s5] =	ssyncset.done $0x0  }
0x183: {  	[sflag:s5] =	ssyncadd.s32 $0xFFFFFFF8  }
0x184: {  	v3 =	vld.msk [tilespmem:$0x10200], $0xff;
	_ =	sdelay $0x4  }
0x185: {  	v63 =	vshll.u32 v3, $0x1  }
0x186: {  	v3 =	vand.u32 $0x7, v3;
	v4 =	vand.u32 $0xFFFFFFF0, v63  }
0x187: {  	v3 =	vor.u32 v3, v4  }
0x188: {  	v3 =	vperm.xlane v3, v0;
	_ =	sdelay $0x1  }
0x189: {  	v3 =	vadd.s32 v1, v3;
	_ =	sdelay $0x3  }
0x18a: {  	s2 =	simm.s32 $0x10280;
	s0 =	rddreg [dreg:$0x4]  }
0x18b: {  	[tilespmem:s2], [sflag:$0x1] =	stream.indirect_vreg.gather [hbm4b:s0+s3], $0x80, v3, vm0, $0xb8;
	[tilespmem:$0x10A80] =	vst v63  }
0x18c: {  	_ =	swait.ge [sflag:s12], $0x800  }
0x18d: {  	p0 =	sne.s32 s4, $0x1;
	[sflag:s12] =	ssyncset.done $0x0  }
.Ltmp0:
0x18e: {  	s16 =	rddreg [dreg:$0xb];
	[sflag:s12] =	ssyncadd.s32 $0xFFFFF800;
	(pc) =	sbr.rel @p0 .LBB2_1-.Ltmp0, $4  }
0x18f: {  	[hbm4b:s16+s3] =	stream.linear.scatter [tilespmem:s2], [sflag:$0x3], $0x800, $0x38;
	[tilespmem:$0x10A80] =	vst v63  }
0x190: {  	_ =	swait.ge [sflag:s5], $0x800  }
0x191: {  	[sflag:s5] =	ssyncset.done $0x0  }
0x192: {  	s4 =	sadd.s32 $0xFFFFFFFF, s4;
	[sflag:s5] =	ssyncadd.s32 $0xFFFFF800  }
0x193: {  	_ =	sfence.sel $0x180000  }
0x194: {  	[bflag:$0x0] =	sbarrier.arrive $0xFFFF  }
0x195: {  	_ =	strace $0x9000004D  }
0x196: {  	s0 =	stileid.u32;
	[bflag:$0x2] =	sbarrier.arrive $0xFFFF  }
0x197: {  	p0 =	sne.s32 s0, $0x0;
	s0 =	rddreg [dreg:$0x3]  }
0x198: {  	s0 =	sadd.s32 @!p0 $0x100000, s0  }
0x199: {  	[sflag:s0] =	ssyncadd.tile.s32 @!p0 $0x1;
	_ =	shalt  }
.Lfunc_end2:
_tile_overlayer_lowered:
.L_overlay_start_2:
0x19a: {  	(tag) =	ssettag $0x2  }
0x19b: {  	s0 =	rddreg [dreg:$0x0];
	s2 =	stileid.u32  }
0x19c: {  	s1 =	rddreg [dreg:$0x1];
	p0 =	sne.s32 s2, $0x0  }
0x19d: {  	s3 =	rddreg [dreg:$0x2];
	[bflag:$0x3] =	sbarrier.arrive $0xFFFF;
	s2 =	simm.s32 @!p0 $0x1C03  }
0x19e: {  	[timem:s3], [sflag:s2] =	dma.local @!p0 [hbm:s0], s1  }
0x19f: {  	s0 =	simm.s32 @!p0 $0x3  }
0x1a0: {  	_ =	swait.ge @!p0 [sflag:s0], s1  }
0x1a1: {  	s1 =	ssub.s32 @!p0 $0x0, s1;
	[sflag:s0] =	ssyncset.done @!p0 $0x0  }
0x1a2: {  	[sflag:s0] =	ssyncadd.s32 @!p0 s1  }
0x1a3: {  	[bflag:$0x3] =	sbarrier.arrive $0xFFFF  }
0x1a4: {  	_ =	shalt  }

// kernel: _pipelined.19.cloned.1.call-start
scs
__scs_entry_jumppad:
0x0: {  	(pc) =	sbr.rel $0x88, $3  }
0x1: {  	(tag) =	ssettag $0x0;
	lr =	simm.s32 $0x1  }
0x2: {  	[smem:$0x3F98] =	sst lr;
	_ =	strace $0xD0000000  }
0x3: {  	_ = 	snop  }
0x4: {  	_ = 	snop  }
0x5: {  	_ = 	snop  }
0x6: {  	_ = 	snop  }
0x7: {  	_ = 	snop  }
__scs_overlays_trampoline_lowered:
0x8: {  	[smem:$0x3FA7] =	sst s0  }
0x9: {  	[smem:$0x3FA8] =	sst s1  }
0xa: {  	[smem:$0x3FA9] =	sst s2  }
0xb: {  	[smem:$0x3FAA] =	sst s3  }
0xc: {  	[smem:$0x3FAB] =	sst s4  }
0xd: {  	[smem:$0x3FAC] =	sst s5  }
0xe: {  	[smem:$0x3FAD] =	sst s6  }
0xf: {  	[smem:$0x3FAE] =	sst s7  }
0x10: {  	[smem:$0x3FAF] =	sst s8  }
0x11: {  	[smem:$0x3FB0] =	sst s9;
	s0 =	simm.s32 @!p0 $0x0  }
0x12: {  	s1 =	sld [smem:$0x3F96];
	s0 =	simm.s32 @p0 $0x1  }
0x13: {  	[smem:$0x3FB1] =	sst s0;
	s0 =	simm.s32 @!p1 $0x0  }
0x14: {  	s2 =	sld [smem:$0x3F95];
	s0 =	simm.s32 @p1 $0x1  }
0x15: {  	[smem:$0x3FB2] =	sst s0;
	s0 =	simm.s32 @!p2 $0x0  }
0x16: {  	s3 =	sld [smem:$0x3FDB];
	s0 =	simm.s32 @p2 $0x1  }
0x17: {  	s4 =	simm.s32 $0x1BF5;
	[smem:$0x3FB4] =	sst s0  }
0x18: {  	s0 =	sld [smem:$0x3F97];
	_ =	swait.ge [sflag:s4], $0x0  }
0x19: {  	s7 =	sld [smem:$0x3F98]  }
0x1a: {  	s8 =	sadd.s32 $0xFFFFE003, lr  }
0x1b: {  	s9 =	sadd.s32 $0xFFFFFEF7, lr;
	s5 =	simm.s32 $0xFFFFFFFF;
	p2 =	slt.u32 s8, $0xFFFFF086  }
0x1c: {  	p1 =	slt.u32 s9, $0xF7A;
	s5 =	simm.s32 @!p2 $0x0  }
0x1d: {  	s5 =	simm.s32 @p1 $0x1;
	p0 =	seq.s32 s7, s2  }
0x1e: {  	s7 =	smul.u32 @!p0 $0xF7A, s2;
	p2 =	seq.s32 @!p0 s5, $0x0  }
0x1f: {  	s9 =	smul.u32 $0xF7A, s1;
	s8 =	simm.s32 @!p0 $0x1BF5;
	p2 =	por !p2, p0  }
0x20: {  	[sflag:s8] =	ssyncset.s32 @!p0 $0xFFFFF086;
	s6 =	sadd.s32 @!p0 s3, s7;
	s7 =	simm.s32 @!p0 $0x108  }
0x21: {  	s3 =	sadd.s32 s3, s9;
	s6 =	sadd.s32 @!p0 $0x88, s6;
	s7 =	simm.s32 @p2 $0x1082  }
0x22: {  	[simem:s7], [sflag:s8] =	dma.local @!p0 [hbm:s6], $0xF7A  }
0x23: {  	s9 =	sor.u32 $0xD0000000, s2;
	s6 =	simm.s32 $0x108;
	_ =	swait.ge @!p0 [sflag:s8], $0x0  }
0x24: {  	s3 =	sadd.s32 $0x88, s3;
	s6 =	simm.s32 @!p1 $0x1082;
	[sflag:s4] =	ssyncset.s32 $0xFFFFF086  }
0x25: {  	[simem:s6], [sflag:s4] =	dma.local [hbm:s3], $0xF7A  }
0x26: {  	[smem:$0x3F98] =	sst s1;
	(tag) =	ssettag s2;
	_ =	strace s9  }
0x27: {  	s1 =	sld [smem:$0x3FA8]  }
0x28: {  	s2 =	sld [smem:$0x3FA9]  }
0x29: {  	s4 =	sld [smem:$0x3FAB]  }
0x2a: {  	p0 =	seq.s32 s5, $0x0;
	s5 =	sld [smem:$0x3FAC]  }
0x2b: {  	s6 =	sld [smem:$0x3FAD]  }
0x2c: {  	s7 =	sld [smem:$0x3FAE]  }
0x2d: {  	s3 =	simm.s32 $0x108;
	s8 =	sld [smem:$0x3FAF]  }
0x2e: {  	s3 =	simm.s32 @!p0 $0x1082;
	s9 =	sld [smem:$0x3FB0]  }
0x2f: {  	lr =	sadd.s32 s0, s3;
	s0 =	sld [smem:$0x3FA7]  }
0x30: {  	s3 =	sld [smem:$0x3FAA]  }
0x31: {  	[smem:$0x3FB3] =	sst s10  }
0x32: {  	s10 =	sld [smem:$0x3FB1];
	_ =	sdelay $0x3  }
0x33: {  	p0 =	seq.s32 s10, $0x1;
	s10 =	sld [smem:$0x3FB3];
	_ =	sdelay $0x3  }
0x34: {  	[smem:$0x3FB3] =	sst s10  }
0x35: {  	s10 =	sld [smem:$0x3FB2];
	_ =	sdelay $0x3  }
0x36: {  	p1 =	seq.s32 s10, $0x1;
	s10 =	sld [smem:$0x3FB3];
	_ =	sdelay $0x3  }
0x37: {  	[smem:$0x3FB3] =	sst s10  }
0x38: {  	s10 =	sld [smem:$0x3FB4]  }
0x39: {  	_ = 	snop;
	(pc) =	sbr.ind lr, $3  }
0x3a: {  	_ = 	snop  }
0x3b: {  	_ = 	snop  }
0x3c: {  	p2 =	seq.s32 s10, $0x1;
	s10 =	sld [smem:$0x3FB3]  }
0x3d: {  	_ =	shalt  }
0x3e: {  	_ =	shalt  }
0x3f: {  	_ =	shalt  }
0x40: {  	_ =	shalt  }
0x41: {  	_ =	shalt  }
0x42: {  	_ =	shalt  }
0x43: {  	_ =	shalt  }
0x44: {  	_ =	shalt  }
0x45: {  	_ =	shalt  }
0x46: {  	_ =	shalt  }
0x47: {  	_ =	shalt  }
0x48: {  	_ =	shalt  }
0x49: {  	_ =	shalt  }
0x4a: {  	_ =	shalt  }
0x4b: {  	_ =	shalt  }
0x4c: {  	_ =	shalt  }
0x4d: {  	_ =	shalt  }
0x4e: {  	_ =	shalt  }
0x4f: {  	_ =	shalt  }
0x50: {  	_ =	shalt  }
0x51: {  	_ =	shalt  }
0x52: {  	_ =	shalt  }
0x53: {  	_ =	shalt  }
0x54: {  	_ =	shalt  }
0x55: {  	_ =	shalt  }
0x56: {  	_ =	shalt  }
0x57: {  	_ =	shalt  }
0x58: {  	_ =	shalt  }
0x59: {  	_ =	shalt  }
0x5a: {  	_ =	shalt  }
0x5b: {  	_ =	shalt  }
0x5c: {  	_ =	shalt  }
0x5d: {  	_ =	shalt  }
0x5e: {  	_ =	shalt  }
0x5f: {  	_ =	shalt  }
0x60: {  	_ =	shalt  }
0x61: {  	_ =	shalt  }
0x62: {  	_ =	shalt  }
0x63: {  	_ =	shalt  }
0x64: {  	_ =	shalt  }
0x65: {  	_ =	shalt  }
0x66: {  	_ =	shalt  }
0x67: {  	_ =	shalt  }
0x68: {  	_ =	shalt  }
0x69: {  	_ =	shalt  }
0x6a: {  	_ =	shalt  }
0x6b: {  	_ =	shalt  }
0x6c: {  	_ =	shalt  }
0x6d: {  	_ =	shalt  }
0x6e: {  	_ =	shalt  }
0x6f: {  	_ =	shalt  }
0x70: {  	_ =	shalt  }
0x71: {  	_ =	shalt  }
0x72: {  	_ =	shalt  }
0x73: {  	_ =	shalt  }
0x74: {  	_ =	shalt  }
0x75: {  	_ =	shalt  }
0x76: {  	_ =	shalt  }
0x77: {  	_ =	shalt  }
0x78: {  	_ =	shalt  }
0x79: {  	_ =	shalt  }
0x7a: {  	_ =	shalt  }
0x7b: {  	_ =	shalt  }
0x7c: {  	_ =	shalt  }
0x7d: {  	_ =	shalt  }
0x7e: {  	_ =	shalt  }
0x7f: {  	_ =	shalt  }
0x80: {  	_ =	shalt  }
0x81: {  	_ =	shalt  }
0x82: {  	_ =	shalt  }
0x83: {  	_ =	shalt  }
0x84: {  	_ =	shalt  }
0x85: {  	_ =	shalt  }
0x86: {  	_ =	shalt  }
0x87: {  	_ =	shalt  }
.Lfunc_end0:
.L_simem_size_0:
called_computation.3_lowered:
.L_overlay_start_0:
0x88: {  	s2 =	sld [smem:$0x3FD9]  }
0x89: {  	s3 =	sld [smem:$0x3FFE];
	_ =	sdelay $0x1  }
0x8a: {  	s1 =	srdreg.scid  }
0x8b: {  	s0 =	sand.u32 $0x1, s1  }
0x8c: {  	s17 =	sshll.u32 s0, $0xA;
	s2 =	sadd.s32 s3, s2  }
0x8d: {  	s2 =	sadd.s32 s2, s17  }
0x8e: {  	[smem:$0x3FBF] =	sst s2  }
0x8f: {  	_ = 	snop  }
0x90: {  	s5 =	sld [smem:$0x3FC5]  }
0x91: {  	s18 =	sld [smem:$0x3FC4]  }
0x92: {  	s4 =	sld [smem:$0x3FD0];
	(tm) =	ssettm $0x1  }
0x93: {  	s19 =	sld [smem:$0x3FFB];
	_ =	sdelay $0x3  }
0x94: {  	_ =	strace s19  }
0x95: {  	s2 =	sld [smem:$0x3FFC];
	_ =	sdelay $0x3  }
0x96: {  	_ =	strace s2  }
0x97: {  	s2 =	sld [smem:$0x3FFD];
	_ =	sdelay $0x3  }
0x98: {  	_ =	strace s2  }
0x99: {  	_ =	strace $0x8FFFFFFF  }
0x9a: {  	s20 =	sld [smem:$0x3FDB];
	_ =	sdelay $0x1  }
0x9b: {  	s6 =	simm.s32 $_scs_section_size  }
0x9c: {  	s7 =	simm.s32 $_size__tile_overlayer_lowered;
	s8 =	simm.s32 $_tile_overlayer_lowered  }
0x9d: {  	s9 =	simm.s32 $0x1BFF;
	s21 =	sshll.u32 s8, $0x1;
	s6 =	sadd.s32 s6, s20  }
0x9e: {  	s22 =	simm.s32 $0x0;
	s7 =	sshll.u32 s7, $0x1;
	s8 =	sadd.s32 s21, s6  }
0x9f: {  	[timem:s22], [sflag:s9] =	dma.local [hbm:s8], s7  }
0xa0: {  	_ =	swait.ge [sflag:s9], s7  }
0xa1: {  	s7 =	ssub.s32 $0x0, s7;
	[sflag:s9] =	ssyncset.done $0x0  }
0xa2: {  	[sflag:s9] =	ssyncadd.s32 s7;
	_ =	sdelay $0x1  }
0xa3: {  	s23 =	simm.s32 $0x1B8B  }
0xa4: {  	_ =	swait.ge [sflag:s23], $0x1  }
0xa5: {  	[sflag:s23] =	ssyncset.done $0x0  }
0xa6: {  	[sflag:s23] =	ssyncadd.s32 $0xFFFFFFFF  }
0xa7: {  	s7 =	sld [smem:$0x0]  }
0xa8: {  	s8 =	sand.u32 $0xFFFFFFFE, s1  }
0xa9: {  	p0 =	sne.s32 s1, s8  }
0xaa: {  	s8 =	sshll.u32 @p0 s8, $0xE  }
0xab: {  	s8 =	sadd.s32 @p0 $0x11B8D, s8;
	s9 =	sshll.u32 @p0 s7, $0x11  }
0xac: {  	s8 =	sor.u32 @p0 s9, s8  }
0xad: {  	[sflag:s8] =	ssyncadd.remote.s32 @p0 $0x1;
	_ =	sdelay $0x1  }
0xae: {  	s8 =	simm.s32 @p0 $0x1B8D  }
0xaf: {  	_ =	swait.eq @p0 [sflag:s8], $0x1  }
0xb0: {  	[sflag:s8] =	ssyncadd.s32 @p0 $0xFFFFFFFF  }
0xb1: {  	s9 =	sshll.u32 @!p0 s1, $0xE  }
0xb2: {  	s9 =	sor.u32 @!p0 $0x4000, s9;
	s8 =	simm.s32 @!p0 $0x1B8D  }
0xb3: {  	s7 =	sshll.u32 @!p0 s7, $0x11;
	s9 =	sadd.s32 @!p0 $0x11B8D, s9;
	_ =	swait.eq @!p0 [sflag:s8], $0x1  }
0xb4: {  	s7 =	sor.u32 @!p0 s7, s9;
	[sflag:s8] =	ssyncadd.s32 @!p0 $0xFFFFFFFF  }
0xb5: {  	s25 =	simm.s32 $0x1B8E;
	s24 =	sld [smem:$0x3FFE];
	[sflag:s7] =	ssyncadd.remote.s32 @!p0 $0x1  }
0xb6: {  	s26 =	simm.s32 $execute0_lowered;
	[smem:$0x3FD2] =	sst s25  }
0xb7: {  	s8 =	sshll.u32 s26, $0x1;
	_ =	strace $0x8000004F;
	[dreg:$0x1] =	wrdreg $0xFFFFFFFF  }
0xb8: {  	s28 =	simm.s32 $_size_execute0_lowered;
	s6 =	sadd.s32 s6, s8;
	[dreg:$0x0] =	wrdreg $0x0  }
0xb9: {  	s8 =	sshll.u32 s28, $0x1;
	[dreg:$0x2] =	wrdreg s6  }
0xba: {  	[dreg:$0x3] =	wrdreg s8  }
0xbb: {  	[dreg:$0x4] =	wrdreg $0xC0  }
0xbc: {  	_ =	task [dreg:s22], $0x5FFFF  }
0xbd: {  	[dreg:$0x1] =	wrdreg $0xFFFFFFFF  }
0xbe: {  	[dreg:$0x0] =	wrdreg $0x60  }
0xbf: {  	[dreg:$0x2] =	wrdreg s5  }
0xc0: {  	[dreg:$0x3] =	wrdreg s24  }
0xc1: {  	[dreg:$0x4] =	wrdreg s18  }
0xc2: {  	[dreg:$0x5] =	wrdreg s4  }
0xc3: {  	[dreg:$0x6] =	wrdreg $0xC  }
0xc4: {  	_ =	task.clear_ibuf [dreg:s22], $0x7FFFF;
	_ =	strace $0x9000004F  }
0xc5: {  	s29 =	simm.s32 $0xC;
	_ =	strace $0x80000051  }
0xc6: {  	_ =	swait.ge [sflag:s29], $0x1  }
0xc7: {  	[sflag:s29] =	ssyncadd.s32 $0xFFFFFFFF  }
0xc8: {  	_ =	strace $0x90000051  }
0xc9: {  	_ =	sfence  }
0xca: {  	s30 =	sld [smem:$0x0];
	_ =	sdelay $0x2  }
0xcb: {  	s31 =	sshll.u32 s1, $0xD;
	s1 =	sshrl.u32 s1, $0x2  }
0xcc: {  	s4 =	sand.u32 $0x4000, s31;
	s1 =	sadd.s32 s1, s30  }
0xcd: {  	s0 =	sor.u32 s4, s0;
	s1 =	sshll.u32 s1, $0x11  }
0xce: {  	s0 =	sor.u32 s1, s0  }
0xcf: {  	s0 =	sadd.s32 $0x8F2B, s0  }
0xd0: {  	[sflag:s0] =	ssyncadd.remote.s32 $0x1  }
0xd1: {  	_ =	sfence.sel $0xFFFF  }
0xd2: {  	[dreg:$0x0] =	wrdreg $0xFFFFFFFF;
	(pc) =	sbr.abs _section_cstart, $3  }
0xd3: {  	[dreg:$0x1] =	wrdreg $0xFFFFFFFF  }
0xd4: {  	_ =	task.clear_ibuf [dreg:s22], $0x2FFFF;
	_ =	strace $0x9FFFFFFF  }
0xd5: {  	(tm) =	ssettm $0x7FFFFFFF  }
tec
execute0_lowered:
.L_overlay_start_1:
0x0: {  	(tag) =	ssettag $0x1  }
0x1: {  	s1 =	rddreg [dreg:$0x0]  }
0x2: {  	s0 =	rddreg [dreg:$0x1]  }
0x3: {  	s2 =	rddreg [dreg:$0x2];
	s3 =	srdreg.scid  }
0x4: {  	s4 =	stileid.u32;
	s19 =	rddreg [dreg:$0x3]  }
0x5: {  	s26 =	simm.s32 $0x10200;
	s12 =	simm.s32 $0x1;
	s28 =	simm.s32 $0x5A00  }
0x6: {  	s29 =	simm.s32 $0x6200;
	s30 =	simm.s32 $0x6A00;
	s31 =	simm.s32 $0x7200  }
0x7: {  	s13 =	simm.s32 $0x8200;
	s8 =	simm.s32 $0x9A00;
	s9 =	simm.s32 $0xA200  }
0x8: {  	s10 =	simm.s32 $0xAA00;
	s11 =	simm.s32 $0xB200;
	[dreg:$0x5] =	wrdreg s2  }
0x9: {  	s17 =	sand.u32 $0x1, s3;
	s18 =	sshll.u32 s4, $0x1;
	s3 =	simm.s32 $0x0  }
0xa: {  	s14 =	simm.s32 $0xBA00;
	s5 =	sor.u32 s17, s18;
	[smem:$0x7FF] =	sst s3  }
0xb: {  	s2 =	ssub.s32 $0x2, s17;
	s17 =	simm.s32 $0x1200;
	s18 =	simm.s32 $0x1A00  }
0xc: {  	s6 =	sshll.u32 s5, $0x6;
	s7 =	sshll.u32 s5, $0xE;
	_ =	strace $0x80000050  }
0xd: {  	s24 =	sshrl.u32 s2, $0x1;
	[dreg:$0xd] =	wrdreg s26;
	s6 =	sadd.s32 s6, s0  }
0xe: {  	s26 =	simm.s32 $0x5200;
	s7 =	sadd.s32 s7, s0;
	s6 =	sadd.s32 $0x18BA00, s6  }
0xf: {  	s0 =	sadd.s32 s5, s0;
	s20 =	sadd.s32 $0x18C200, s7;
	[dreg:$0x6] =	wrdreg s6  }
0x10: {  	s5 =	sshll.u32 s5, $0x8;
	s21 =	sadd.s32 $0x18D200, s7;
	[dreg:$0x7] =	wrdreg s20  }
0x11: {  	s2 =	ssub.s32 s2, s24;
	s22 =	sadd.s32 $0x18E200, s7;
	[dreg:$0x8] =	wrdreg s21  }
0x12: {  	s24 =	simm.s32 $0x4200;
	s23 =	sadd.s32 $0x18F200, s7;
	[dreg:$0x9] =	wrdreg s22  }
0x13: {  	s0 =	sadd.s32 $0x4800, s0;
	s25 =	sadd.s32 s19, s5;
	[dreg:$0xa] =	wrdreg s23  }
0x14: {  	s4 =	smax.u32 s2, $0x1;
	s5 =	simm.s32 $0x3;
	[dreg:$0xb] =	wrdreg s0  }
0x15: {  	v2 =	vlaneseq.u32;
	s19 =	simm.s32 $0x2200;
	s7 =	simm.s32 $0x9200;
	[dreg:$0xc] =	wrdreg s25  }
0x16: {  	vm0 =	vmmov $0xffff;
	v1 =	vshrl.u32 v2, $0x3;
	s20 =	simm.s32 $0x2A00;
	s21 =	simm.s32 $0x3200;
	s23 =	simm.s32 $0x3A00  }
0x17: {  	v0 =	vand.u32 $0x7, v2;
	v2 =	vor.u32 $0x8, v2;
	v1 =	vmul.u32 $0x8, v1;
	s25 =	simm.s32 $0x4A00;
	s6 =	simm.s32 $0xC200;
	s22 =	simm.s32 $0xCA00  }
.LBB2_1:
0x18: {  	s15 =	rddreg [dreg:$0x6]  }
0x19: {  	[tilespmem:s3], [sflag:$0x3] =	stream.linear.gather [hbm4b:s15+s3], $0x200, $0x38;
	[tilespmem:$0x10A80] =	vst v63  }
0x1a: {  	_ =	swait.ge [sflag:s5], $0x200  }
0x1b: {  	[sflag:s5] =	ssyncset.done $0x0  }
0x1c: {  	[sflag:s5] =	ssyncadd.s32 $0xFFFFFE00  }
0x1d: {  	v3 =	vld [tilespmem:$0x0];
	_ =	sdelay $0x4  }
0x1e: {  	v4 =	vshll.u32 v3, $0x1  }
0x1f: {  	v3 =	vand.u32 $0x7, v3;
	v4 =	vand.u32 $0xFFFFFFF0, v4  }
0x20: {  	v3 =	vor.u32 v3, v4  }
0x21: {  	v4 =	vperm.xlane v3, v0;
	_ =	sdelay $0x1  }
0x22: {  	v3 =	vperm.xlane v3, v2;
	v4 =	vadd.s32 v1, v4;
	_ =	sdelay $0x1  }
0x23: {  	v3 =	vadd.s32 v1, v3;
	_ =	sdelay $0x1  }
0x24: {  	s0 =	simm.s32 $0x200  }
0x25: {  	[tilespmem:s0], [sflag:$0x1] =	stream.indirect_vreg.gather [hbm4b:s1+s3], $0x80, v4, vm0, $0xb8;
	[tilespmem:$0x10A80] =	vst v63  }
0x26: {  	s16 =	simm.s32 $0xA00  }
0x27: {  	[tilespmem:s16], [sflag:$0x1] =	stream.indirect_vreg.gather [hbm4b:s1+s3], $0x80, v3, vm0, $0xb8;
	[tilespmem:$0x10A80] =	vst v63  }
0x28: {  	v3 =	vld [tilespmem:$0x10];
	_ =	sdelay $0x4  }
0x29: {  	v32 =	vshll.u32 v3, $0x1  }
0x2a: {  	v3 =	vand.u32 $0x7, v3;
	v4 =	vand.u32 $0xFFFFFFF0, v32  }
0x2b: {  	v3 =	vor.u32 v3, v4  }
0x2c: {  	v4 =	vperm.xlane v3, v0;
	_ =	sdelay $0x1  }
0x2d: {  	v3 =	vperm.xlane v3, v2;
	v4 =	vadd.s32 v1, v4;
	_ =	sdelay $0x1  }
0x2e: {  	v3 =	vadd.s32 v1, v3;
	_ =	sdelay $0x2  }
0x2f: {  	[tilespmem:s17], [sflag:$0x1] =	stream.indirect_vreg.gather [hbm4b:s1+s3], $0x80, v4, vm0, $0xb8;
	[tilespmem:$0x10A80] =	vst v63  }
0x30: {  	_ = 	snop  }
0x31: {  	[tilespmem:s18], [sflag:$0x1] =	stream.indirect_vreg.gather [hbm4b:s1+s3], $0x80, v3, vm0, $0xb8;
	[tilespmem:$0x10A80] =	vst v63  }
0x32: {  	v3 =	vld [tilespmem:$0x20];
	_ =	sdelay $0x4  }
0x33: {  	v33 =	vshll.u32 v3, $0x1  }
0x34: {  	v3 =	vand.u32 $0x7, v3;
	v4 =	vand.u32 $0xFFFFFFF0, v33  }
0x35: {  	v3 =	vor.u32 v3, v4  }
0x36: {  	v4 =	vperm.xlane v3, v0;
	_ =	sdelay $0x1  }
0x37: {  	v3 =	vperm.xlane v3, v2;
	v4 =	vadd.s32 v1, v4;
	_ =	sdelay $0x1  }
0x38: {  	v3 =	vadd.s32 v1, v3;
	_ =	sdelay $0x2  }
0x39: {  	[tilespmem:s19], [sflag:$0x1] =	stream.indirect_vreg.gather [hbm4b:s1+s3], $0x80, v4, vm0, $0xb8;
	[tilespmem:$0x10A80] =	vst v63  }
0x3a: {  	_ = 	snop  }
0x3b: {  	[tilespmem:s20], [sflag:$0x1] =	stream.indirect_vreg.gather [hbm4b:s1+s3], $0x80, v3, vm0, $0xb8;
	[tilespmem:$0x10A80] =	vst v63  }
0x3c: {  	v3 =	vld [tilespmem:$0x30];
	_ =	sdelay $0x4  }
0x3d: {  	v34 =	vshll.u32 v3, $0x1  }
0x3e: {  	v3 =	vand.u32 $0x7, v3;
	v4 =	vand.u32 $0xFFFFFFF0, v34  }
0x3f: {  	v3 =	vor.u32 v3, v4  }
0x40: {  	v4 =	vperm.xlane v3, v0;
	_ =	sdelay $0x1  }
0x41: {  	v3 =	vperm.xlane v3, v2;
	v4 =	vadd.s32 v1, v4;
	_ =	sdelay $0x1  }
0x42: {  	v3 =	vadd.s32 v1, v3;
	_ =	sdelay $0x2  }
0x43: {  	[tilespmem:s21], [sflag:$0x1] =	stream.indirect_vreg.gather [hbm4b:s1+s3], $0x80, v4, vm0, $0xb8;
	[tilespmem:$0x10A80] =	vst v63  }
0x44: {  	_ = 	snop  }
0x45: {  	[tilespmem:s23], [sflag:$0x1] =	stream.indirect_vreg.gather [hbm4b:s1+s3], $0x80, v3, vm0, $0xb8;
	[tilespmem:$0x10A80] =	vst v63  }
0x46: {  	v3 =	vld [tilespmem:$0x40];
	_ =	sdelay $0x4  }
0x47: {  	v35 =	vshll.u32 v3, $0x1  }
0x48: {  	v3 =	vand.u32 $0x7, v3;
	v4 =	vand.u32 $0xFFFFFFF0, v35  }
0x49: {  	v3 =	vor.u32 v3, v4  }
0x4a: {  	v4 =	vperm.xlane v3, v0;
	_ =	sdelay $0x1  }
0x4b: {  	v3 =	vperm.xlane v3, v2;
	v4 =	vadd.s32 v1, v4;
	_ =	sdelay $0x1  }
0x4c: {  	v3 =	vadd.s32 v1, v3;
	_ =	sdelay $0x2  }
0x4d: {  	[tilespmem:s24], [sflag:$0x1] =	stream.indirect_vreg.gather [hbm4b:s1+s3], $0x80, v4, vm0, $0xb8;
	[tilespmem:$0x10A80] =	vst v63  }
0x4e: {  	_ = 	snop  }
0x4f: {  	[tilespmem:s25], [sflag:$0x1] =	stream.indirect_vreg.gather [hbm4b:s1+s3], $0x80, v3, vm0, $0xb8;
	[tilespmem:$0x10A80] =	vst v63  }
0x50: {  	v3 =	vld [tilespmem:$0x50];
	_ =	sdelay $0x4  }
0x51: {  	v36 =	vshll.u32 v3, $0x1  }
0x52: {  	v3 =	vand.u32 $0x7, v3;
	v4 =	vand.u32 $0xFFFFFFF0, v36  }
0x53: {  	v3 =	vor.u32 v3, v4  }
0x54: {  	v4 =	vperm.xlane v3, v0;
	_ =	sdelay $0x1  }
0x55: {  	v3 =	vperm.xlane v3, v2;
	v4 =	vadd.s32 v1, v4;
	_ =	sdelay $0x1  }
0x56: {  	v3 =	vadd.s32 v1, v3;
	_ =	sdelay $0x2  }
0x57: {  	[tilespmem:s26], [sflag:$0x1] =	stream.indirect_vreg.gather [hbm4b:s1+s3], $0x80, v4, vm0, $0xb8;
	[tilespmem:$0x10A80] =	vst v63  }
0x58: {  	_ = 	snop  }
0x59: {  	[tilespmem:s28], [sflag:$0x1] =	stream.indirect_vreg.gather [hbm4b:s1+s3], $0x80, v3, vm0, $0xb8;
	[tilespmem:$0x10A80] =	vst v63  }
0x5a: {  	v3 =	vld [tilespmem:$0x60];
	_ =	sdelay $0x4  }
0x5b: {  	v37 =	vshll.u32 v3, $0x1  }
0x5c: {  	v3 =	vand.u32 $0x7, v3;
	v4 =	vand.u32 $0xFFFFFFF0, v37  }
0x5d: {  	v3 =	vor.u32 v3, v4  }
0x5e: {  	v4 =	vperm.xlane v3, v0;
	_ =	sdelay $0x1  }
0x5f: {  	v3 =	vperm.xlane v3, v2;
	v4 =	vadd.s32 v1, v4;
	_ =	sdelay $0x1  }
0x60: {  	v3 =	vadd.s32 v1, v3;
	_ =	sdelay $0x2  }
0x61: {  	[tilespmem:s29], [sflag:$0x1] =	stream.indirect_vreg.gather [hbm4b:s1+s3], $0x80, v4, vm0, $0xb8;
	[tilespmem:$0x10A80] =	vst v63  }
0x62: {  	_ = 	snop  }
0x63: {  	[tilespmem:s30], [sflag:$0x1] =	stream.indirect_vreg.gather [hbm4b:s1+s3], $0x80, v3, vm0, $0xb8;
	[tilespmem:$0x10A80] =	vst v63  }
0x64: {  	v3 =	vld [tilespmem:$0x70];
	_ =	sdelay $0x4  }
0x65: {  	v38 =	vshll.u32 v3, $0x1  }
0x66: {  	v3 =	vand.u32 $0x7, v3;
	v4 =	vand.u32 $0xFFFFFFF0, v38  }
0x67: {  	v3 =	vor.u32 v3, v4  }
0x68: {  	v4 =	vperm.xlane v3, v0;
	_ =	sdelay $0x1  }
0x69: {  	v3 =	vperm.xlane v3, v2;
	v4 =	vadd.s32 v1, v4;
	_ =	sdelay $0x1  }
0x6a: {  	v3 =	vadd.s32 v1, v3;
	_ =	sdelay $0x2  }
0x6b: {  	[tilespmem:s31], [sflag:$0x1] =	stream.indirect_vreg.gather [hbm4b:s1+s3], $0x80, v4, vm0, $0xb8;
	[tilespmem:$0x10A80] =	vst v63  }
0x6c: {  	s2 =	simm.s32 $0x7A00  }
0x6d: {  	[tilespmem:s2], [sflag:$0x1] =	stream.indirect_vreg.gather [hbm4b:s1+s3], $0x80, v3, vm0, $0xb8;
	[tilespmem:$0x10A80] =	vst v63  }
0x6e: {  	v3 =	vld [tilespmem:$0x80];
	_ =	sdelay $0x4  }
0x6f: {  	v39 =	vshll.u32 v3, $0x1  }
0x70: {  	v3 =	vand.u32 $0x7, v3;
	v4 =	vand.u32 $0xFFFFFFF0, v39  }
0x71: {  	v3 =	vor.u32 v3, v4  }
0x72: {  	v4 =	vperm.xlane v3, v0;
	_ =	sdelay $0x1  }
0x73: {  	v3 =	vperm.xlane v3, v2;
	v4 =	vadd.s32 v1, v4;
	_ =	sdelay $0x1  }
0x74: {  	v3 =	vadd.s32 v1, v3;
	_ =	sdelay $0x2  }
0x75: {  	[tilespmem:s13], [sflag:$0x2] =	stream.indirect_vreg.gather [hbm4b:s1+s3], $0x80, v4, vm0, $0xb8;
	[tilespmem:$0x10A80] =	vst v63  }
0x76: {  	s15 =	simm.s32 $0x8A00  }
0x77: {  	[tilespmem:s15], [sflag:$0x2] =	stream.indirect_vreg.gather [hbm4b:s1+s3], $0x80, v3, vm0, $0xb8;
	[tilespmem:$0x10A80] =	vst v63  }
0x78: {  	v3 =	vld [tilespmem:$0x90];
	_ =	sdelay $0x4  }
0x79: {  	v40 =	vshll.u32 v3, $0x1  }
0x7a: {  	v3 =	vand.u32 $0x7, v3;
	v4 =	vand.u32 $0xFFFFFFF0, v40  }
0x7b: {  	v3 =	vor.u32 v3, v4  }
0x7c: {  	v4 =	vperm.xlane v3, v0;
	_ =	sdelay $0x1  }
0x7d: {  	v3 =	vperm.xlane v3, v2;
	v4 =	vadd.s32 v1, v4;
	_ =	sdelay $0x1  }
0x7e: {  	v3 =	vadd.s32 v1, v3;
	_ =	sdelay $0x2  }
0x7f: {  	[tilespmem:s7], [sflag:$0x2] =	stream.indirect_vreg.gather [hbm4b:s1+s3], $0x80, v4, vm0, $0xb8;
	[tilespmem:$0x10A80] =	vst v63  }
0x80: {  	_ = 	snop  }
0x81: {  	[tilespmem:s8], [sflag:$0x2] =	stream.indirect_vreg.gather [hbm4b:s1+s3], $0x80, v3, vm0, $0xb8;
	[tilespmem:$0x10A80] =	vst v63  }
0x82: {  	v3 =	vld [tilespmem:$0xA0];
	_ =	sdelay $0x4  }
0x83: {  	v41 =	vshll.u32 v3, $0x1  }
0x84: {  	v3 =	vand.u32 $0x7, v3;
	v4 =	vand.u32 $0xFFFFFFF0, v41  }
0x85: {  	v3 =	vor.u32 v3, v4  }
0x86: {  	v4 =	vperm.xlane v3, v0;
	_ =	sdelay $0x1  }
0x87: {  	v3 =	vperm.xlane v3, v2;
	v4 =	vadd.s32 v1, v4;
	_ =	sdelay $0x1  }
0x88: {  	v3 =	vadd.s32 v1, v3;
	_ =	sdelay $0x2  }
0x89: {  	[tilespmem:s9], [sflag:$0x2] =	stream.indirect_vreg.gather [hbm4b:s1+s3], $0x80, v4, vm0, $0xb8;
	[tilespmem:$0x10A80] =	vst v63  }
0x8a: {  	_ = 	snop  }
0x8b: {  	[tilespmem:s10], [sflag:$0x2] =	stream.indirect_vreg.gather [hbm4b:s1+s3], $0x80, v3, vm0, $0xb8;
	[tilespmem:$0x10A80] =	vst v63  }
0x8c: {  	v3 =	vld [tilespmem:$0xB0];
	_ =	sdelay $0x4  }
0x8d: {  	v42 =	vshll.u32 v3, $0x1  }
0x8e: {  	v3 =	vand.u32 $0x7, v3;
	v4 =	vand.u32 $0xFFFFFFF0, v42  }
0x8f: {  	v3 =	vor.u32 v3, v4  }
0x90: {  	v4 =	vperm.xlane v3, v0;
	_ =	sdelay $0x1  }
0x91: {  	v3 =	vperm.xlane v3, v2;
	v4 =	vadd.s32 v1, v4;
	_ =	sdelay $0x1  }
0x92: {  	v3 =	vadd.s32 v1, v3;
	_ =	sdelay $0x2  }
0x93: {  	[tilespmem:s11], [sflag:$0x2] =	stream.indirect_vreg.gather [hbm4b:s1+s3], $0x80, v4, vm0, $0xb8;
	[tilespmem:$0x10A80] =	vst v63  }
0x94: {  	_ = 	snop  }
0x95: {  	[tilespmem:s14], [sflag:$0x2] =	stream.indirect_vreg.gather [hbm4b:s1+s3], $0x80, v3, vm0, $0xb8;
	[tilespmem:$0x10A80] =	vst v63  }
0x96: {  	v3 =	vld [tilespmem:$0xC0];
	_ =	sdelay $0x4  }
0x97: {  	v43 =	vshll.u32 v3, $0x1  }
0x98: {  	v3 =	vand.u32 $0x7, v3;
	v4 =	vand.u32 $0xFFFFFFF0, v43  }
0x99: {  	v3 =	vor.u32 v3, v4  }
0x9a: {  	v4 =	vperm.xlane v3, v0;
	_ =	sdelay $0x1  }
0x9b: {  	v3 =	vperm.xlane v3, v2;
	v4 =	vadd.s32 v1, v4;
	_ =	sdelay $0x1  }
0x9c: {  	v3 =	vadd.s32 v1, v3;
	_ =	sdelay $0x2  }
0x9d: {  	[tilespmem:s6], [sflag:$0x2] =	stream.indirect_vreg.gather [hbm4b:s1+s3], $0x80, v4, vm0, $0xb8;
	[tilespmem:$0x10A80] =	vst v63  }
0x9e: {  	_ = 	snop  }
0x9f: {  	[tilespmem:s22], [sflag:$0x2] =	stream.indirect_vreg.gather [hbm4b:s1+s3], $0x80, v3, vm0, $0xb8;
	[tilespmem:$0x10A80] =	vst v63  }
0xa0: {  	v3 =	vld [tilespmem:$0xD0];
	_ =	sdelay $0x4  }
0xa1: {  	v44 =	vshll.u32 v3, $0x1  }
0xa2: {  	v3 =	vand.u32 $0x7, v3;
	v4 =	vand.u32 $0xFFFFFFF0, v44  }
0xa3: {  	v3 =	vor.u32 v3, v4  }
0xa4: {  	v4 =	vperm.xlane v3, v0;
	_ =	sdelay $0x1  }
0xa5: {  	v3 =	vperm.xlane v3, v2;
	v4 =	vadd.s32 v1, v4;
	_ =	sdelay $0x1  }
0xa6: {  	v3 =	vadd.s32 v1, v3;
	_ =	sdelay $0x1  }
0xa7: {  	s15 =	simm.s32 $0xD200  }
0xa8: {  	[tilespmem:s15], [sflag:$0x2] =	stream.indirect_vreg.gather [hbm4b:s1+s3], $0x80, v4, vm0, $0xb8;
	[tilespmem:$0x10A80] =	vst v63  }
0xa9: {  	s15 =	simm.s32 $0xDA00  }
0xaa: {  	[tilespmem:s15], [sflag:$0x2] =	stream.indirect_vreg.gather [hbm4b:s1+s3], $0x80, v3, vm0, $0xb8;
	[tilespmem:$0x10A80] =	vst v63  }
0xab: {  	v3 =	vld [tilespmem:$0xE0];
	_ =	sdelay $0x4  }
0xac: {  	v45 =	vshll.u32 v3, $0x1  }
0xad: {  	v3 =	vand.u32 $0x7, v3;
	v4 =	vand.u32 $0xFFFFFFF0, v45  }
0xae: {  	v3 =	vor.u32 v3, v4  }
0xaf: {  	v4 =	vperm.xlane v3, v0;
	_ =	sdelay $0x1  }
0xb0: {  	v3 =	vperm.xlane v3, v2;
	v4 =	vadd.s32 v1, v4;
	_ =	sdelay $0x1  }
0xb1: {  	v3 =	vadd.s32 v1, v3;
	_ =	sdelay $0x1  }
0xb2: {  	s15 =	simm.s32 $0xE200  }
0xb3: {  	[tilespmem:s15], [sflag:$0x2] =	stream.indirect_vreg.gather [hbm4b:s1+s3], $0x80, v4, vm0, $0xb8;
	[tilespmem:$0x10A80] =	vst v63  }
0xb4: {  	s15 =	simm.s32 $0xEA00  }
0xb5: {  	[tilespmem:s15], [sflag:$0x2] =	stream.indirect_vreg.gather [hbm4b:s1+s3], $0x80, v3, vm0, $0xb8;
	[tilespmem:$0x10A80] =	vst v63  }
0xb6: {  	v3 =	vld [tilespmem:$0xF0];
	_ =	sdelay $0x4  }
0xb7: {  	v46 =	vshll.u32 v3, $0x1  }
0xb8: {  	v3 =	vand.u32 $0x7, v3;
	v4 =	vand.u32 $0xFFFFFFF0, v46  }
0xb9: {  	v3 =	vor.u32 v3, v4  }
0xba: {  	v4 =	vperm.xlane v3, v0;
	_ =	sdelay $0x1  }
0xbb: {  	v3 =	vperm.xlane v3, v2;
	v4 =	vadd.s32 v1, v4;
	_ =	sdelay $0x1  }
0xbc: {  	v3 =	vadd.s32 v1, v3;
	_ =	sdelay $0x1  }
0xbd: {  	s15 =	simm.s32 $0xF200  }
0xbe: {  	[tilespmem:s15], [sflag:$0x2] =	stream.indirect_vreg.gather [hbm4b:s1+s3], $0x80, v4, vm0, $0xb8;
	[tilespmem:$0x10A80] =	vst v63  }
0xbf: {  	s15 =	simm.s32 $0xFA00  }
0xc0: {  	[tilespmem:s15], [sflag:$0x2] =	stream.indirect_vreg.gather [hbm4b:s1+s3], $0x80, v3, vm0, $0xb8;
	[tilespmem:$0x10A80] =	vst v63  }
0xc1: {  	_ =	swait.ge [sflag:s12], $0x8000  }
0xc2: {  	[sflag:s12] =	ssyncset.done $0x0  }
0xc3: {  	s0 =	simm.s32 $0x200;
	s15 =	rddreg [dreg:$0x7];
	[sflag:s12] =	ssyncadd.s32 $0xFFFF8000  }
0xc4: {  	[hbm4b:s15+s3] =	stream.linear.scatter [tilespmem:s0], [sflag:$0x3], $0x8000, $0x38;
	[tilespmem:$0x10A80] =	vst v63  }
0xc5: {  	_ =	swait.ge [sflag:s5], $0x8000  }
0xc6: {  	[sflag:s5] =	ssyncset.done $0x0  }
0xc7: {  	[sflag:s5] =	ssyncadd.s32 $0xFFFF8000  }
0xc8: {  	v3 =	vld [tilespmem:$0x100];
	_ =	sdelay $0x4  }
0xc9: {  	v47 =	vshll.u32 v3, $0x1  }
0xca: {  	v3 =	vand.u32 $0x7, v3;
	v4 =	vand.u32 $0xFFFFFFF0, v47  }
0xcb: {  	v3 =	vor.u32 v3, v4  }
0xcc: {  	v4 =	vperm.xlane v3, v0;
	_ =	sdelay $0x1  }
0xcd: {  	v3 =	vperm.xlane v3, v2;
	v4 =	vadd.s32 v1, v4;
	_ =	sdelay $0x1  }
0xce: {  	v3 =	vadd.s32 v1, v3;
	_ =	sdelay $0x2  }
0xcf: {  	[tilespmem:s0], [sflag:$0x1] =	stream.indirect_vreg.gather [hbm4b:s1+s3], $0x80, v4, vm0, $0xb8;
	[tilespmem:$0x10A80] =	vst v63  }
0xd0: {  	_ = 	snop  }
0xd1: {  	[tilespmem:s16], [sflag:$0x1] =	stream.indirect_vreg.gather [hbm4b:s1+s3], $0x80, v3, vm0, $0xb8;
	[tilespmem:$0x10A80] =	vst v63  }
0xd2: {  	v3 =	vld [tilespmem:$0x110];
	_ =	sdelay $0x4  }
0xd3: {  	v48 =	vshll.u32 v3, $0x1  }
0xd4: {  	v3 =	vand.u32 $0x7, v3;
	v4 =	vand.u32 $0xFFFFFFF0, v48  }
0xd5: {  	v3 =	vor.u32 v3, v4  }
0xd6: {  	v4 =	vperm.xlane v3, v0;
	_ =	sdelay $0x1  }
0xd7: {  	v3 =	vperm.xlane v3, v2;
	v4 =	vadd.s32 v1, v4;
	_ =	sdelay $0x1  }
0xd8: {  	v3 =	vadd.s32 v1, v3;
	_ =	sdelay $0x2  }
0xd9: {  	[tilespmem:s17], [sflag:$0x1] =	stream.indirect_vreg.gather [hbm4b:s1+s3], $0x80, v4, vm0, $0xb8;
	[tilespmem:$0x10A80] =	vst v63  }
0xda: {  	_ = 	snop  }
0xdb: {  	[tilespmem:s18], [sflag:$0x1] =	stream.indirect_vreg.gather [hbm4b:s1+s3], $0x80, v3, vm0, $0xb8;
	[tilespmem:$0x10A80] =	vst v63  }
0xdc: {  	v3 =	vld [tilespmem:$0x120];
	_ =	sdelay $0x4  }
0xdd: {  	v49 =	vshll.u32 v3, $0x1  }
0xde: {  	v3 =	vand.u32 $0x7, v3;
	v4 =	vand.u32 $0xFFFFFFF0, v49  }
0xdf: {  	v3 =	vor.u32 v3, v4  }
0xe0: {  	v4 =	vperm.xlane v3, v0;
	_ =	sdelay $0x1  }
0xe1: {  	v3 =	vperm.xlane v3, v2;
	v4 =	vadd.s32 v1, v4;
	_ =	sdelay $0x1  }
0xe2: {  	v3 =	vadd.s32 v1, v3;
	_ =	sdelay $0x2  }
0xe3: {  	[tilespmem:s19], [sflag:$0x1] =	stream.indirect_vreg.gather [hbm4b:s1+s3], $0x80, v4, vm0, $0xb8;
	[tilespmem:$0x10A80] =	vst v63  }
0xe4: {  	_ = 	snop  }
0xe5: {  	[tilespmem:s20], [sflag:$0x1] =	stream.indirect_vreg.gather [hbm4b:s1+s3], $0x80, v3, vm0, $0xb8;
	[tilespmem:$0x10A80] =	vst v63  }
0xe6: {  	v3 =	vld [tilespmem:$0x130];
	_ =	sdelay $0x4  }
0xe7: {  	v50 =	vshll.u32 v3, $0x1  }
0xe8: {  	v3 =	vand.u32 $0x7, v3;
	v4 =	vand.u32 $0xFFFFFFF0, v50  }
0xe9: {  	v3 =	vor.u32 v3, v4  }
0xea: {  	v4 =	vperm.xlane v3, v0;
	_ =	sdelay $0x1  }
0xeb: {  	v3 =	vperm.xlane v3, v2;
	v4 =	vadd.s32 v1, v4;
	_ =	sdelay $0x1  }
0xec: {  	v3 =	vadd.s32 v1, v3;
	_ =	sdelay $0x2  }
0xed: {  	[tilespmem:s21], [sflag:$0x1] =	stream.indirect_vreg.gather [hbm4b:s1+s3], $0x80, v4, vm0, $0xb8;
	[tilespmem:$0x10A80] =	vst v63  }
0xee: {  	_ = 	snop  }
0xef: {  	[tilespmem:s23], [sflag:$0x1] =	stream.indirect_vreg.gather [hbm4b:s1+s3], $0x80, v3, vm0, $0xb8;
	[tilespmem:$0x10A80] =	vst v63  }
0xf0: {  	v3 =	vld [tilespmem:$0x140];
	_ =	sdelay $0x4  }
0xf1: {  	v51 =	vshll.u32 v3, $0x1  }
0xf2: {  	v3 =	vand.u32 $0x7, v3;
	v4 =	vand.u32 $0xFFFFFFF0, v51  }
0xf3: {  	v3 =	vor.u32 v3, v4  }
0xf4: {  	v4 =	vperm.xlane v3, v0;
	_ =	sdelay $0x1  }
0xf5: {  	v3 =	vperm.xlane v3, v2;
	v4 =	vadd.s32 v1, v4;
	_ =	sdelay $0x1  }
0xf6: {  	v3 =	vadd.s32 v1, v3;
	_ =	sdelay $0x2  }
0xf7: {  	[tilespmem:s24], [sflag:$0x1] =	stream.indirect_vreg.gather [hbm4b:s1+s3], $0x80, v4, vm0, $0xb8;
	[tilespmem:$0x10A80] =	vst v63  }
0xf8: {  	_ = 	snop  }
0xf9: {  	[tilespmem:s25], [sflag:$0x1] =	stream.indirect_vreg.gather [hbm4b:s1+s3], $0x80, v3, vm0, $0xb8;
	[tilespmem:$0x10A80] =	vst v63  }
0xfa: {  	v3 =	vld [tilespmem:$0x150];
	_ =	sdelay $0x4  }
0xfb: {  	v52 =	vshll.u32 v3, $0x1  }
0xfc: {  	v3 =	vand.u32 $0x7, v3;
	v4 =	vand.u32 $0xFFFFFFF0, v52  }
0xfd: {  	v3 =	vor.u32 v3, v4  }
0xfe: {  	v4 =	vperm.xlane v3, v0;
	_ =	sdelay $0x1  }
0xff: {  	v3 =	vperm.xlane v3, v2;
	v4 =	vadd.s32 v1, v4;
	_ =	sdelay $0x1  }
0x100: {  	v3 =	vadd.s32 v1, v3;
	_ =	sdelay $0x2  }
0x101: {  	[tilespmem:s26], [sflag:$0x1] =	stream.indirect_vreg.gather [hbm4b:s1+s3], $0x80, v4, vm0, $0xb8;
	[tilespmem:$0x10A80] =	vst v63  }
0x102: {  	_ = 	snop  }
0x103: {  	[tilespmem:s28], [sflag:$0x1] =	stream.indirect_vreg.gather [hbm4b:s1+s3], $0x80, v3, vm0, $0xb8;
	[tilespmem:$0x10A80] =	vst v63  }
0x104: {  	v3 =	vld [tilespmem:$0x160];
	_ =	sdelay $0x4  }
0x105: {  	v53 =	vshll.u32 v3, $0x1  }
0x106: {  	v3 =	vand.u32 $0x7, v3;
	v4 =	vand.u32 $0xFFFFFFF0, v53  }
0x107: {  	v3 =	vor.u32 v3, v4  }
0x108: {  	v4 =	vperm.xlane v3, v0;
	_ =	sdelay $0x1  }
0x109: {  	v3 =	vperm.xlane v3, v2;
	v4 =	vadd.s32 v1, v4;
	_ =	sdelay $0x1  }
0x10a: {  	v3 =	vadd.s32 v1, v3;
	_ =	sdelay $0x2  }
0x10b: {  	[tilespmem:s29], [sflag:$0x1] =	stream.indirect_vreg.gather [hbm4b:s1+s3], $0x80, v4, vm0, $0xb8;
	[tilespmem:$0x10A80] =	vst v63  }
0x10c: {  	_ = 	snop  }
0x10d: {  	[tilespmem:s30], [sflag:$0x1] =	stream.indirect_vreg.gather [hbm4b:s1+s3], $0x80, v3, vm0, $0xb8;
	[tilespmem:$0x10A80] =	vst v63  }
0x10e: {  	v3 =	vld [tilespmem:$0x170];
	_ =	sdelay $0x4  }
0x10f: {  	v54 =	vshll.u32 v3, $0x1  }
0x110: {  	v3 =	vand.u32 $0x7, v3;
	v4 =	vand.u32 $0xFFFFFFF0, v54  }
0x111: {  	v3 =	vor.u32 v3, v4  }
0x112: {  	v4 =	vperm.xlane v3, v0;
	_ =	sdelay $0x1  }
0x113: {  	v3 =	vperm.xlane v3, v2;
	v4 =	vadd.s32 v1, v4;
	_ =	sdelay $0x1  }
0x114: {  	v3 =	vadd.s32 v1, v3;
	_ =	sdelay $0x2  }
0x115: {  	[tilespmem:s31], [sflag:$0x1] =	stream.indirect_vreg.gather [hbm4b:s1+s3], $0x80, v4, vm0, $0xb8;
	[tilespmem:$0x10A80] =	vst v63  }
0x116: {  	_ = 	snop  }
0x117: {  	[tilespmem:s2], [sflag:$0x1] =	stream.indirect_vreg.gather [hbm4b:s1+s3], $0x80, v3, vm0, $0xb8;
	[tilespmem:$0x10A80] =	vst v63  }
0x118: {  	s2 =	simm.s32 $0x2  }
0x119: {  	_ =	swait.ge [sflag:s2], $0x8000  }
0x11a: {  	[sflag:s2] =	ssyncset.done $0x0  }
0x11b: {  	s0 =	rddreg [dreg:$0x8];
	[sflag:s2] =	ssyncadd.s32 $0xFFFF8000  }
0x11c: {  	[hbm4b:s0+s3] =	stream.linear.scatter [tilespmem:s13], [sflag:$0x3], $0x8000, $0x38;
	[tilespmem:$0x10A80] =	vst v63  }
0x11d: {  	_ =	swait.ge [sflag:s5], $0x8000  }
0x11e: {  	[sflag:s5] =	ssyncset.done $0x0  }
0x11f: {  	[sflag:s5] =	ssyncadd.s32 $0xFFFF8000  }
0x120: {  	v3 =	vld [tilespmem:$0x180];
	_ =	sdelay $0x4  }
0x121: {  	v55 =	vshll.u32 v3, $0x1  }
0x122: {  	v3 =	vand.u32 $0x7, v3;
	v4 =	vand.u32 $0xFFFFFFF0, v55  }
0x123: {  	v3 =	vor.u32 v3, v4  }
0x124: {  	v4 =	vperm.xlane v3, v0;
	_ =	sdelay $0x1  }
0x125: {  	v3 =	vperm.xlane v3, v2;
	v4 =	vadd.s32 v1, v4;
	_ =	sdelay $0x1  }
0x126: {  	v3 =	vadd.s32 v1, v3;
	_ =	sdelay $0x2  }
0x127: {  	[tilespmem:s13], [sflag:$0x2] =	stream.indirect_vreg.gather [hbm4b:s1+s3], $0x80, v4, vm0, $0xb8;
	[tilespmem:$0x10A80] =	vst v63  }
0x128: {  	s16 =	simm.s32 $0x8A00  }
0x129: {  	[tilespmem:s16], [sflag:$0x2] =	stream.indirect_vreg.gather [hbm4b:s1+s3], $0x80, v3, vm0, $0xb8;
	[tilespmem:$0x10A80] =	vst v63  }
0x12a: {  	v3 =	vld [tilespmem:$0x190];
	_ =	sdelay $0x4  }
0x12b: {  	v56 =	vshll.u32 v3, $0x1  }
0x12c: {  	v3 =	vand.u32 $0x7, v3;
	v4 =	vand.u32 $0xFFFFFFF0, v56  }
0x12d: {  	v3 =	vor.u32 v3, v4  }
0x12e: {  	v4 =	vperm.xlane v3, v0;
	_ =	sdelay $0x1  }
0x12f: {  	v3 =	vperm.xlane v3, v2;
	v4 =	vadd.s32 v1, v4;
	_ =	sdelay $0x1  }
0x130: {  	v3 =	vadd.s32 v1, v3;
	_ =	sdelay $0x2  }
0x131: {  	[tilespmem:s7], [sflag:$0x2] =	stream.indirect_vreg.gather [hbm4b:s1+s3], $0x80, v4, vm0, $0xb8;
	[tilespmem:$0x10A80] =	vst v63  }
0x132: {  	_ = 	snop  }
0x133: {  	[tilespmem:s8], [sflag:$0x2] =	stream.indirect_vreg.gather [hbm4b:s1+s3], $0x80, v3, vm0, $0xb8;
	[tilespmem:$0x10A80] =	vst v63  }
0x134: {  	v3 =	vld [tilespmem:$0x1A0];
	_ =	sdelay $0x4  }
0x135: {  	v57 =	vshll.u32 v3, $0x1  }
0x136: {  	v3 =	vand.u32 $0x7, v3;
	v4 =	vand.u32 $0xFFFFFFF0, v57  }
0x137: {  	v3 =	vor.u32 v3, v4  }
0x138: {  	v4 =	vperm.xlane v3, v0;
	_ =	sdelay $0x1  }
0x139: {  	v3 =	vperm.xlane v3, v2;
	v4 =	vadd.s32 v1, v4;
	_ =	sdelay $0x1  }
0x13a: {  	v3 =	vadd.s32 v1, v3;
	_ =	sdelay $0x2  }
0x13b: {  	[tilespmem:s9], [sflag:$0x2] =	stream.indirect_vreg.gather [hbm4b:s1+s3], $0x80, v4, vm0, $0xb8;
	[tilespmem:$0x10A80] =	vst v63  }
0x13c: {  	_ = 	snop  }
0x13d: {  	[tilespmem:s10], [sflag:$0x2] =	stream.indirect_vreg.gather [hbm4b:s1+s3], $0x80, v3, vm0, $0xb8;
	[tilespmem:$0x10A80] =	vst v63  }
0x13e: {  	v3 =	vld [tilespmem:$0x1B0];
	_ =	sdelay $0x4  }
0x13f: {  	v58 =	vshll.u32 v3, $0x1  }
0x140: {  	v3 =	vand.u32 $0x7, v3;
	v4 =	vand.u32 $0xFFFFFFF0, v58  }
0x141: {  	v3 =	vor.u32 v3, v4  }
0x142: {  	v4 =	vperm.xlane v3, v0;
	_ =	sdelay $0x1  }
0x143: {  	v3 =	vperm.xlane v3, v2;
	v4 =	vadd.s32 v1, v4;
	_ =	sdelay $0x1  }
0x144: {  	v3 =	vadd.s32 v1, v3;
	_ =	sdelay $0x2  }
0x145: {  	[tilespmem:s11], [sflag:$0x2] =	stream.indirect_vreg.gather [hbm4b:s1+s3], $0x80, v4, vm0, $0xb8;
	[tilespmem:$0x10A80] =	vst v63  }
0x146: {  	_ = 	snop  }
0x147: {  	[tilespmem:s14], [sflag:$0x2] =	stream.indirect_vreg.gather [hbm4b:s1+s3], $0x80, v3, vm0, $0xb8;
	[tilespmem:$0x10A80] =	vst v63  }
0x148: {  	v3 =	vld [tilespmem:$0x1C0];
	_ =	sdelay $0x4  }
0x149: {  	v59 =	vshll.u32 v3, $0x1  }
0x14a: {  	v3 =	vand.u32 $0x7, v3;
	v4 =	vand.u32 $0xFFFFFFF0, v59  }
0x14b: {  	v3 =	vor.u32 v3, v4  }
0x14c: {  	v4 =	vperm.xlane v3, v0;
	_ =	sdelay $0x1  }
0x14d: {  	v3 =	vperm.xlane v3, v2;
	v4 =	vadd.s32 v1, v4;
	_ =	sdelay $0x1  }
0x14e: {  	v3 =	vadd.s32 v1, v3;
	_ =	sdelay $0x2  }
0x14f: {  	[tilespmem:s6], [sflag:$0x2] =	stream.indirect_vreg.gather [hbm4b:s1+s3], $0x80, v4, vm0, $0xb8;
	[tilespmem:$0x10A80] =	vst v63  }
0x150: {  	_ = 	snop  }
0x151: {  	[tilespmem:s22], [sflag:$0x2] =	stream.indirect_vreg.gather [hbm4b:s1+s3], $0x80, v3, vm0, $0xb8;
	[tilespmem:$0x10A80] =	vst v63  }
0x152: {  	v3 =	vld [tilespmem:$0x1D0];
	_ =	sdelay $0x4  }
0x153: {  	v60 =	vshll.u32 v3, $0x1  }
0x154: {  	v3 =	vand.u32 $0x7, v3;
	v4 =	vand.u32 $0xFFFFFFF0, v60  }
0x155: {  	v3 =	vor.u32 v3, v4  }
0x156: {  	v4 =	vperm.xlane v3, v0;
	_ =	sdelay $0x1  }
0x157: {  	v3 =	vperm.xlane v3, v2;
	v4 =	vadd.s32 v1, v4;
	_ =	sdelay $0x1  }
0x158: {  	v3 =	vadd.s32 v1, v3;
	_ =	sdelay $0x1  }
0x159: {  	s15 =	simm.s32 $0xD200  }
0x15a: {  	[tilespmem:s15], [sflag:$0x2] =	stream.indirect_vreg.gather [hbm4b:s1+s3], $0x80, v4, vm0, $0xb8;
	[tilespmem:$0x10A80] =	vst v63  }
0x15b: {  	s16 =	simm.s32 $0xDA00  }
0x15c: {  	[tilespmem:s16], [sflag:$0x2] =	stream.indirect_vreg.gather [hbm4b:s1+s3], $0x80, v3, vm0, $0xb8;
	[tilespmem:$0x10A80] =	vst v63  }
0x15d: {  	v3 =	vld [tilespmem:$0x1E0];
	_ =	sdelay $0x4  }
0x15e: {  	v61 =	vshll.u32 v3, $0x1  }
0x15f: {  	v3 =	vand.u32 $0x7, v3;
	v4 =	vand.u32 $0xFFFFFFF0, v61  }
0x160: {  	v3 =	vor.u32 v3, v4  }
0x161: {  	v4 =	vperm.xlane v3, v0;
	_ =	sdelay $0x1  }
0x162: {  	v3 =	vperm.xlane v3, v2;
	v4 =	vadd.s32 v1, v4;
	_ =	sdelay $0x1  }
0x163: {  	v3 =	vadd.s32 v1, v3;
	_ =	sdelay $0x1  }
0x164: {  	s15 =	simm.s32 $0xE200  }
0x165: {  	[tilespmem:s15], [sflag:$0x2] =	stream.indirect_vreg.gather [hbm4b:s1+s3], $0x80, v4, vm0, $0xb8;
	[tilespmem:$0x10A80] =	vst v63  }
0x166: {  	s16 =	simm.s32 $0xEA00  }
0x167: {  	[tilespmem:s16], [sflag:$0x2] =	stream.indirect_vreg.gather [hbm4b:s1+s3], $0x80, v3, vm0, $0xb8;
	[tilespmem:$0x10A80] =	vst v63  }
0x168: {  	v3 =	vld [tilespmem:$0x1F0];
	_ =	sdelay $0x4  }
0x169: {  	v62 =	vshll.u32 v3, $0x1  }
0x16a: {  	v3 =	vand.u32 $0x7, v3;
	v4 =	vand.u32 $0xFFFFFFF0, v62  }
0x16b: {  	v3 =	vor.u32 v3, v4  }
0x16c: {  	v4 =	vperm.xlane v3, v0;
	_ =	sdelay $0x1  }
0x16d: {  	v3 =	vperm.xlane v3, v2;
	v4 =	vadd.s32 v1, v4;
	_ =	sdelay $0x1  }
0x16e: {  	v3 =	vadd.s32 v1, v3;
	_ =	sdelay $0x1  }
0x16f: {  	s15 =	simm.s32 $0xF200  }
0x170: {  	[tilespmem:s15], [sflag:$0x2] =	stream.indirect_vreg.gather [hbm4b:s1+s3], $0x80, v4, vm0, $0xb8;
	[tilespmem:$0x10A80] =	vst v63  }
0x171: {  	s16 =	simm.s32 $0xFA00  }
0x172: {  	[tilespmem:s16], [sflag:$0x2] =	stream.indirect_vreg.gather [hbm4b:s1+s3], $0x80, v3, vm0, $0xb8;
	[tilespmem:$0x10A80] =	vst v63  }
0x173: {  	_ =	swait.ge [sflag:s12], $0x8000  }
0x174: {  	[sflag:s12] =	ssyncset.done $0x0  }
0x175: {  	s16 =	simm.s32 $0x200;
	s0 =	rddreg [dreg:$0x9];
	[sflag:s12] =	ssyncadd.s32 $0xFFFF8000  }
0x176: {  	[hbm4b:s0+s3] =	stream.linear.scatter [tilespmem:s16], [sflag:$0x3], $0x8000, $0x38;
	[tilespmem:$0x10A80] =	vst v63  }
0x177: {  	_ =	swait.ge [sflag:s5], $0x8000  }
0x178: {  	[sflag:s5] =	ssyncset.done $0x0  }
0x179: {  	[sflag:s5] =	ssyncadd.s32 $0xFFFF8000  }
0x17a: {  	_ =	swait.ge [sflag:s2], $0x8000  }
0x17b: {  	[sflag:s2] =	ssyncset.done $0x0  }
0x17c: {  	s16 =	rddreg [dreg:$0xa];
	[sflag:s2] =	ssyncadd.s32 $0xFFFF8000  }
0x17d: {  	[hbm4b:s16+s3] =	stream.linear.scatter [tilespmem:s13], [sflag:$0x3], $0x8000, $0x38;
	[tilespmem:$0x10A80] =	vst v63  }
0x17e: {  	_ =	swait.ge [sflag:s5], $0x8000  }
0x17f: {  	s0 =	rddreg [dreg:$0xb];
	[sflag:s5] =	ssyncset.done $0x0  }
0x180: {  	s2 =	rddreg [dreg:$0xd];
	[sflag:s5] =	ssyncadd.s32 $0xFFFF8000  }
0x181: {  	[tilespmem:s2], [sflag:$0x3] =	stream.linear.gather [hbm4b:s0+s3], $0x8, $0x38;
	[tilespmem:$0x10A80] =	vst v63  }
0x182: {  	_ =	swait.ge [sflag:s5], $0x8  }
0x183: {  	[sflag:s5] =	ssyncset.done $0x0  }
0x184: {  	[sflag:s5] =	ssyncadd.s32 $0xFFFFFFF8  }
0x185: {  	v3 =	vld.msk [tilespmem:$0x10200], $0xff;
	_ =	sdelay $0x4  }
0x186: {  	v63 =	vshll.u32 v3, $0x1  }
0x187: {  	v3 =	vand.u32 $0x7, v3;
	v4 =	vand.u32 $0xFFFFFFF0, v63  }
0x188: {  	v3 =	vor.u32 v3, v4  }
0x189: {  	v3 =	vperm.xlane v3, v0;
	_ =	sdelay $0x1  }
0x18a: {  	v3 =	vadd.s32 v1, v3;
	_ =	sdelay $0x3  }
0x18b: {  	s2 =	simm.s32 $0x10280;
	s0 =	rddreg [dreg:$0x5]  }
0x18c: {  	[tilespmem:s2], [sflag:$0x1] =	stream.indirect_vreg.gather [hbm4b:s0+s3], $0x80, v3, vm0, $0xb8;
	[tilespmem:$0x10A80] =	vst v63  }
0x18d: {  	_ =	swait.ge [sflag:s12], $0x800  }
0x18e: {  	p0 =	sne.s32 s4, $0x1;
	[sflag:s12] =	ssyncset.done $0x0  }
.Ltmp0:
0x18f: {  	s16 =	rddreg [dreg:$0xc];
	[sflag:s12] =	ssyncadd.s32 $0xFFFFF800;
	(pc) =	sbr.rel @p0 .LBB2_1-.Ltmp0, $4  }
0x190: {  	[hbm4b:s16+s3] =	stream.linear.scatter [tilespmem:s2], [sflag:$0x3], $0x800, $0x38;
	[tilespmem:$0x10A80] =	vst v63  }
0x191: {  	_ =	swait.ge [sflag:s5], $0x800  }
0x192: {  	[sflag:s5] =	ssyncset.done $0x0  }
0x193: {  	s4 =	sadd.s32 $0xFFFFFFFF, s4;
	[sflag:s5] =	ssyncadd.s32 $0xFFFFF800  }
0x194: {  	_ =	sfence.sel $0x180000  }
0x195: {  	[bflag:$0x0] =	sbarrier.arrive $0xFFFF  }
0x196: {  	_ =	strace $0x90000050  }
0x197: {  	s0 =	stileid.u32;
	[bflag:$0x2] =	sbarrier.arrive $0xFFFF  }
0x198: {  	p0 =	sne.s32 s0, $0x0;
	s0 =	rddreg [dreg:$0x4]  }
0x199: {  	s0 =	sadd.s32 @!p0 $0x100000, s0  }
0x19a: {  	[sflag:s0] =	ssyncadd.tile.s32 @!p0 $0x1;
	_ =	shalt  }
.Lfunc_end2:
_tile_overlayer_lowered:
.L_overlay_start_2:
0x19b: {  	(tag) =	ssettag $0x2  }
0x19c: {  	s0 =	rddreg [dreg:$0x0];
	s2 =	stileid.u32  }
0x19d: {  	s1 =	rddreg [dreg:$0x1];
	p0 =	sne.s32 s2, $0x0  }
0x19e: {  	s3 =	rddreg [dreg:$0x2];
	[bflag:$0x3] =	sbarrier.arrive $0xFFFF;
	s2 =	simm.s32 @!p0 $0x1C03  }
0x19f: {  	[timem:s3], [sflag:s2] =	dma.local @!p0 [hbm:s0], s1  }
0x1a0: {  	s0 =	simm.s32 @!p0 $0x3  }
0x1a1: {  	_ =	swait.ge @!p0 [sflag:s0], s1  }
0x1a2: {  	s1 =	ssub.s32 @!p0 $0x0, s1;
	[sflag:s0] =	ssyncset.done @!p0 $0x0  }
0x1a3: {  	[sflag:s0] =	ssyncadd.s32 @!p0 s1  }
0x1a4: {  	[bflag:$0x3] =	sbarrier.arrive $0xFFFF  }
0x1a5: {  	_ =	shalt  }

</sc_bundles>
